<compile_context>
chip_gen: v7x
topology: tpu7x:2x2x1
jax: 0.10.2.dev20260603
libtpu: 0.0.44.dev20260713+nightly
codegen_flags: <defaults>
</compile_context>

<pallas_src>
import functools

import jax
import jax.numpy as jnp
from jax import lax
from jax.experimental import pallas as pl
from jax.experimental.pallas import tpu as pltpu
from jax.experimental.pallas import tpu_sc as plsc


def _asf32(x):
    return jax.lax.bitcast_convert_type(x, jnp.float32)

B, L, INTD, HD = 4096, 200, 64, 192
N = B * L
HDP = 256

NC, NS = 2, 16
NW = NC * NS
CHUNK = 64
G = 8
LANES = 16

N_TEST, N_Q, N_TAG, N_EL, N_INT = 1001, 100001, 1001, 301, 3
ST_A = 1008
ST_B = 304


WORDS = HDP // 2


def _pack_words(x):
    xb = x.astype(jnp.bfloat16)
    lo = jax.lax.bitcast_convert_type(xb[:, :WORDS], jnp.uint16).astype(jnp.int32)
    hi = jax.lax.bitcast_convert_type(xb[:, WORDS:], jnp.uint16).astype(jnp.int32)
    return lo | (hi << 16)


def _proj(E, Wk, bias, out_dtype=jnp.float32):
    n, d = E.shape
    bm = min(n, 512)
    grid = (pl.cdiv(n, bm),)
    pack = out_dtype == jnp.int32
    ncols = WORDS if pack else HDP

    def body(e_ref, w_ref, b_ref, o_ref):
        acc = (
            jnp.dot(e_ref[...], w_ref[...], preferred_element_type=jnp.float32)
            + b_ref[...]
        )
        o_ref[...] = _pack_words(acc) if pack else acc

    return pl.pallas_call(
        body,
        grid=grid,
        in_specs=[
            pl.BlockSpec((bm, d), lambda i: (i, 0)),
            pl.BlockSpec((d, HDP), lambda i: (0, 0)),
            pl.BlockSpec((1, HDP), lambda i: (0, 0)),
        ],
        out_specs=pl.BlockSpec((bm, ncols), lambda i: (i, 0)),
        out_shape=jax.ShapeDtypeStruct((n, ncols), out_dtype),
    )(E, Wk, bias)


def _pair_table(P_big, P_one, stride, n_one):

    def body(pb_ref, po_ref, o_ref):
        o_ref[...] = _pack_words(pb_ref[...] + po_ref[0])

    return pl.pallas_call(
        body,
        grid=(n_one,),
        in_specs=[
            pl.BlockSpec((stride, HDP), lambda i: (0, 0)),
            pl.BlockSpec((1, 1, HDP), lambda i: (i, 0, 0)),
        ],
        out_specs=pl.BlockSpec((stride, WORDS), lambda i: (i, 0)),
        out_shape=jax.ShapeDtypeStruct((n_one * stride, WORDS), jnp.int32),
    )(P_big, P_one.reshape(n_one, 1, HDP))


def _make_gather_sum():
    per_w = N // NW
    sup_len = G * CHUNK
    sups = per_w // sup_len
    mesh = plsc.VectorSubcoreMesh(core_axis_name="c", subcore_axis_name="s")

    @functools.partial(
        pl.kernel,
        out_type=jax.ShapeDtypeStruct((N, HD), jnp.float32),
        mesh=mesh,
        scratch_types=[
            pltpu.VMEM((G, CHUNK), jnp.int32),
            pltpu.VMEM((G, CHUNK), jnp.int32),
            pltpu.VMEM((G, CHUNK), jnp.int32),
            pltpu.VMEM((G, CHUNK), jnp.int32),
            pltpu.VMEM((G, CHUNK), jnp.int32),
            pltpu.VMEM((2, CHUNK, WORDS), jnp.int32),
            pltpu.VMEM((2, CHUNK, WORDS), jnp.int32),
            pltpu.VMEM((2, CHUNK, WORDS), jnp.int32),
            pltpu.VMEM((CHUNK, HD), jnp.float32),
            pltpu.SemaphoreType.DMA,
            pltpu.SemaphoreType.DMA,
            pltpu.SemaphoreType.DMA,
        ],
    )
    def gather_sum(tA, tB, tQ, iInt, iTest, iTag, iEl, iQ, out,
                   rInt, rTest, rTag, rEl, rQ,
                   gA, gB, gQ, ov, sg0, sg1, so):
        wid = lax.axis_index("s") * NC + lax.axis_index("c")
        base0 = wid * per_w
        sgs = (sg0, sg1)

        def issue(j, slot):
            pltpu.async_copy(tA.at[rInt.at[j]], gA.at[slot], sgs[slot])
            pltpu.async_copy(tB.at[rTag.at[j]], gB.at[slot], sgs[slot])
            pltpu.async_copy(tQ.at[rQ.at[j]], gQ.at[slot], sgs[slot])

        def wait_gather(j, slot):
            pltpu.make_async_copy(tA.at[rInt.at[j]], gA.at[slot], sgs[slot]).wait()
            pltpu.make_async_copy(tB.at[rTag.at[j]], gB.at[slot], sgs[slot]).wait()
            pltpu.make_async_copy(tQ.at[rQ.at[j]], gQ.at[slot], sgs[slot]).wait()

        def out_slice(chunk_id):
            return out.at[pl.ds(base0 + chunk_id * CHUNK, CHUNK)]

        def sup_body(s, carry):
            srow = pl.multiple_of((base0 // CHUNK) + s * G, 8)
            sl_idx = pl.ds(srow, G)
            pltpu.sync_copy(iInt.at[sl_idx], rInt)
            pltpu.sync_copy(iTest.at[sl_idx], rTest)
            pltpu.sync_copy(iTag.at[sl_idx], rTag)
            pltpu.sync_copy(iEl.at[sl_idx], rEl)
            pltpu.sync_copy(iQ.at[sl_idx], rQ)

            def comb_body(g, carry2):
                for v in range(CHUNK // LANES):
                    sl = pl.ds(v * LANES, LANES)
                    rInt[g, sl] = rInt[g, sl] * ST_A + rTest[g, sl]
                    rTag[g, sl] = rTag[g, sl] * ST_B + rEl[g, sl]
                return carry2

            lax.fori_loop(0, G, comb_body, 0, unroll=False)

            issue(0, 0)

            def pair_body(m, carry2):
                for bslot in range(2):
                    j = 2 * m + bslot
                    jg = s * G + j
                    if bslot == 0:
                        issue(j + 1, 1)
                    else:

                        @pl.when(j + 1 < G)
                        def _():
                            issue(j + 1, 0)

                    wait_gather(j, bslot)

                    @pl.when(jg >= 1)
                    def _():
                        prev = jnp.maximum(jg - 1, 0)
                        pltpu.make_async_copy(ov, out_slice(prev), so).wait()

                    @plsc.parallel_loop(0, CHUNK, unroll=4)
                    def _(c):
                        mask = jnp.int32(-65536)
                        for v in range(WORDS // LANES):
                            sl = pl.ds(v * LANES, LANES)
                            a = gA[bslot, c, sl]
                            bw = gB[bslot, c, sl]
                            q = gQ[bslot, c, sl]
                            lo = (_asf32(a << 16) + _asf32(bw << 16)
                                  + _asf32(q << 16))
                            ov[c, pl.ds(v * LANES, LANES)] = lo
                            if v < (HD - WORDS) // LANES:
                                hi = (_asf32(a & mask) + _asf32(bw & mask)
                                      + _asf32(q & mask))
                                ov[c, pl.ds(WORDS + v * LANES, LANES)] = hi
                    pltpu.async_copy(ov, out_slice(jg), so)
                return carry2

            lax.fori_loop(0, G // 2, pair_body, 0, unroll=False)
            return carry

        lax.fori_loop(0, sups, sup_body, 0, unroll=False)

        pltpu.make_async_copy(ov, out_slice(sups * G - 1), so).wait()

    return gather_sum


_gather_sum = _make_gather_sum()


def kernel(test, question, tag, correct, elapsed_question, mask, interaction,
           extra, E_int, E_test, E_q, E_tag, E_el, W, b):
    pad = ((0, 0), (0, HDP - HD))
    zero = jnp.zeros((1, HDP), jnp.float32)
    bias = jnp.pad(b.reshape(1, HD), pad)
    Wp = [jnp.pad(W[k * INTD:(k + 1) * INTD], pad) for k in range(5)]

    P_int = _proj(E_int, Wp[0], bias)
    P_test = _proj(E_test, Wp[1], zero)
    P_tag = _proj(E_tag, Wp[3], zero)
    P_el = _proj(E_el, Wp[4], zero)
    P_test_p = jnp.pad(P_test, ((0, ST_A - N_TEST), (0, 0)))
    P_el_p = jnp.pad(P_el, ((0, ST_B - N_EL), (0, 0)))
    tab_A = _pair_table(P_test_p, P_int, ST_A, N_INT)
    tab_B = _pair_table(P_el_p, P_tag, ST_B, N_TAG)
    tab_Q = _proj(E_q, Wp[2], zero, out_dtype=jnp.int32)

    i_int = interaction.reshape(N // CHUNK, CHUNK).astype(jnp.int32)
    i_test = test.reshape(N // CHUNK, CHUNK).astype(jnp.int32)
    i_q = question.reshape(N // CHUNK, CHUNK).astype(jnp.int32)
    i_tag = tag.reshape(N // CHUNK, CHUNK).astype(jnp.int32)
    i_el = elapsed_question.reshape(N // CHUNK, CHUNK).astype(jnp.int32)

    out = _gather_sum(tab_A, tab_B, tab_Q,
                      i_int, i_test, i_tag, i_el, i_q)
    return out.reshape(B, L, HD)

# --- scband reference (transcript-rebuilt; emitter-appended) ---
"""Pipeline reference for scband-base-model-48490180772052 (READ-ONLY COPY).

The authoritative reference and input builder live on the scoring server;
editing this copy changes nothing except your own understanding.
"""

import jax, jax.numpy as jnp
import numpy as np

B, L, INTD, HD = 4096, 200, 64, 192

def setup_inputs(seed: int = 0) -> dict:
    key = jax.random.key(seed)
    ks = jax.random.split(key, 16)
    inp = {
        "test": jax.random.randint(ks[0], (B, L), 0, 1001),
        "question": jax.random.randint(ks[1], (B, L), 0, 100001),
        "tag": jax.random.randint(ks[2], (B, L), 0, 1001),
        "correct": jax.random.randint(ks[3], (B, L), 0, 2),
        "elapsed_question": jax.random.randint(ks[4], (B, L), 0, 301),
        "mask": jnp.ones((B, L), dtype=jnp.float32),
        "interaction": jax.random.randint(ks[5], (B, L), 0, 3),
        "extra": jax.random.randint(ks[6], (B, L), 0, 2),
        "E_int": jax.random.normal(ks[7], (3, INTD), dtype=jnp.float32),
        "E_test": jax.random.normal(ks[8], (1001, INTD), dtype=jnp.float32),
        "E_q": jax.random.normal(ks[9], (100001, INTD), dtype=jnp.float32),
        "E_tag": jax.random.normal(ks[10], (1001, INTD), dtype=jnp.float32),
        "E_el": jax.random.normal(ks[11], (301, INTD), dtype=jnp.float32),
        "W": jax.random.normal(ks[12], (5 * INTD, HD), dtype=jnp.float32) * 0.05,
        "b": jnp.zeros((HD,), dtype=jnp.float32),
    }
    return inp

def reference(test, question, tag, correct, elapsed_question, mask, interaction, extra,
              E_int, E_test, E_q, E_tag, E_el, W, b):
    # dropout p=0.0 -> identity (faithful to eval / dropout=0 config)
    embed_interaction = jnp.take(E_int, interaction, axis=0)
    embed_test = jnp.take(E_test, test, axis=0)
    embed_question = jnp.take(E_q, question, axis=0)
    embed_tag = jnp.take(E_tag, tag, axis=0)
    embed_elapsed = jnp.take(E_el, elapsed_question, axis=0)
    embed = jnp.concatenate(
        [embed_interaction, embed_test, embed_question, embed_tag, embed_elapsed], axis=2)
    X = embed @ W + b
    return X

if __name__ == "__main__":
    import jax
    _d = setup_inputs()
    print(jax.jit(kernel)(*tuple(_d.values())))

</pallas_src>

<mosaic_0001>
#map = affine_map<(d0, d1) -> (0, 0)>
module attributes {stable_mosaic.version = 14 : i64} {
  func.func @gather_sum(%arg0: i32, %arg1: i32, %arg2: memref<3024x128xi32, #tpu.memory_space<hbm>>, %arg3: memref<304304x128xi32, #tpu.memory_space<hbm>>, %arg4: memref<100001x128xi32, #tpu.memory_space<hbm>>, %arg5: memref<12800x64xi32, #tpu.memory_space<hbm>>, %arg6: memref<12800x64xi32, #tpu.memory_space<hbm>>, %arg7: memref<12800x64xi32, #tpu.memory_space<hbm>>, %arg8: memref<12800x64xi32, #tpu.memory_space<hbm>>, %arg9: memref<12800x64xi32, #tpu.memory_space<hbm>>, %arg10: memref<819200x192xf32, #tpu.memory_space<hbm>>, %arg11: memref<8x64xi32, #tpu.memory_space<vmem>>, %arg12: memref<8x64xi32, #tpu.memory_space<vmem>>, %arg13: memref<8x64xi32, #tpu.memory_space<vmem>>, %arg14: memref<8x64xi32, #tpu.memory_space<vmem>>, %arg15: memref<8x64xi32, #tpu.memory_space<vmem>>, %arg16: memref<2x64x128xi32, #tpu.memory_space<vmem>>, %arg17: memref<2x64x128xi32, #tpu.memory_space<vmem>>, %arg18: memref<2x64x128xi32, #tpu.memory_space<vmem>>, %arg19: memref<64x192xf32, #tpu.memory_space<vmem>>, %arg20: memref<!tpu.dma_semaphore, #tpu.memory_space<semaphore_mem>>, %arg21: memref<!tpu.dma_semaphore, #tpu.memory_space<semaphore_mem>>, %arg22: memref<!tpu.dma_semaphore, #tpu.memory_space<semaphore_mem>>) attributes {dimension_semantics = [#tpu.dimension_semantics<core_parallel>, #tpu.dimension_semantics<subcore_parallel>], iteration_bounds = array<i64: 2, 16>, scalar_prefetch = 0 : i64, scratch_operands = 12 : i64, tpu.core_type = #tpu.core_type<sc_vector_subcore>, window_params = [{transform_indices = #map}, {transform_indices = #map}, {transform_indices = #map}, {transform_indices = #map}, {transform_indices = #map}, {transform_indices = #map}, {transform_indices = #map}, {transform_indices = #map}, {transform_indices = #map}]} {
    %mul3A = arith.constant 2 : i32
    %mul3A_0 = arith.muli %arg1, %mul3A : i32
    %add3A = arith.addi %mul3A_0, %arg0 : i32
    %mul3A_1 = arith.constant 25600 : i32
    %mul3A_2 = arith.muli %add3A, %mul3A_1 : i32
    %scan3A = arith.constant 0 : i32
    %scan3A_3 = arith.constant 0 : i32
    %scan3A_4 = arith.constant 50 : i32
    %scan3A_5 = arith.addi %scan3A_3, %scan3A_4 : i32
    %scan3A_6 = arith.constant 1 : i32
    scf.for %scan3A_13 = %scan3A_3 to %scan3A_5 step %scan3A_6  : i32 {
      %jit3A = arith.constant 64 : i32
      %div3A = arith.divsi %mul3A_2, %jit3A : i32
      %sign3A = arith.constant 0 : i32
      %sign3A_14 = arith.cmpi sgt, %mul3A_2, %sign3A : i32
      %sign3A_15 = arith.extui %sign3A_14 : i1 to i32
      %sign3A_16 = arith.constant 0 : i32
      %sign3A_17 = arith.cmpi slt, %mul3A_2, %sign3A_16 : i32
      %sign3A_18 = arith.extui %sign3A_17 : i1 to i32
      %sign3A_19 = arith.subi %sign3A_15, %sign3A_18 : i32
      %sign3A_20 = arith.constant 0 : i32
      %sign3A_21 = arith.cmpi sgt, %jit3A, %sign3A_20 : i32
      %sign3A_22 = arith.extui %sign3A_21 : i1 to i32
      %sign3A_23 = arith.constant 0 : i32
      %sign3A_24 = arith.cmpi slt, %jit3A, %sign3A_23 : i32
      %sign3A_25 = arith.extui %sign3A_24 : i1 to i32
      %sign3A_26 = arith.subi %sign3A_22, %sign3A_25 : i32
      %ne3A = arith.cmpi ne, %sign3A_19, %sign3A_26 : i32
      %rem3A = arith.remsi %mul3A_2, %jit3A : i32
      %ne3A_27 = arith.constant 0 : i32
      %ne3A_28 = arith.cmpi ne, %rem3A, %ne3A_27 : i32
      %and3A = arith.andi %ne3A, %ne3A_28 : i1
      %sub3A = arith.constant 1 : i32
      %sub3A_29 = arith.subi %div3A, %sub3A : i32
      %select_n3A = arith.select %and3A, %sub3A_29, %div3A : i32
      %mul3A_30 = arith.constant 8 : i32
      %mul3A_31 = arith.muli %scan3A_13, %mul3A_30 : i32
      %add3A_32 = arith.addi %select_n3A, %mul3A_31 : i32
      %multiple_of3A = tpu.assume_multiple %add3A_32, 8 : i32
      "tpu.region"() ({
        %run_scoped3A = tpu.sem_alloc : memref<!tpu.dma_semaphore, #tpu.memory_space<semaphore_mem>>
        %dma_start3A_80 = arith.constant 0 : i32
        %dma_start3A_81 = tpu.memref_slice %arg5[%multiple_of3A, %dma_start3A_80] : memref<12800x64xi32, #tpu.memory_space<hbm>> -> memref<8x64xi32, #tpu.memory_space<hbm>>
        %dma_start3A_82 = arith.constant 0 : i32
        %dma_start3A_83 = tpu.memref_slice %arg5[%multiple_of3A, %dma_start3A_82] : memref<12800x64xi32, #tpu.memory_space<hbm>> -> memref<8x64xi32, #tpu.memory_space<hbm>>
        tpu.enqueue_dma source(%dma_start3A_83 : memref<8x64xi32, #tpu.memory_space<hbm>>) target(%arg11 : memref<8x64xi32, #tpu.memory_space<vmem>>) target_semaphore(%run_scoped3A : memref<!tpu.dma_semaphore, #tpu.memory_space<semaphore_mem>>)
        %dma_wait3A_84 = arith.constant 0 : i32
        %dma_wait3A_85 = tpu.memref_slice %arg5[%multiple_of3A, %dma_wait3A_84] : memref<12800x64xi32, #tpu.memory_space<hbm>> -> memref<8x64xi32, #tpu.memory_space<hbm>>
        %dma_wait3A_86 = arith.constant 0 : i32
        %dma_wait3A_87 = tpu.memref_slice %arg5[%multiple_of3A, %dma_wait3A_86] : memref<12800x64xi32, #tpu.memory_space<hbm>> -> memref<8x64xi32, #tpu.memory_space<hbm>>
        tpu.wait_dma2 semaphore(%run_scoped3A : memref<!tpu.dma_semaphore, #tpu.memory_space<semaphore_mem>>) src(%dma_wait3A_87 : memref<8x64xi32, #tpu.memory_space<hbm>>) dst(%arg11 : memref<8x64xi32, #tpu.memory_space<vmem>>)
        tpu.yield
      }) : () -> ()
      "tpu.region"() ({
        %run_scoped3A = tpu.sem_alloc : memref<!tpu.dma_semaphore, #tpu.memory_space<semaphore_mem>>
        %dma_start3A_80 = arith.constant 0 : i32
        %dma_start3A_81 = tpu.memref_slice %arg6[%multiple_of3A, %dma_start3A_80] : memref<12800x64xi32, #tpu.memory_space<hbm>> -> memref<8x64xi32, #tpu.memory_space<hbm>>
        %dma_start3A_82 = arith.constant 0 : i32
        %dma_start3A_83 = tpu.memref_slice %arg6[%multiple_of3A, %dma_start3A_82] : memref<12800x64xi32, #tpu.memory_space<hbm>> -> memref<8x64xi32, #tpu.memory_space<hbm>>
        tpu.enqueue_dma source(%dma_start3A_83 : memref<8x64xi32, #tpu.memory_space<hbm>>) target(%arg12 : memref<8x64xi32, #tpu.memory_space<vmem>>) target_semaphore(%run_scoped3A : memref<!tpu.dma_semaphore, #tpu.memory_space<semaphore_mem>>)
        %dma_wait3A_84 = arith.constant 0 : i32
        %dma_wait3A_85 = tpu.memref_slice %arg6[%multiple_of3A, %dma_wait3A_84] : memref<12800x64xi32, #tpu.memory_space<hbm>> -> memref<8x64xi32, #tpu.memory_space<hbm>>
        %dma_wait3A_86 = arith.constant 0 : i32
        %dma_wait3A_87 = tpu.memref_slice %arg6[%multiple_of3A, %dma_wait3A_86] : memref<12800x64xi32, #tpu.memory_space<hbm>> -> memref<8x64xi32, #tpu.memory_space<hbm>>
        tpu.wait_dma2 semaphore(%run_scoped3A : memref<!tpu.dma_semaphore, #tpu.memory_space<semaphore_mem>>) src(%dma_wait3A_87 : memref<8x64xi32, #tpu.memory_space<hbm>>) dst(%arg12 : memref<8x64xi32, #tpu.memory_space<vmem>>)
        tpu.yield
      }) : () -> ()
      "tpu.region"() ({
        %run_scoped3A = tpu.sem_alloc : memref<!tpu.dma_semaphore, #tpu.memory_space<semaphore_mem>>
        %dma_start3A_80 = arith.constant 0 : i32
        %dma_start3A_81 = tpu.memref_slice %arg7[%multiple_of3A, %dma_start3A_80] : memref<12800x64xi32, #tpu.memory_space<hbm>> -> memref<8x64xi32, #tpu.memory_space<hbm>>
        %dma_start3A_82 = arith.constant 0 : i32
        %dma_start3A_83 = tpu.memref_slice %arg7[%multiple_of3A, %dma_start3A_82] : memref<12800x64xi32, #tpu.memory_space<hbm>> -> memref<8x64xi32, #tpu.memory_space<hbm>>
        tpu.enqueue_dma source(%dma_start3A_83 : memref<8x64xi32, #tpu.memory_space<hbm>>) target(%arg13 : memref<8x64xi32, #tpu.memory_space<vmem>>) target_semaphore(%run_scoped3A : memref<!tpu.dma_semaphore, #tpu.memory_space<semaphore_mem>>)
        %dma_wait3A_84 = arith.constant 0 : i32
        %dma_wait3A_85 = tpu.memref_slice %arg7[%multiple_of3A, %dma_wait3A_84] : memref<12800x64xi32, #tpu.memory_space<hbm>> -> memref<8x64xi32, #tpu.memory_space<hbm>>
        %dma_wait3A_86 = arith.constant 0 : i32
        %dma_wait3A_87 = tpu.memref_slice %arg7[%multiple_of3A, %dma_wait3A_86] : memref<12800x64xi32, #tpu.memory_space<hbm>> -> memref<8x64xi32, #tpu.memory_space<hbm>>
        tpu.wait_dma2 semaphore(%run_scoped3A : memref<!tpu.dma_semaphore, #tpu.memory_space<semaphore_mem>>) src(%dma_wait3A_87 : memref<8x64xi32, #tpu.memory_space<hbm>>) dst(%arg13 : memref<8x64xi32, #tpu.memory_space<vmem>>)
        tpu.yield
      }) : () -> ()
      "tpu.region"() ({
        %run_scoped3A = tpu.sem_alloc : memref<!tpu.dma_semaphore, #tpu.memory_space<semaphore_mem>>
        %dma_start3A_80 = arith.constant 0 : i32
        %dma_start3A_81 = tpu.memref_slice %arg8[%multiple_of3A, %dma_start3A_80] : memref<12800x64xi32, #tpu.memory_space<hbm>> -> memref<8x64xi32, #tpu.memory_space<hbm>>
        %dma_start3A_82 = arith.constant 0 : i32
        %dma_start3A_83 = tpu.memref_slice %arg8[%multiple_of3A, %dma_start3A_82] : memref<12800x64xi32, #tpu.memory_space<hbm>> -> memref<8x64xi32, #tpu.memory_space<hbm>>
        tpu.enqueue_dma source(%dma_start3A_83 : memref<8x64xi32, #tpu.memory_space<hbm>>) target(%arg14 : memref<8x64xi32, #tpu.memory_space<vmem>>) target_semaphore(%run_scoped3A : memref<!tpu.dma_semaphore, #tpu.memory_space<semaphore_mem>>)
        %dma_wait3A_84 = arith.constant 0 : i32
        %dma_wait3A_85 = tpu.memref_slice %arg8[%multiple_of3A, %dma_wait3A_84] : memref<12800x64xi32, #tpu.memory_space<hbm>> -> memref<8x64xi32, #tpu.memory_space<hbm>>
        %dma_wait3A_86 = arith.constant 0 : i32
        %dma_wait3A_87 = tpu.memref_slice %arg8[%multiple_of3A, %dma_wait3A_86] : memref<12800x64xi32, #tpu.memory_space<hbm>> -> memref<8x64xi32, #tpu.memory_space<hbm>>
        tpu.wait_dma2 semaphore(%run_scoped3A : memref<!tpu.dma_semaphore, #tpu.memory_space<semaphore_mem>>) src(%dma_wait3A_87 : memref<8x64xi32, #tpu.memory_space<hbm>>) dst(%arg14 : memref<8x64xi32, #tpu.memory_space<vmem>>)
        tpu.yield
      }) : () -> ()
      "tpu.region"() ({
        %run_scoped3A = tpu.sem_alloc : memref<!tpu.dma_semaphore, #tpu.memory_space<semaphore_mem>>
        %dma_start3A_80 = arith.constant 0 : i32
        %dma_start3A_81 = tpu.memref_slice %arg9[%multiple_of3A, %dma_start3A_80] : memref<12800x64xi32, #tpu.memory_space<hbm>> -> memref<8x64xi32, #tpu.memory_space<hbm>>
        %dma_start3A_82 = arith.constant 0 : i32
        %dma_start3A_83 = tpu.memref_slice %arg9[%multiple_of3A, %dma_start3A_82] : memref<12800x64xi32, #tpu.memory_space<hbm>> -> memref<8x64xi32, #tpu.memory_space<hbm>>
        tpu.enqueue_dma source(%dma_start3A_83 : memref<8x64xi32, #tpu.memory_space<hbm>>) target(%arg15 : memref<8x64xi32, #tpu.memory_space<vmem>>) target_semaphore(%run_scoped3A : memref<!tpu.dma_semaphore, #tpu.memory_space<semaphore_mem>>)
        %dma_wait3A_84 = arith.constant 0 : i32
        %dma_wait3A_85 = tpu.memref_slice %arg9[%multiple_of3A, %dma_wait3A_84] : memref<12800x64xi32, #tpu.memory_space<hbm>> -> memref<8x64xi32, #tpu.memory_space<hbm>>
        %dma_wait3A_86 = arith.constant 0 : i32
        %dma_wait3A_87 = tpu.memref_slice %arg9[%multiple_of3A, %dma_wait3A_86] : memref<12800x64xi32, #tpu.memory_space<hbm>> -> memref<8x64xi32, #tpu.memory_space<hbm>>
        tpu.wait_dma2 semaphore(%run_scoped3A : memref<!tpu.dma_semaphore, #tpu.memory_space<semaphore_mem>>) src(%dma_wait3A_87 : memref<8x64xi32, #tpu.memory_space<hbm>>) dst(%arg15 : memref<8x64xi32, #tpu.memory_space<vmem>>)
        tpu.yield
      }) : () -> ()
      %scan3A_33 = arith.constant 0 : i32
      %scan3A_34 = arith.constant 0 : i32
      %scan3A_35 = arith.constant 8 : i32
      %scan3A_36 = arith.addi %scan3A_34, %scan3A_35 : i32
      %scan3A_37 = arith.constant 1 : i32
      scf.for %scan3A_80 = %scan3A_34 to %scan3A_36 step %scan3A_37  : i32 {
        %get3A = arith.index_cast %scan3A_80 : i32 to index
        %get3A_81 = arith.constant 0 : index
        %get3A_82 = tpu.vector_load %arg11[%get3A, %get3A_81] {strides = array<i32>} : memref<8x64xi32, #tpu.memory_space<vmem>>, vector<1x16xi32>,
        %get3A_83 = vector.shape_cast %get3A_82 : vector<1x16xi32> to vector<16xi32>
        %mul3A_84 = arith.constant 1008 : i32
        %mul3A_85 = vector.broadcast %mul3A_84 : i32 to vector<16xi32>
        %mul3A_86 = arith.muli %get3A_83, %mul3A_85 : vector<16xi32>
        %get3A_87 = arith.index_cast %scan3A_80 : i32 to index
        %get3A_88 = arith.constant 0 : index
        %get3A_89 = tpu.vector_load %arg12[%get3A_87, %get3A_88] {strides = array<i32>} : memref<8x64xi32, #tpu.memory_space<vmem>>, vector<1x16xi32>,
        %get3A_90 = vector.shape_cast %get3A_89 : vector<1x16xi32> to vector<16xi32>
        %add3A_91 = arith.addi %mul3A_86, %get3A_90 : vector<16xi32>
        %swap3A = arith.index_cast %scan3A_80 : i32 to index
        %swap3A_92 = arith.constant 0 : index
        %swap3A_93 = tpu.vector_load %arg11[%swap3A, %swap3A_92] {strides = array<i32>} : memref<8x64xi32, #tpu.memory_space<vmem>>, vector<1x16xi32>,
        %swap3A_94 = vector.shape_cast %swap3A_93 : vector<1x16xi32> to vector<16xi32>
        %swap3A_95 = vector.shape_cast %add3A_91 : vector<16xi32> to vector<1x16xi32>
        tpu.vector_store %arg11[%swap3A, %swap3A_92], %swap3A_95 {strides = array<i32>} : memref<8x64xi32, #tpu.memory_space<vmem>>, vector<1x16xi32>,
        %get3A_96 = arith.index_cast %scan3A_80 : i32 to index
        %get3A_97 = arith.constant 0 : index
        %get3A_98 = tpu.vector_load %arg13[%get3A_96, %get3A_97] {strides = array<i32>} : memref<8x64xi32, #tpu.memory_space<vmem>>, vector<1x16xi32>,
        %get3A_99 = vector.shape_cast %get3A_98 : vector<1x16xi32> to vector<16xi32>
        %mul3A_100 = arith.constant 304 : i32
        %mul3A_101 = vector.broadcast %mul3A_100 : i32 to vector<16xi32>
        %mul3A_102 = arith.muli %get3A_99, %mul3A_101 : vector<16xi32>
        %get3A_103 = arith.index_cast %scan3A_80 : i32 to index
        %get3A_104 = arith.constant 0 : index
        %get3A_105 = tpu.vector_load %arg14[%get3A_103, %get3A_104] {strides = array<i32>} : memref<8x64xi32, #tpu.memory_space<vmem>>, vector<1x16xi32>,
        %get3A_106 = vector.shape_cast %get3A_105 : vector<1x16xi32> to vector<16xi32>
        %add3A_107 = arith.addi %mul3A_102, %get3A_106 : vector<16xi32>
        %swap3A_108 = arith.index_cast %scan3A_80 : i32 to index
        %swap3A_109 = arith.constant 0 : index
        %swap3A_110 = tpu.vector_load %arg13[%swap3A_108, %swap3A_109] {strides = array<i32>} : memref<8x64xi32, #tpu.memory_space<vmem>>, vector<1x16xi32>,
        %swap3A_111 = vector.shape_cast %swap3A_110 : vector<1x16xi32> to vector<16xi32>
        %swap3A_112 = vector.shape_cast %add3A_107 : vector<16xi32> to vector<1x16xi32>
        tpu.vector_store %arg13[%swap3A_108, %swap3A_109], %swap3A_112 {strides = array<i32>} : memref<8x64xi32, #tpu.memory_space<vmem>>, vector<1x16xi32>,
        %get3A_113 = arith.index_cast %scan3A_80 : i32 to index
        %get3A_114 = arith.constant 16 : index
        %get3A_115 = tpu.vector_load %arg11[%get3A_113, %get3A_114] {strides = array<i32>} : memref<8x64xi32, #tpu.memory_space<vmem>>, vector<1x16xi32>,
        %get3A_116 = vector.shape_cast %get3A_115 : vector<1x16xi32> to vector<16xi32>
        %mul3A_117 = arith.constant 1008 : i32
        %mul3A_118 = vector.broadcast %mul3A_117 : i32 to vector<16xi32>
        %mul3A_119 = arith.muli %get3A_116, %mul3A_118 : vector<16xi32>
        %get3A_120 = arith.index_cast %scan3A_80 : i32 to index
        %get3A_121 = arith.constant 16 : index
        %get3A_122 = tpu.vector_load %arg12[%get3A_120, %get3A_121] {strides = array<i32>} : memref<8x64xi32, #tpu.memory_space<vmem>>, vector<1x16xi32>,
        %get3A_123 = vector.shape_cast %get3A_122 : vector<1x16xi32> to vector<16xi32>
        %add3A_124 = arith.addi %mul3A_119, %get3A_123 : vector<16xi32>
        %swap3A_125 = arith.index_cast %scan3A_80 : i32 to index
        %swap3A_126 = arith.constant 16 : index
        %swap3A_127 = tpu.vector_load %arg11[%swap3A_125, %swap3A_126] {strides = array<i32>} : memref<8x64xi32, #tpu.memory_space<vmem>>, vector<1x16xi32>,
        %swap3A_128 = vector.shape_cast %swap3A_127 : vector<1x16xi32> to vector<16xi32>
        %swap3A_129 = vector.shape_cast %add3A_124 : vector<16xi32> to vector<1x16xi32>
        tpu.vector_store %arg11[%swap3A_125, %swap3A_126], %swap3A_129 {strides = array<i32>} : memref<8x64xi32, #tpu.memory_space<vmem>>, vector<1x16xi32>,
        %get3A_130 = arith.index_cast %scan3A_80 : i32 to index
        %get3A_131 = arith.constant 16 : index
        %get3A_132 = tpu.vector_load %arg13[%get3A_130, %get3A_131] {strides = array<i32>} : memref<8x64xi32, #tpu.memory_space<vmem>>, vector<1x16xi32>,
        %get3A_133 = vector.shape_cast %get3A_132 : vector<1x16xi32> to vector<16xi32>
        %mul3A_134 = arith.constant 304 : i32
        %mul3A_135 = vector.broadcast %mul3A_134 : i32 to vector<16xi32>
        %mul3A_136 = arith.muli %get3A_133, %mul3A_135 : vector<16xi32>
        %get3A_137 = arith.index_cast %scan3A_80 : i32 to index
        %get3A_138 = arith.constant 16 : index
        %get3A_139 = tpu.vector_load %arg14[%get3A_137, %get3A_138] {strides = array<i32>} : memref<8x64xi32, #tpu.memory_space<vmem>>, vector<1x16xi32>,
        %get3A_140 = vector.shape_cast %get3A_139 : vector<1x16xi32> to vector<16xi32>
        %add3A_141 = arith.addi %mul3A_136, %get3A_140 : vector<16xi32>
        %swap3A_142 = arith.index_cast %scan3A_80 : i32 to index
        %swap3A_143 = arith.constant 16 : index
        %swap3A_144 = tpu.vector_load %arg13[%swap3A_142, %swap3A_143] {strides = array<i32>} : memref<8x64xi32, #tpu.memory_space<vmem>>, vector<1x16xi32>,
        %swap3A_145 = vector.shape_cast %swap3A_144 : vector<1x16xi32> to vector<16xi32>
        %swap3A_146 = vector.shape_cast %add3A_141 : vector<16xi32> to vector<1x16xi32>
        tpu.vector_store %arg13[%swap3A_142, %swap3A_143], %swap3A_146 {strides = array<i32>} : memref<8x64xi32, #tpu.memory_space<vmem>>, vector<1x16xi32>,
        %get3A_147 = arith.index_cast %scan3A_80 : i32 to index
        %get3A_148 = arith.constant 32 : index
        %get3A_149 = tpu.vector_load %arg11[%get3A_147, %get3A_148] {strides = array<i32>} : memref<8x64xi32, #tpu.memory_space<vmem>>, vector<1x16xi32>,
        %get3A_150 = vector.shape_cast %get3A_149 : vector<1x16xi32> to vector<16xi32>
        %mul3A_151 = arith.constant 1008 : i32
        %mul3A_152 = vector.broadcast %mul3A_151 : i32 to vector<16xi32>
        %mul3A_153 = arith.muli %get3A_150, %mul3A_152 : vector<16xi32>
        %get3A_154 = arith.index_cast %scan3A_80 : i32 to index
        %get3A_155 = arith.constant 32 : index
        %get3A_156 = tpu.vector_load %arg12[%get3A_154, %get3A_155] {strides = array<i32>} : memref<8x64xi32, #tpu.memory_space<vmem>>, vector<1x16xi32>,
        %get3A_157 = vector.shape_cast %get3A_156 : vector<1x16xi32> to vector<16xi32>
        %add3A_158 = arith.addi %mul3A_153, %get3A_157 : vector<16xi32>
        %swap3A_159 = arith.index_cast %scan3A_80 : i32 to index
        %swap3A_160 = arith.constant 32 : index
        %swap3A_161 = tpu.vector_load %arg11[%swap3A_159, %swap3A_160] {strides = array<i32>} : memref<8x64xi32, #tpu.memory_space<vmem>>, vector<1x16xi32>,
        %swap3A_162 = vector.shape_cast %swap3A_161 : vector<1x16xi32> to vector<16xi32>
        %swap3A_163 = vector.shape_cast %add3A_158 : vector<16xi32> to vector<1x16xi32>
        tpu.vector_store %arg11[%swap3A_159, %swap3A_160], %swap3A_163 {strides = array<i32>} : memref<8x64xi32, #tpu.memory_space<vmem>>, vector<1x16xi32>,
        %get3A_164 = arith.index_cast %scan3A_80 : i32 to index
        %get3A_165 = arith.constant 32 : index
        %get3A_166 = tpu.vector_load %arg13[%get3A_164, %get3A_165] {strides = array<i32>} : memref<8x64xi32, #tpu.memory_space<vmem>>, vector<1x16xi32>,
        %get3A_167 = vector.shape_cast %get3A_166 : vector<1x16xi32> to vector<16xi32>
        %mul3A_168 = arith.constant 304 : i32
        %mul3A_169 = vector.broadcast %mul3A_168 : i32 to vector<16xi32>
        %mul3A_170 = arith.muli %get3A_167, %mul3A_169 : vector<16xi32>
        %get3A_171 = arith.index_cast %scan3A_80 : i32 to index
        %get3A_172 = arith.constant 32 : index
        %get3A_173 = tpu.vector_load %arg14[%get3A_171, %get3A_172] {strides = array<i32>} : memref<8x64xi32, #tpu.memory_space<vmem>>, vector<1x16xi32>,
        %get3A_174 = vector.shape_cast %get3A_173 : vector<1x16xi32> to vector<16xi32>
        %add3A_175 = arith.addi %mul3A_170, %get3A_174 : vector<16xi32>
        %swap3A_176 = arith.index_cast %scan3A_80 : i32 to index
        %swap3A_177 = arith.constant 32 : index
        %swap3A_178 = tpu.vector_load %arg13[%swap3A_176, %swap3A_177] {strides = array<i32>} : memref<8x64xi32, #tpu.memory_space<vmem>>, vector<1x16xi32>,
        %swap3A_179 = vector.shape_cast %swap3A_178 : vector<1x16xi32> to vector<16xi32>
        %swap3A_180 = vector.shape_cast %add3A_175 : vector<16xi32> to vector<1x16xi32>
        tpu.vector_store %arg13[%swap3A_176, %swap3A_177], %swap3A_180 {strides = array<i32>} : memref<8x64xi32, #tpu.memory_space<vmem>>, vector<1x16xi32>,
        %get3A_181 = arith.index_cast %scan3A_80 : i32 to index
        %get3A_182 = arith.constant 48 : index
        %get3A_183 = tpu.vector_load %arg11[%get3A_181, %get3A_182] {strides = array<i32>} : memref<8x64xi32, #tpu.memory_space<vmem>>, vector<1x16xi32>,
        %get3A_184 = vector.shape_cast %get3A_183 : vector<1x16xi32> to vector<16xi32>
        %mul3A_185 = arith.constant 1008 : i32
        %mul3A_186 = vector.broadcast %mul3A_185 : i32 to vector<16xi32>
        %mul3A_187 = arith.muli %get3A_184, %mul3A_186 : vector<16xi32>
        %get3A_188 = arith.index_cast %scan3A_80 : i32 to index
        %get3A_189 = arith.constant 48 : index
        %get3A_190 = tpu.vector_load %arg12[%get3A_188, %get3A_189] {strides = array<i32>} : memref<8x64xi32, #tpu.memory_space<vmem>>, vector<1x16xi32>,
        %get3A_191 = vector.shape_cast %get3A_190 : vector<1x16xi32> to vector<16xi32>
        %add3A_192 = arith.addi %mul3A_187, %get3A_191 : vector<16xi32>
        %swap3A_193 = arith.index_cast %scan3A_80 : i32 to index
        %swap3A_194 = arith.constant 48 : index
        %swap3A_195 = tpu.vector_load %arg11[%swap3A_193, %swap3A_194] {strides = array<i32>} : memref<8x64xi32, #tpu.memory_space<vmem>>, vector<1x16xi32>,
        %swap3A_196 = vector.shape_cast %swap3A_195 : vector<1x16xi32> to vector<16xi32>
        %swap3A_197 = vector.shape_cast %add3A_192 : vector<16xi32> to vector<1x16xi32>
        tpu.vector_store %arg11[%swap3A_193, %swap3A_194], %swap3A_197 {strides = array<i32>} : memref<8x64xi32, #tpu.memory_space<vmem>>, vector<1x16xi32>,
        %get3A_198 = arith.index_cast %scan3A_80 : i32 to index
        %get3A_199 = arith.constant 48 : index
        %get3A_200 = tpu.vector_load %arg13[%get3A_198, %get3A_199] {strides = array<i32>} : memref<8x64xi32, #tpu.memory_space<vmem>>, vector<1x16xi32>,
        %get3A_201 = vector.shape_cast %get3A_200 : vector<1x16xi32> to vector<16xi32>
        %mul3A_202 = arith.constant 304 : i32
        %mul3A_203 = vector.broadcast %mul3A_202 : i32 to vector<16xi32>
        %mul3A_204 = arith.muli %get3A_201, %mul3A_203 : vector<16xi32>
        %get3A_205 = arith.index_cast %scan3A_80 : i32 to index
        %get3A_206 = arith.constant 48 : index
        %get3A_207 = tpu.vector_load %arg14[%get3A_205, %get3A_206] {strides = array<i32>} : memref<8x64xi32, #tpu.memory_space<vmem>>, vector<1x16xi32>,
        %get3A_208 = vector.shape_cast %get3A_207 : vector<1x16xi32> to vector<16xi32>
        %add3A_209 = arith.addi %mul3A_204, %get3A_208 : vector<16xi32>
        %swap3A_210 = arith.index_cast %scan3A_80 : i32 to index
        %swap3A_211 = arith.constant 48 : index
        %swap3A_212 = tpu.vector_load %arg13[%swap3A_210, %swap3A_211] {strides = array<i32>} : memref<8x64xi32, #tpu.memory_space<vmem>>, vector<1x16xi32>,
        %swap3A_213 = vector.shape_cast %swap3A_212 : vector<1x16xi32> to vector<16xi32>
        %swap3A_214 = vector.shape_cast %add3A_209 : vector<16xi32> to vector<1x16xi32>
        tpu.vector_store %arg13[%swap3A_210, %swap3A_211], %swap3A_214 {strides = array<i32>} : memref<8x64xi32, #tpu.memory_space<vmem>>, vector<1x16xi32>,
      }
      %scan3A_38 = arith.constant 8 : i32
      %dma_start3A = arith.constant 0 : i32
      %dma_start3A_39 = arith.constant 0 : i32
      %dma_start3A_40 = arith.constant 0 : i32
      %dma_start3A_41 = arith.constant 0 : i32
      %dma_start3A_42 = tpu.memref_slice %arg16[%dma_start3A_39, %dma_start3A_40, %dma_start3A_41] : memref<2x64x128xi32, #tpu.memory_space<vmem>> -> memref<1x64x128xi32, #tpu.memory_space<vmem>>
      %dma_start3A_43 = tpu.memref_squeeze %dma_start3A_42 : memref<1x64x128xi32, #tpu.memory_space<vmem>> -> memref<64x128xi32, #tpu.memory_space<vmem>>
      %dma_start3A_44 = arith.constant 0 : i32
      %dma_start3A_45 = tpu.memref_slice %arg11[%dma_start3A, %dma_start3A_44] : memref<8x64xi32, #tpu.memory_space<vmem>> -> memref<1x64xi32, #tpu.memory_space<vmem>>
      %dma_start3A_46 = tpu.memref_squeeze %dma_start3A_45 : memref<1x64xi32, #tpu.memory_space<vmem>> -> memref<64xi32, #tpu.memory_space<vmem>>
      %dma_start3A_47 = arith.constant 0 : i32
      %dma_start3A_48 = arith.constant 0 : i32
      %dma_start3A_49 = tpu.memref_slice %arg2[%dma_start3A_47, %dma_start3A_48] : memref<3024x128xi32, #tpu.memory_space<hbm>> -> memref<3024x128xi32, #tpu.memory_space<hbm>>
      tpu.enqueue_indirect_dma source(%dma_start3A_49 : memref<3024x128xi32, #tpu.memory_space<hbm>>) target(%dma_start3A_43 : memref<64x128xi32, #tpu.memory_space<vmem>>) offsets(%dma_start3A_46 : memref<64xi32, #tpu.memory_space<vmem>>) semaphore(%arg20 : memref<!tpu.dma_semaphore, #tpu.memory_space<semaphore_mem>>)
      %dma_start3A_50 = arith.constant 0 : i32
      %dma_start3A_51 = arith.constant 0 : i32
      %dma_start3A_52 = arith.constant 0 : i32
      %dma_start3A_53 = arith.constant 0 : i32
      %dma_start3A_54 = tpu.memref_slice %arg17[%dma_start3A_51, %dma_start3A_52, %dma_start3A_53] : memref<2x64x128xi32, #tpu.memory_space<vmem>> -> memref<1x64x128xi32, #tpu.memory_space<vmem>>
      %dma_start3A_55 = tpu.memref_squeeze %dma_start3A_54 : memref<1x64x128xi32, #tpu.memory_space<vmem>> -> memref<64x128xi32, #tpu.memory_space<vmem>>
      %dma_start3A_56 = arith.constant 0 : i32
      %dma_start3A_57 = tpu.memref_slice %arg13[%dma_start3A_50, %dma_start3A_56] : memref<8x64xi32, #tpu.memory_space<vmem>> -> memref<1x64xi32, #tpu.memory_space<vmem>>
      %dma_start3A_58 = tpu.memref_squeeze %dma_start3A_57 : memref<1x64xi32, #tpu.memory_space<vmem>> -> memref<64xi32, #tpu.memory_space<vmem>>
      %dma_start3A_59 = arith.constant 0 : i32
      %dma_start3A_60 = arith.constant 0 : i32
      %dma_start3A_61 = tpu.memref_slice %arg3[%dma_start3A_59, %dma_start3A_60] : memref<304304x128xi32, #tpu.memory_space<hbm>> -> memref<304304x128xi32, #tpu.memory_space<hbm>>
      tpu.enqueue_indirect_dma source(%dma_start3A_61 : memref<304304x128xi32, #tpu.memory_space<hbm>>) target(%dma_start3A_55 : memref<64x128xi32, #tpu.memory_space<vmem>>) offsets(%dma_start3A_58 : memref<64xi32, #tpu.memory_space<vmem>>) semaphore(%arg20 : memref<!tpu.dma_semaphore, #tpu.memory_space<semaphore_mem>>)
      %dma_start3A_62 = arith.constant 0 : i32
      %dma_start3A_63 = arith.constant 0 : i32
      %dma_start3A_64 = arith.constant 0 : i32
      %dma_start3A_65 = arith.constant 0 : i32
      %dma_start3A_66 = tpu.memref_slice %arg18[%dma_start3A_63, %dma_start3A_64, %dma_start3A_65] : memref<2x64x128xi32, #tpu.memory_space<vmem>> -> memref<1x64x128xi32, #tpu.memory_space<vmem>>
      %dma_start3A_67 = tpu.memref_squeeze %dma_start3A_66 : memref<1x64x128xi32, #tpu.memory_space<vmem>> -> memref<64x128xi32, #tpu.memory_space<vmem>>
      %dma_start3A_68 = arith.constant 0 : i32
      %dma_start3A_69 = tpu.memref_slice %arg15[%dma_start3A_62, %dma_start3A_68] : memref<8x64xi32, #tpu.memory_space<vmem>> -> memref<1x64xi32, #tpu.memory_space<vmem>>
      %dma_start3A_70 = tpu.memref_squeeze %dma_start3A_69 : memref<1x64xi32, #tpu.memory_space<vmem>> -> memref<64xi32, #tpu.memory_space<vmem>>
      %dma_start3A_71 = arith.constant 0 : i32
      %dma_start3A_72 = arith.constant 0 : i32
      %dma_start3A_73 = tpu.memref_slice %arg4[%dma_start3A_71, %dma_start3A_72] : memref<100001x128xi32, #tpu.memory_space<hbm>> -> memref<100001x128xi32, #tpu.memory_space<hbm>>
      tpu.enqueue_indirect_dma source(%dma_start3A_73 : memref<100001x128xi32, #tpu.memory_space<hbm>>) target(%dma_start3A_67 : memref<64x128xi32, #tpu.memory_space<vmem>>) offsets(%dma_start3A_70 : memref<64xi32, #tpu.memory_space<vmem>>) semaphore(%arg20 : memref<!tpu.dma_semaphore, #tpu.memory_space<semaphore_mem>>)
      %scan3A_74 = arith.constant 0 : i32
      %scan3A_75 = arith.constant 0 : i32
      %scan3A_76 = arith.constant 4 : i32
      %scan3A_77 = arith.addi %scan3A_75, %scan3A_76 : i32
      %scan3A_78 = arith.constant 1 : i32
      scf.for %scan3A_80 = %scan3A_75 to %scan3A_77 step %scan3A_78  : i32 {
        %mul3A_81 = arith.constant 2 : i32
        %mul3A_82 = arith.muli %mul3A_81, %scan3A_80 : i32
        %add3A_83 = arith.constant 0 : i32
        %add3A_84 = arith.addi %mul3A_82, %add3A_83 : i32
        %mul3A_85 = arith.constant 8 : i32
        %mul3A_86 = arith.muli %scan3A_13, %mul3A_85 : i32
        %add3A_87 = arith.addi %mul3A_86, %add3A_84 : i32
        %add3A_88 = arith.constant 1 : i32
        %add3A_89 = arith.addi %add3A_84, %add3A_88 : i32
        %dma_start3A_90 = arith.constant 1 : i32
        %dma_start3A_91 = arith.constant 0 : i32
        %dma_start3A_92 = arith.constant 0 : i32
        %dma_start3A_93 = tpu.memref_slice %arg16[%dma_start3A_90, %dma_start3A_91, %dma_start3A_92] : memref<2x64x128xi32, #tpu.memory_space<vmem>> -> memref<1x64x128xi32, #tpu.memory_space<vmem>>
        %dma_start3A_94 = tpu.memref_squeeze %dma_start3A_93 : memref<1x64x128xi32, #tpu.memory_space<vmem>> -> memref<64x128xi32, #tpu.memory_space<vmem>>
        %dma_start3A_95 = arith.constant 0 : i32
        %dma_start3A_96 = tpu.memref_slice %arg11[%add3A_89, %dma_start3A_95] : memref<8x64xi32, #tpu.memory_space<vmem>> -> memref<1x64xi32, #tpu.memory_space<vmem>>
        %dma_start3A_97 = tpu.memref_squeeze %dma_start3A_96 : memref<1x64xi32, #tpu.memory_space<vmem>> -> memref<64xi32, #tpu.memory_space<vmem>>
        %dma_start3A_98 = arith.constant 0 : i32
        %dma_start3A_99 = arith.constant 0 : i32
        %dma_start3A_100 = tpu.memref_slice %arg2[%dma_start3A_98, %dma_start3A_99] : memref<3024x128xi32, #tpu.memory_space<hbm>> -> memref<3024x128xi32, #tpu.memory_space<hbm>>
        tpu.enqueue_indirect_dma source(%dma_start3A_100 : memref<3024x128xi32, #tpu.memory_space<hbm>>) target(%dma_start3A_94 : memref<64x128xi32, #tpu.memory_space<vmem>>) offsets(%dma_start3A_97 : memref<64xi32, #tpu.memory_space<vmem>>) semaphore(%arg21 : memref<!tpu.dma_semaphore, #tpu.memory_space<semaphore_mem>>)
        %dma_start3A_101 = arith.constant 1 : i32
        %dma_start3A_102 = arith.constant 0 : i32
        %dma_start3A_103 = arith.constant 0 : i32
        %dma_start3A_104 = tpu.memref_slice %arg17[%dma_start3A_101, %dma_start3A_102, %dma_start3A_103] : memref<2x64x128xi32, #tpu.memory_space<vmem>> -> memref<1x64x128xi32, #tpu.memory_space<vmem>>
        %dma_start3A_105 = tpu.memref_squeeze %dma_start3A_104 : memref<1x64x128xi32, #tpu.memory_space<vmem>> -> memref<64x128xi32, #tpu.memory_space<vmem>>
        %dma_start3A_106 = arith.constant 0 : i32
        %dma_start3A_107 = tpu.memref_slice %arg13[%add3A_89, %dma_start3A_106] : memref<8x64xi32, #tpu.memory_space<vmem>> -> memref<1x64xi32, #tpu.memory_space<vmem>>
        %dma_start3A_108 = tpu.memref_squeeze %dma_start3A_107 : memref<1x64xi32, #tpu.memory_space<vmem>> -> memref<64xi32, #tpu.memory_space<vmem>>
        %dma_start3A_109 = arith.constant 0 : i32
        %dma_start3A_110 = arith.constant 0 : i32
        %dma_start3A_111 = tpu.memref_slice %arg3[%dma_start3A_109, %dma_start3A_110] : memref<304304x128xi32, #tpu.memory_space<hbm>> -> memref<304304x128xi32, #tpu.memory_space<hbm>>
        tpu.enqueue_indirect_dma source(%dma_start3A_111 : memref<304304x128xi32, #tpu.memory_space<hbm>>) target(%dma_start3A_105 : memref<64x128xi32, #tpu.memory_space<vmem>>) offsets(%dma_start3A_108 : memref<64xi32, #tpu.memory_space<vmem>>) semaphore(%arg21 : memref<!tpu.dma_semaphore, #tpu.memory_space<semaphore_mem>>)
        %dma_start3A_112 = arith.constant 1 : i32
        %dma_start3A_113 = arith.constant 0 : i32
        %dma_start3A_114 = arith.constant 0 : i32
        %dma_start3A_115 = tpu.memref_slice %arg18[%dma_start3A_112, %dma_start3A_113, %dma_start3A_114] : memref<2x64x128xi32, #tpu.memory_space<vmem>> -> memref<1x64x128xi32, #tpu.memory_space<vmem>>
        %dma_start3A_116 = tpu.memref_squeeze %dma_start3A_115 : memref<1x64x128xi32, #tpu.memory_space<vmem>> -> memref<64x128xi32, #tpu.memory_space<vmem>>
        %dma_start3A_117 = arith.constant 0 : i32
        %dma_start3A_118 = tpu.memref_slice %arg15[%add3A_89, %dma_start3A_117] : memref<8x64xi32, #tpu.memory_space<vmem>> -> memref<1x64xi32, #tpu.memory_space<vmem>>
        %dma_start3A_119 = tpu.memref_squeeze %dma_start3A_118 : memref<1x64xi32, #tpu.memory_space<vmem>> -> memref<64xi32, #tpu.memory_space<vmem>>
        %dma_start3A_120 = arith.constant 0 : i32
        %dma_start3A_121 = arith.constant 0 : i32
        %dma_start3A_122 = tpu.memref_slice %arg4[%dma_start3A_120, %dma_start3A_121] : memref<100001x128xi32, #tpu.memory_space<hbm>> -> memref<100001x128xi32, #tpu.memory_space<hbm>>
        tpu.enqueue_indirect_dma source(%dma_start3A_122 : memref<100001x128xi32, #tpu.memory_space<hbm>>) target(%dma_start3A_116 : memref<64x128xi32, #tpu.memory_space<vmem>>) offsets(%dma_start3A_119 : memref<64xi32, #tpu.memory_space<vmem>>) semaphore(%arg21 : memref<!tpu.dma_semaphore, #tpu.memory_space<semaphore_mem>>)
        %dma_wait3A_123 = arith.constant 0 : i32
        %dma_wait3A_124 = arith.constant 0 : i32
        %dma_wait3A_125 = arith.constant 0 : i32
        %dma_wait3A_126 = tpu.memref_slice %arg16[%dma_wait3A_123, %dma_wait3A_124, %dma_wait3A_125] : memref<2x64x128xi32, #tpu.memory_space<vmem>> -> memref<1x64x128xi32, #tpu.memory_space<vmem>>
        %dma_wait3A_127 = tpu.memref_squeeze %dma_wait3A_126 : memref<1x64x128xi32, #tpu.memory_space<vmem>> -> memref<64x128xi32, #tpu.memory_space<vmem>>
        %dma_wait3A_128 = arith.constant 0 : i32
        %dma_wait3A_129 = tpu.memref_slice %arg11[%add3A_84, %dma_wait3A_128] : memref<8x64xi32, #tpu.memory_space<vmem>> -> memref<1x64xi32, #tpu.memory_space<vmem>>
        %dma_wait3A_130 = tpu.memref_squeeze %dma_wait3A_129 : memref<1x64xi32, #tpu.memory_space<vmem>> -> memref<64xi32, #tpu.memory_space<vmem>>
        %dma_wait3A_131 = arith.constant 0 : i32
        %dma_wait3A_132 = arith.constant 0 : i32
        %dma_wait3A_133 = tpu.memref_slice %arg2[%dma_wait3A_131, %dma_wait3A_132] : memref<3024x128xi32, #tpu.memory_space<hbm>> -> memref<3024x128xi32, #tpu.memory_space<hbm>>
        tpu.wait_indirect_dma semaphore(%arg20 : memref<!tpu.dma_semaphore, #tpu.memory_space<semaphore_mem>>) src(%dma_wait3A_133 : memref<3024x128xi32, #tpu.memory_space<hbm>>) dst(%dma_wait3A_127 : memref<64x128xi32, #tpu.memory_space<vmem>>)
        %dma_wait3A_134 = arith.constant 0 : i32
        %dma_wait3A_135 = arith.constant 0 : i32
        %dma_wait3A_136 = arith.constant 0 : i32
        %dma_wait3A_137 = tpu.memref_slice %arg17[%dma_wait3A_134, %dma_wait3A_135, %dma_wait3A_136] : memref<2x64x128xi32, #tpu.memory_space<vmem>> -> memref<1x64x128xi32, #tpu.memory_space<vmem>>
        %dma_wait3A_138 = tpu.memref_squeeze %dma_wait3A_137 : memref<1x64x128xi32, #tpu.memory_space<vmem>> -> memref<64x128xi32, #tpu.memory_space<vmem>>
        %dma_wait3A_139 = arith.constant 0 : i32
        %dma_wait3A_140 = tpu.memref_slice %arg13[%add3A_84, %dma_wait3A_139] : memref<8x64xi32, #tpu.memory_space<vmem>> -> memref<1x64xi32, #tpu.memory_space<vmem>>
        %dma_wait3A_141 = tpu.memref_squeeze %dma_wait3A_140 : memref<1x64xi32, #tpu.memory_space<vmem>> -> memref<64xi32, #tpu.memory_space<vmem>>
        %dma_wait3A_142 = arith.constant 0 : i32
        %dma_wait3A_143 = arith.constant 0 : i32
        %dma_wait3A_144 = tpu.memref_slice %arg3[%dma_wait3A_142, %dma_wait3A_143] : memref<304304x128xi32, #tpu.memory_space<hbm>> -> memref<304304x128xi32, #tpu.memory_space<hbm>>
        tpu.wait_indirect_dma semaphore(%arg20 : memref<!tpu.dma_semaphore, #tpu.memory_space<semaphore_mem>>) src(%dma_wait3A_144 : memref<304304x128xi32, #tpu.memory_space<hbm>>) dst(%dma_wait3A_138 : memref<64x128xi32, #tpu.memory_space<vmem>>)
        %dma_wait3A_145 = arith.constant 0 : i32
        %dma_wait3A_146 = arith.constant 0 : i32
        %dma_wait3A_147 = arith.constant 0 : i32
        %dma_wait3A_148 = tpu.memref_slice %arg18[%dma_wait3A_145, %dma_wait3A_146, %dma_wait3A_147] : memref<2x64x128xi32, #tpu.memory_space<vmem>> -> memref<1x64x128xi32, #tpu.memory_space<vmem>>
        %dma_wait3A_149 = tpu.memref_squeeze %dma_wait3A_148 : memref<1x64x128xi32, #tpu.memory_space<vmem>> -> memref<64x128xi32, #tpu.memory_space<vmem>>
        %dma_wait3A_150 = arith.constant 0 : i32
        %dma_wait3A_151 = tpu.memref_slice %arg15[%add3A_84, %dma_wait3A_150] : memref<8x64xi32, #tpu.memory_space<vmem>> -> memref<1x64xi32, #tpu.memory_space<vmem>>
        %dma_wait3A_152 = tpu.memref_squeeze %dma_wait3A_151 : memref<1x64xi32, #tpu.memory_space<vmem>> -> memref<64xi32, #tpu.memory_space<vmem>>
        %dma_wait3A_153 = arith.constant 0 : i32
        %dma_wait3A_154 = arith.constant 0 : i32
        %dma_wait3A_155 = tpu.memref_slice %arg4[%dma_wait3A_153, %dma_wait3A_154] : memref<100001x128xi32, #tpu.memory_space<hbm>> -> memref<100001x128xi32, #tpu.memory_space<hbm>>
        tpu.wait_indirect_dma semaphore(%arg20 : memref<!tpu.dma_semaphore, #tpu.memory_space<semaphore_mem>>) src(%dma_wait3A_155 : memref<100001x128xi32, #tpu.memory_space<hbm>>) dst(%dma_wait3A_149 : memref<64x128xi32, #tpu.memory_space<vmem>>)
        %ge3A = arith.constant 1 : i32
        %ge3A_156 = arith.cmpi sge, %add3A_87, %ge3A : i32
        %convert_element_type3A = arith.extui %ge3A_156 : i1 to i32
        %cond3A = arith.constant 0 : i32
        %cond3A_157 = arith.cmpi ne, %convert_element_type3A, %cond3A : i32
        scf.if %cond3A_157 {
          %sub3A_228 = arith.constant 1 : i32
          %sub3A_229 = arith.subi %add3A_87, %sub3A_228 : i32
          %max3A = arith.constant 0 : i32
          %max3A_230 = arith.maxsi %sub3A_229, %max3A : i32
          %mul3A_231 = arith.constant 64 : i32
          %mul3A_232 = arith.muli %max3A_230, %mul3A_231 : i32
          %add3A_233 = arith.addi %mul3A_2, %mul3A_232 : i32
          %dma_wait3A_234 = arith.constant 0 : i32
          %dma_wait3A_235 = tpu.memref_slice %arg10[%add3A_233, %dma_wait3A_234] : memref<819200x192xf32, #tpu.memory_space<hbm>> -> memref<64x192xf32, #tpu.memory_space<hbm>>
          %dma_wait3A_236 = arith.constant 0 : i32
          %dma_wait3A_237 = tpu.memref_slice %arg10[%add3A_233, %dma_wait3A_236] : memref<819200x192xf32, #tpu.memory_space<hbm>> -> memref<64x192xf32, #tpu.memory_space<hbm>>
          tpu.wait_dma2 semaphore(%arg22 : memref<!tpu.dma_semaphore, #tpu.memory_space<semaphore_mem>>) src(%arg19 : memref<64x192xf32, #tpu.memory_space<vmem>>) dst(%dma_wait3A_237 : memref<64x192xf32, #tpu.memory_space<hbm>>)
        } else {
        }
        %parallel_loop3A = arith.constant 0 : i32
        %parallel_loop3A_158 = arith.constant 64 : i32
        %parallel_loop3A_159 = arith.constant 1 : i32
        scf.for %parallel_loop3A_228 = %parallel_loop3A to %parallel_loop3A_158 step %parallel_loop3A_159  : i32 {
          %parallel_loop3A_229 = arith.constant 0 : i32
          %parallel_loop3A_230 = arith.index_cast %parallel_loop3A_229 : i32 to index
          %parallel_loop3A_231 = arith.index_cast %parallel_loop3A_228 : i32 to index
          %parallel_loop3A_232 = arith.constant 0 : index
          %parallel_loop3A_233 = tpu.vector_load %arg16[%parallel_loop3A_230, %parallel_loop3A_231, %parallel_loop3A_232] {strides = array<i32>} : memref<2x64x128xi32, #tpu.memory_space<vmem>>, vector<1x1x16xi32>,
          %parallel_loop3A_234 = vector.shape_cast %parallel_loop3A_233 : vector<1x1x16xi32> to vector<16xi32>
          %parallel_loop3A_235 = arith.constant 0 : i32
          %parallel_loop3A_236 = arith.index_cast %parallel_loop3A_235 : i32 to index
          %parallel_loop3A_237 = arith.index_cast %parallel_loop3A_228 : i32 to index
          %parallel_loop3A_238 = arith.constant 0 : index
          %parallel_loop3A_239 = tpu.vector_load %arg17[%parallel_loop3A_236, %parallel_loop3A_237, %parallel_loop3A_238] {strides = array<i32>} : memref<2x64x128xi32, #tpu.memory_space<vmem>>, vector<1x1x16xi32>,
          %parallel_loop3A_240 = vector.shape_cast %parallel_loop3A_239 : vector<1x1x16xi32> to vector<16xi32>
          %parallel_loop3A_241 = arith.constant 0 : i32
          %parallel_loop3A_242 = arith.index_cast %parallel_loop3A_241 : i32 to index
          %parallel_loop3A_243 = arith.index_cast %parallel_loop3A_228 : i32 to index
          %parallel_loop3A_244 = arith.constant 0 : index
          %parallel_loop3A_245 = tpu.vector_load %arg18[%parallel_loop3A_242, %parallel_loop3A_243, %parallel_loop3A_244] {strides = array<i32>} : memref<2x64x128xi32, #tpu.memory_space<vmem>>, vector<1x1x16xi32>,
          %parallel_loop3A_246 = vector.shape_cast %parallel_loop3A_245 : vector<1x1x16xi32> to vector<16xi32>
          %parallel_loop3A_247 = arith.constant 16 : i32
          %parallel_loop3A_248 = vector.broadcast %parallel_loop3A_247 : i32 to vector<16xi32>
          %parallel_loop3A_249 = arith.shli %parallel_loop3A_234, %parallel_loop3A_248 : vector<16xi32>
          %parallel_loop3A_250 = tpu.bitcast %parallel_loop3A_249 : vector<16xi32> -> vector<16xf32>
          %parallel_loop3A_251 = arith.constant 16 : i32
          %parallel_loop3A_252 = vector.broadcast %parallel_loop3A_251 : i32 to vector<16xi32>
          %parallel_loop3A_253 = arith.shli %parallel_loop3A_240, %parallel_loop3A_252 : vector<16xi32>
          %parallel_loop3A_254 = tpu.bitcast %parallel_loop3A_253 : vector<16xi32> -> vector<16xf32>
          %parallel_loop3A_255 = arith.addf %parallel_loop3A_250, %parallel_loop3A_254 : vector<16xf32>
          %parallel_loop3A_256 = arith.constant 16 : i32
          %parallel_loop3A_257 = vector.broadcast %parallel_loop3A_256 : i32 to vector<16xi32>
          %parallel_loop3A_258 = arith.shli %parallel_loop3A_246, %parallel_loop3A_257 : vector<16xi32>
          %parallel_loop3A_259 = tpu.bitcast %parallel_loop3A_258 : vector<16xi32> -> vector<16xf32>
          %parallel_loop3A_260 = arith.addf %parallel_loop3A_255, %parallel_loop3A_259 : vector<16xf32>
          %parallel_loop3A_261 = arith.index_cast %parallel_loop3A_228 : i32 to index
          %parallel_loop3A_262 = arith.constant 0 : index
          %parallel_loop3A_263 = tpu.vector_load %arg19[%parallel_loop3A_261, %parallel_loop3A_262] {strides = array<i32>} : memref<64x192xf32, #tpu.memory_space<vmem>>, vector<1x16xf32>,
          %parallel_loop3A_264 = vector.shape_cast %parallel_loop3A_263 : vector<1x16xf32> to vector<16xf32>
          %parallel_loop3A_265 = vector.shape_cast %parallel_loop3A_260 : vector<16xf32> to vector<1x16xf32>
          tpu.vector_store %arg19[%parallel_loop3A_261, %parallel_loop3A_262], %parallel_loop3A_265 {strides = array<i32>} : memref<64x192xf32, #tpu.memory_space<vmem>>, vector<1x16xf32>,
          %parallel_loop3A_266 = arith.constant -65536 : i32
          %parallel_loop3A_267 = vector.broadcast %parallel_loop3A_266 : i32 to vector<16xi32>
          %parallel_loop3A_268 = arith.andi %parallel_loop3A_234, %parallel_loop3A_267 : vector<16xi32>
          %parallel_loop3A_269 = tpu.bitcast %parallel_loop3A_268 : vector<16xi32> -> vector<16xf32>
          %parallel_loop3A_270 = arith.constant -65536 : i32
          %parallel_loop3A_271 = vector.broadcast %parallel_loop3A_270 : i32 to vector<16xi32>
          %parallel_loop3A_272 = arith.andi %parallel_loop3A_240, %parallel_loop3A_271 : vector<16xi32>
          %parallel_loop3A_273 = tpu.bitcast %parallel_loop3A_272 : vector<16xi32> -> vector<16xf32>
          %parallel_loop3A_274 = arith.addf %parallel_loop3A_269, %parallel_loop3A_273 : vector<16xf32>
          %parallel_loop3A_275 = arith.constant -65536 : i32
          %parallel_loop3A_276 = vector.broadcast %parallel_loop3A_275 : i32 to vector<16xi32>
          %parallel_loop3A_277 = arith.andi %parallel_loop3A_246, %parallel_loop3A_276 : vector<16xi32>
          %parallel_loop3A_278 = tpu.bitcast %parallel_loop3A_277 : vector<16xi32> -> vector<16xf32>
          %parallel_loop3A_279 = arith.addf %parallel_loop3A_274, %parallel_loop3A_278 : vector<16xf32>
          %parallel_loop3A_280 = arith.index_cast %parallel_loop3A_228 : i32 to index
          %parallel_loop3A_281 = arith.constant 128 : index
          %parallel_loop3A_282 = tpu.vector_load %arg19[%parallel_loop3A_280, %parallel_loop3A_281] {strides = array<i32>} : memref<64x192xf32, #tpu.memory_space<vmem>>, vector<1x16xf32>,
          %parallel_loop3A_283 = vector.shape_cast %parallel_loop3A_282 : vector<1x16xf32> to vector<16xf32>
          %parallel_loop3A_284 = vector.shape_cast %parallel_loop3A_279 : vector<16xf32> to vector<1x16xf32>
          tpu.vector_store %arg19[%parallel_loop3A_280, %parallel_loop3A_281], %parallel_loop3A_284 {strides = array<i32>} : memref<64x192xf32, #tpu.memory_space<vmem>>, vector<1x16xf32>,
          %parallel_loop3A_285 = arith.constant 0 : i32
          %parallel_loop3A_286 = arith.index_cast %parallel_loop3A_285 : i32 to index
          %parallel_loop3A_287 = arith.index_cast %parallel_loop3A_228 : i32 to index
          %parallel_loop3A_288 = arith.constant 16 : index
          %parallel_loop3A_289 = tpu.vector_load %arg16[%parallel_loop3A_286, %parallel_loop3A_287, %parallel_loop3A_288] {strides = array<i32>} : memref<2x64x128xi32, #tpu.memory_space<vmem>>, vector<1x1x16xi32>,
          %parallel_loop3A_290 = vector.shape_cast %parallel_loop3A_289 : vector<1x1x16xi32> to vector<16xi32>
          %parallel_loop3A_291 = arith.constant 0 : i32
          %parallel_loop3A_292 = arith.index_cast %parallel_loop3A_291 : i32 to index
          %parallel_loop3A_293 = arith.index_cast %parallel_loop3A_228 : i32 to index
          %parallel_loop3A_294 = arith.constant 16 : index
          %parallel_loop3A_295 = tpu.vector_load %arg17[%parallel_loop3A_292, %parallel_loop3A_293, %parallel_loop3A_294] {strides = array<i32>} : memref<2x64x128xi32, #tpu.memory_space<vmem>>, vector<1x1x16xi32>,
          %parallel_loop3A_296 = vector.shape_cast %parallel_loop3A_295 : vector<1x1x16xi32> to vector<16xi32>
          %parallel_loop3A_297 = arith.constant 0 : i32
          %parallel_loop3A_298 = arith.index_cast %parallel_loop3A_297 : i32 to index
          %parallel_loop3A_299 = arith.index_cast %parallel_loop3A_228 : i32 to index
          %parallel_loop3A_300 = arith.constant 16 : index
          %parallel_loop3A_301 = tpu.vector_load %arg18[%parallel_loop3A_298, %parallel_loop3A_299, %parallel_loop3A_300] {strides = array<i32>} : memref<2x64x128xi32, #tpu.memory_space<vmem>>, vector<1x1x16xi32>,
          %parallel_loop3A_302 = vector.shape_cast %parallel_loop3A_301 : vector<1x1x16xi32> to vector<16xi32>
          %parallel_loop3A_303 = arith.constant 16 : i32
          %parallel_loop3A_304 = vector.broadcast %parallel_loop3A_303 : i32 to vector<16xi32>
          %parallel_loop3A_305 = arith.shli %parallel_loop3A_290, %parallel_loop3A_304 : vector<16xi32>
          %parallel_loop3A_306 = tpu.bitcast %parallel_loop3A_305 : vector<16xi32> -> vector<16xf32>
          %parallel_loop3A_307 = arith.constant 16 : i32
          %parallel_loop3A_308 = vector.broadcast %parallel_loop3A_307 : i32 to vector<16xi32>
          %parallel_loop3A_309 = arith.shli %parallel_loop3A_296, %parallel_loop3A_308 : vector<16xi32>
          %parallel_loop3A_310 = tpu.bitcast %parallel_loop3A_309 : vector<16xi32> -> vector<16xf32>
          %parallel_loop3A_311 = arith.addf %parallel_loop3A_306, %parallel_loop3A_310 : vector<16xf32>
          %parallel_loop3A_312 = arith.constant 16 : i32
          %parallel_loop3A_313 = vector.broadcast %parallel_loop3A_312 : i32 to vector<16xi32>
          %parallel_loop3A_314 = arith.shli %parallel_loop3A_302, %parallel_loop3A_313 : vector<16xi32>
          %parallel_loop3A_315 = tpu.bitcast %parallel_loop3A_314 : vector<16xi32> -> vector<16xf32>
          %parallel_loop3A_316 = arith.addf %parallel_loop3A_311, %parallel_loop3A_315 : vector<16xf32>
          %parallel_loop3A_317 = arith.index_cast %parallel_loop3A_228 : i32 to index
          %parallel_loop3A_318 = arith.constant 16 : index
          %parallel_loop3A_319 = tpu.vector_load %arg19[%parallel_loop3A_317, %parallel_loop3A_318] {strides = array<i32>} : memref<64x192xf32, #tpu.memory_space<vmem>>, vector<1x16xf32>,
          %parallel_loop3A_320 = vector.shape_cast %parallel_loop3A_319 : vector<1x16xf32> to vector<16xf32>
          %parallel_loop3A_321 = vector.shape_cast %parallel_loop3A_316 : vector<16xf32> to vector<1x16xf32>
          tpu.vector_store %arg19[%parallel_loop3A_317, %parallel_loop3A_318], %parallel_loop3A_321 {strides = array<i32>} : memref<64x192xf32, #tpu.memory_space<vmem>>, vector<1x16xf32>,
          %parallel_loop3A_322 = arith.constant -65536 : i32
          %parallel_loop3A_323 = vector.broadcast %parallel_loop3A_322 : i32 to vector<16xi32>
          %parallel_loop3A_324 = arith.andi %parallel_loop3A_290, %parallel_loop3A_323 : vector<16xi32>
          %parallel_loop3A_325 = tpu.bitcast %parallel_loop3A_324 : vector<16xi32> -> vector<16xf32>
          %parallel_loop3A_326 = arith.constant -65536 : i32
          %parallel_loop3A_327 = vector.broadcast %parallel_loop3A_326 : i32 to vector<16xi32>
          %parallel_loop3A_328 = arith.andi %parallel_loop3A_296, %parallel_loop3A_327 : vector<16xi32>
          %parallel_loop3A_329 = tpu.bitcast %parallel_loop3A_328 : vector<16xi32> -> vector<16xf32>
          %parallel_loop3A_330 = arith.addf %parallel_loop3A_325, %parallel_loop3A_329 : vector<16xf32>
          %parallel_loop3A_331 = arith.constant -65536 : i32
          %parallel_loop3A_332 = vector.broadcast %parallel_loop3A_331 : i32 to vector<16xi32>
          %parallel_loop3A_333 = arith.andi %parallel_loop3A_302, %parallel_loop3A_332 : vector<16xi32>
          %parallel_loop3A_334 = tpu.bitcast %parallel_loop3A_333 : vector<16xi32> -> vector<16xf32>
          %parallel_loop3A_335 = arith.addf %parallel_loop3A_330, %parallel_loop3A_334 : vector<16xf32>
          %parallel_loop3A_336 = arith.index_cast %parallel_loop3A_228 : i32 to index
          %parallel_loop3A_337 = arith.constant 144 : index
          %parallel_loop3A_338 = tpu.vector_load %arg19[%parallel_loop3A_336, %parallel_loop3A_337] {strides = array<i32>} : memref<64x192xf32, #tpu.memory_space<vmem>>, vector<1x16xf32>,
          %parallel_loop3A_339 = vector.shape_cast %parallel_loop3A_338 : vector<1x16xf32> to vector<16xf32>
          %parallel_loop3A_340 = vector.shape_cast %parallel_loop3A_335 : vector<16xf32> to vector<1x16xf32>
          tpu.vector_store %arg19[%parallel_loop3A_336, %parallel_loop3A_337], %parallel_loop3A_340 {strides = array<i32>} : memref<64x192xf32, #tpu.memory_space<vmem>>, vector<1x16xf32>,
          %parallel_loop3A_341 = arith.constant 0 : i32
          %parallel_loop3A_342 = arith.index_cast %parallel_loop3A_341 : i32 to index
          %parallel_loop3A_343 = arith.index_cast %parallel_loop3A_228 : i32 to index
          %parallel_loop3A_344 = arith.constant 32 : index
          %parallel_loop3A_345 = tpu.vector_load %arg16[%parallel_loop3A_342, %parallel_loop3A_343, %parallel_loop3A_344] {strides = array<i32>} : memref<2x64x128xi32, #tpu.memory_space<vmem>>, vector<1x1x16xi32>,
          %parallel_loop3A_346 = vector.shape_cast %parallel_loop3A_345 : vector<1x1x16xi32> to vector<16xi32>
          %parallel_loop3A_347 = arith.constant 0 : i32
          %parallel_loop3A_348 = arith.index_cast %parallel_loop3A_347 : i32 to index
          %parallel_loop3A_349 = arith.index_cast %parallel_loop3A_228 : i32 to index
          %parallel_loop3A_350 = arith.constant 32 : index
          %parallel_loop3A_351 = tpu.vector_load %arg17[%parallel_loop3A_348, %parallel_loop3A_349, %parallel_loop3A_350] {strides = array<i32>} : memref<2x64x128xi32, #tpu.memory_space<vmem>>, vector<1x1x16xi32>,
          %parallel_loop3A_352 = vector.shape_cast %parallel_loop3A_351 : vector<1x1x16xi32> to vector<16xi32>
          %parallel_loop3A_353 = arith.constant 0 : i32
          %parallel_loop3A_354 = arith.index_cast %parallel_loop3A_353 : i32 to index
          %parallel_loop3A_355 = arith.index_cast %parallel_loop3A_228 : i32 to index
          %parallel_loop3A_356 = arith.constant 32 : index
          %parallel_loop3A_357 = tpu.vector_load %arg18[%parallel_loop3A_354, %parallel_loop3A_355, %parallel_loop3A_356] {strides = array<i32>} : memref<2x64x128xi32, #tpu.memory_space<vmem>>, vector<1x1x16xi32>,
          %parallel_loop3A_358 = vector.shape_cast %parallel_loop3A_357 : vector<1x1x16xi32> to vector<16xi32>
          %parallel_loop3A_359 = arith.constant 16 : i32
          %parallel_loop3A_360 = vector.broadcast %parallel_loop3A_359 : i32 to vector<16xi32>
          %parallel_loop3A_361 = arith.shli %parallel_loop3A_346, %parallel_loop3A_360 : vector<16xi32>
          %parallel_loop3A_362 = tpu.bitcast %parallel_loop3A_361 : vector<16xi32> -> vector<16xf32>
          %parallel_loop3A_363 = arith.constant 16 : i32
          %parallel_loop3A_364 = vector.broadcast %parallel_loop3A_363 : i32 to vector<16xi32>
          %parallel_loop3A_365 = arith.shli %parallel_loop3A_352, %parallel_loop3A_364 : vector<16xi32>
          %parallel_loop3A_366 = tpu.bitcast %parallel_loop3A_365 : vector<16xi32> -> vector<16xf32>
          %parallel_loop3A_367 = arith.addf %parallel_loop3A_362, %parallel_loop3A_366 : vector<16xf32>
          %parallel_loop3A_368 = arith.constant 16 : i32
          %parallel_loop3A_369 = vector.broadcast %parallel_loop3A_368 : i32 to vector<16xi32>
          %parallel_loop3A_370 = arith.shli %parallel_loop3A_358, %parallel_loop3A_369 : vector<16xi32>
          %parallel_loop3A_371 = tpu.bitcast %parallel_loop3A_370 : vector<16xi32> -> vector<16xf32>
          %parallel_loop3A_372 = arith.addf %parallel_loop3A_367, %parallel_loop3A_371 : vector<16xf32>
          %parallel_loop3A_373 = arith.index_cast %parallel_loop3A_228 : i32 to index
          %parallel_loop3A_374 = arith.constant 32 : index
          %parallel_loop3A_375 = tpu.vector_load %arg19[%parallel_loop3A_373, %parallel_loop3A_374] {strides = array<i32>} : memref<64x192xf32, #tpu.memory_space<vmem>>, vector<1x16xf32>,
          %parallel_loop3A_376 = vector.shape_cast %parallel_loop3A_375 : vector<1x16xf32> to vector<16xf32>
          %parallel_loop3A_377 = vector.shape_cast %parallel_loop3A_372 : vector<16xf32> to vector<1x16xf32>
          tpu.vector_store %arg19[%parallel_loop3A_373, %parallel_loop3A_374], %parallel_loop3A_377 {strides = array<i32>} : memref<64x192xf32, #tpu.memory_space<vmem>>, vector<1x16xf32>,
          %parallel_loop3A_378 = arith.constant -65536 : i32
          %parallel_loop3A_379 = vector.broadcast %parallel_loop3A_378 : i32 to vector<16xi32>
          %parallel_loop3A_380 = arith.andi %parallel_loop3A_346, %parallel_loop3A_379 : vector<16xi32>
          %parallel_loop3A_381 = tpu.bitcast %parallel_loop3A_380 : vector<16xi32> -> vector<16xf32>
          %parallel_loop3A_382 = arith.constant -65536 : i32
          %parallel_loop3A_383 = vector.broadcast %parallel_loop3A_382 : i32 to vector<16xi32>
          %parallel_loop3A_384 = arith.andi %parallel_loop3A_352, %parallel_loop3A_383 : vector<16xi32>
          %parallel_loop3A_385 = tpu.bitcast %parallel_loop3A_384 : vector<16xi32> -> vector<16xf32>
          %parallel_loop3A_386 = arith.addf %parallel_loop3A_381, %parallel_loop3A_385 : vector<16xf32>
          %parallel_loop3A_387 = arith.constant -65536 : i32
          %parallel_loop3A_388 = vector.broadcast %parallel_loop3A_387 : i32 to vector<16xi32>
          %parallel_loop3A_389 = arith.andi %parallel_loop3A_358, %parallel_loop3A_388 : vector<16xi32>
          %parallel_loop3A_390 = tpu.bitcast %parallel_loop3A_389 : vector<16xi32> -> vector<16xf32>
          %parallel_loop3A_391 = arith.addf %parallel_loop3A_386, %parallel_loop3A_390 : vector<16xf32>
          %parallel_loop3A_392 = arith.index_cast %parallel_loop3A_228 : i32 to index
          %parallel_loop3A_393 = arith.constant 160 : index
          %parallel_loop3A_394 = tpu.vector_load %arg19[%parallel_loop3A_392, %parallel_loop3A_393] {strides = array<i32>} : memref<64x192xf32, #tpu.memory_space<vmem>>, vector<1x16xf32>,
          %parallel_loop3A_395 = vector.shape_cast %parallel_loop3A_394 : vector<1x16xf32> to vector<16xf32>
          %parallel_loop3A_396 = vector.shape_cast %parallel_loop3A_391 : vector<16xf32> to vector<1x16xf32>
          tpu.vector_store %arg19[%parallel_loop3A_392, %parallel_loop3A_393], %parallel_loop3A_396 {strides = array<i32>} : memref<64x192xf32, #tpu.memory_space<vmem>>, vector<1x16xf32>,
          %parallel_loop3A_397 = arith.constant 0 : i32
          %parallel_loop3A_398 = arith.index_cast %parallel_loop3A_397 : i32 to index
          %parallel_loop3A_399 = arith.index_cast %parallel_loop3A_228 : i32 to index
          %parallel_loop3A_400 = arith.constant 48 : index
          %parallel_loop3A_401 = tpu.vector_load %arg16[%parallel_loop3A_398, %parallel_loop3A_399, %parallel_loop3A_400] {strides = array<i32>} : memref<2x64x128xi32, #tpu.memory_space<vmem>>, vector<1x1x16xi32>,
          %parallel_loop3A_402 = vector.shape_cast %parallel_loop3A_401 : vector<1x1x16xi32> to vector<16xi32>
          %parallel_loop3A_403 = arith.constant 0 : i32
          %parallel_loop3A_404 = arith.index_cast %parallel_loop3A_403 : i32 to index
          %parallel_loop3A_405 = arith.index_cast %parallel_loop3A_228 : i32 to index
          %parallel_loop3A_406 = arith.constant 48 : index
          %parallel_loop3A_407 = tpu.vector_load %arg17[%parallel_loop3A_404, %parallel_loop3A_405, %parallel_loop3A_406] {strides = array<i32>} : memref<2x64x128xi32, #tpu.memory_space<vmem>>, vector<1x1x16xi32>,
          %parallel_loop3A_408 = vector.shape_cast %parallel_loop3A_407 : vector<1x1x16xi32> to vector<16xi32>
          %parallel_loop3A_409 = arith.constant 0 : i32
          %parallel_loop3A_410 = arith.index_cast %parallel_loop3A_409 : i32 to index
          %parallel_loop3A_411 = arith.index_cast %parallel_loop3A_228 : i32 to index
          %parallel_loop3A_412 = arith.constant 48 : index
          %parallel_loop3A_413 = tpu.vector_load %arg18[%parallel_loop3A_410, %parallel_loop3A_411, %parallel_loop3A_412] {strides = array<i32>} : memref<2x64x128xi32, #tpu.memory_space<vmem>>, vector<1x1x16xi32>,
          %parallel_loop3A_414 = vector.shape_cast %parallel_loop3A_413 : vector<1x1x16xi32> to vector<16xi32>
          %parallel_loop3A_415 = arith.constant 16 : i32
          %parallel_loop3A_416 = vector.broadcast %parallel_loop3A_415 : i32 to vector<16xi32>
          %parallel_loop3A_417 = arith.shli %parallel_loop3A_402, %parallel_loop3A_416 : vector<16xi32>
          %parallel_loop3A_418 = tpu.bitcast %parallel_loop3A_417 : vector<16xi32> -> vector<16xf32>
          %parallel_loop3A_419 = arith.constant 16 : i32
          %parallel_loop3A_420 = vector.broadcast %parallel_loop3A_419 : i32 to vector<16xi32>
          %parallel_loop3A_421 = arith.shli %parallel_loop3A_408, %parallel_loop3A_420 : vector<16xi32>
          %parallel_loop3A_422 = tpu.bitcast %parallel_loop3A_421 : vector<16xi32> -> vector<16xf32>
          %parallel_loop3A_423 = arith.addf %parallel_loop3A_418, %parallel_loop3A_422 : vector<16xf32>
          %parallel_loop3A_424 = arith.constant 16 : i32
          %parallel_loop3A_425 = vector.broadcast %parallel_loop3A_424 : i32 to vector<16xi32>
          %parallel_loop3A_426 = arith.shli %parallel_loop3A_414, %parallel_loop3A_425 : vector<16xi32>
          %parallel_loop3A_427 = tpu.bitcast %parallel_loop3A_426 : vector<16xi32> -> vector<16xf32>
          %parallel_loop3A_428 = arith.addf %parallel_loop3A_423, %parallel_loop3A_427 : vector<16xf32>
          %parallel_loop3A_429 = arith.index_cast %parallel_loop3A_228 : i32 to index
          %parallel_loop3A_430 = arith.constant 48 : index
          %parallel_loop3A_431 = tpu.vector_load %arg19[%parallel_loop3A_429, %parallel_loop3A_430] {strides = array<i32>} : memref<64x192xf32, #tpu.memory_space<vmem>>, vector<1x16xf32>,
          %parallel_loop3A_432 = vector.shape_cast %parallel_loop3A_431 : vector<1x16xf32> to vector<16xf32>
          %parallel_loop3A_433 = vector.shape_cast %parallel_loop3A_428 : vector<16xf32> to vector<1x16xf32>
          tpu.vector_store %arg19[%parallel_loop3A_429, %parallel_loop3A_430], %parallel_loop3A_433 {strides = array<i32>} : memref<64x192xf32, #tpu.memory_space<vmem>>, vector<1x16xf32>,
          %parallel_loop3A_434 = arith.constant -65536 : i32
          %parallel_loop3A_435 = vector.broadcast %parallel_loop3A_434 : i32 to vector<16xi32>
          %parallel_loop3A_436 = arith.andi %parallel_loop3A_402, %parallel_loop3A_435 : vector<16xi32>
          %parallel_loop3A_437 = tpu.bitcast %parallel_loop3A_436 : vector<16xi32> -> vector<16xf32>
          %parallel_loop3A_438 = arith.constant -65536 : i32
          %parallel_loop3A_439 = vector.broadcast %parallel_loop3A_438 : i32 to vector<16xi32>
          %parallel_loop3A_440 = arith.andi %parallel_loop3A_408, %parallel_loop3A_439 : vector<16xi32>
          %parallel_loop3A_441 = tpu.bitcast %parallel_loop3A_440 : vector<16xi32> -> vector<16xf32>
          %parallel_loop3A_442 = arith.addf %parallel_loop3A_437, %parallel_loop3A_441 : vector<16xf32>
          %parallel_loop3A_443 = arith.constant -65536 : i32
          %parallel_loop3A_444 = vector.broadcast %parallel_loop3A_443 : i32 to vector<16xi32>
          %parallel_loop3A_445 = arith.andi %parallel_loop3A_414, %parallel_loop3A_444 : vector<16xi32>
          %parallel_loop3A_446 = tpu.bitcast %parallel_loop3A_445 : vector<16xi32> -> vector<16xf32>
          %parallel_loop3A_447 = arith.addf %parallel_loop3A_442, %parallel_loop3A_446 : vector<16xf32>
          %parallel_loop3A_448 = arith.index_cast %parallel_loop3A_228 : i32 to index
          %parallel_loop3A_449 = arith.constant 176 : index
          %parallel_loop3A_450 = tpu.vector_load %arg19[%parallel_loop3A_448, %parallel_loop3A_449] {strides = array<i32>} : memref<64x192xf32, #tpu.memory_space<vmem>>, vector<1x16xf32>,
          %parallel_loop3A_451 = vector.shape_cast %parallel_loop3A_450 : vector<1x16xf32> to vector<16xf32>
          %parallel_loop3A_452 = vector.shape_cast %parallel_loop3A_447 : vector<16xf32> to vector<1x16xf32>
          tpu.vector_store %arg19[%parallel_loop3A_448, %parallel_loop3A_449], %parallel_loop3A_452 {strides = array<i32>} : memref<64x192xf32, #tpu.memory_space<vmem>>, vector<1x16xf32>,
          %parallel_loop3A_453 = arith.constant 0 : i32
          %parallel_loop3A_454 = arith.index_cast %parallel_loop3A_453 : i32 to index
          %parallel_loop3A_455 = arith.index_cast %parallel_loop3A_228 : i32 to index
          %parallel_loop3A_456 = arith.constant 64 : index
          %parallel_loop3A_457 = tpu.vector_load %arg16[%parallel_loop3A_454, %parallel_loop3A_455, %parallel_loop3A_456] {strides = array<i32>} : memref<2x64x128xi32, #tpu.memory_space<vmem>>, vector<1x1x16xi32>,
          %parallel_loop3A_458 = vector.shape_cast %parallel_loop3A_457 : vector<1x1x16xi32> to vector<16xi32>
          %parallel_loop3A_459 = arith.constant 0 : i32
          %parallel_loop3A_460 = arith.index_cast %parallel_loop3A_459 : i32 to index
          %parallel_loop3A_461 = arith.index_cast %parallel_loop3A_228 : i32 to index
          %parallel_loop3A_462 = arith.constant 64 : index
          %parallel_loop3A_463 = tpu.vector_load %arg17[%parallel_loop3A_460, %parallel_loop3A_461, %parallel_loop3A_462] {strides = array<i32>} : memref<2x64x128xi32, #tpu.memory_space<vmem>>, vector<1x1x16xi32>,
          %parallel_loop3A_464 = vector.shape_cast %parallel_loop3A_463 : vector<1x1x16xi32> to vector<16xi32>
          %parallel_loop3A_465 = arith.constant 0 : i32
          %parallel_loop3A_466 = arith.index_cast %parallel_loop3A_465 : i32 to index
          %parallel_loop3A_467 = arith.index_cast %parallel_loop3A_228 : i32 to index
          %parallel_loop3A_468 = arith.constant 64 : index
          %parallel_loop3A_469 = tpu.vector_load %arg18[%parallel_loop3A_466, %parallel_loop3A_467, %parallel_loop3A_468] {strides = array<i32>} : memref<2x64x128xi32, #tpu.memory_space<vmem>>, vector<1x1x16xi32>,
          %parallel_loop3A_470 = vector.shape_cast %parallel_loop3A_469 : vector<1x1x16xi32> to vector<16xi32>
          %parallel_loop3A_471 = arith.constant 16 : i32
          %parallel_loop3A_472 = vector.broadcast %parallel_loop3A_471 : i32 to vector<16xi32>
          %parallel_loop3A_473 = arith.shli %parallel_loop3A_458, %parallel_loop3A_472 : vector<16xi32>
          %parallel_loop3A_474 = tpu.bitcast %parallel_loop3A_473 : vector<16xi32> -> vector<16xf32>
          %parallel_loop3A_475 = arith.constant 16 : i32
          %parallel_loop3A_476 = vector.broadcast %parallel_loop3A_475 : i32 to vector<16xi32>
          %parallel_loop3A_477 = arith.shli %parallel_loop3A_464, %parallel_loop3A_476 : vector<16xi32>
          %parallel_loop3A_478 = tpu.bitcast %parallel_loop3A_477 : vector<16xi32> -> vector<16xf32>
          %parallel_loop3A_479 = arith.addf %parallel_loop3A_474, %parallel_loop3A_478 : vector<16xf32>
          %parallel_loop3A_480 = arith.constant 16 : i32
          %parallel_loop3A_481 = vector.broadcast %parallel_loop3A_480 : i32 to vector<16xi32>
          %parallel_loop3A_482 = arith.shli %parallel_loop3A_470, %parallel_loop3A_481 : vector<16xi32>
          %parallel_loop3A_483 = tpu.bitcast %parallel_loop3A_482 : vector<16xi32> -> vector<16xf32>
          %parallel_loop3A_484 = arith.addf %parallel_loop3A_479, %parallel_loop3A_483 : vector<16xf32>
          %parallel_loop3A_485 = arith.index_cast %parallel_loop3A_228 : i32 to index
          %parallel_loop3A_486 = arith.constant 64 : index
          %parallel_loop3A_487 = tpu.vector_load %arg19[%parallel_loop3A_485, %parallel_loop3A_486] {strides = array<i32>} : memref<64x192xf32, #tpu.memory_space<vmem>>, vector<1x16xf32>,
          %parallel_loop3A_488 = vector.shape_cast %parallel_loop3A_487 : vector<1x16xf32> to vector<16xf32>
          %parallel_loop3A_489 = vector.shape_cast %parallel_loop3A_484 : vector<16xf32> to vector<1x16xf32>
          tpu.vector_store %arg19[%parallel_loop3A_485, %parallel_loop3A_486], %parallel_loop3A_489 {strides = array<i32>} : memref<64x192xf32, #tpu.memory_space<vmem>>, vector<1x16xf32>,
          %parallel_loop3A_490 = arith.constant 0 : i32
          %parallel_loop3A_491 = arith.index_cast %parallel_loop3A_490 : i32 to index
          %parallel_loop3A_492 = arith.index_cast %parallel_loop3A_228 : i32 to index
          %parallel_loop3A_493 = arith.constant 80 : index
          %parallel_loop3A_494 = tpu.vector_load %arg16[%parallel_loop3A_491, %parallel_loop3A_492, %parallel_loop3A_493] {strides = array<i32>} : memref<2x64x128xi32, #tpu.memory_space<vmem>>, vector<1x1x16xi32>,
          %parallel_loop3A_495 = vector.shape_cast %parallel_loop3A_494 : vector<1x1x16xi32> to vector<16xi32>
          %parallel_loop3A_496 = arith.constant 0 : i32
          %parallel_loop3A_497 = arith.index_cast %parallel_loop3A_496 : i32 to index
          %parallel_loop3A_498 = arith.index_cast %parallel_loop3A_228 : i32 to index
          %parallel_loop3A_499 = arith.constant 80 : index
          %parallel_loop3A_500 = tpu.vector_load %arg17[%parallel_loop3A_497, %parallel_loop3A_498, %parallel_loop3A_499] {strides = array<i32>} : memref<2x64x128xi32, #tpu.memory_space<vmem>>, vector<1x1x16xi32>,
          %parallel_loop3A_501 = vector.shape_cast %parallel_loop3A_500 : vector<1x1x16xi32> to vector<16xi32>
          %parallel_loop3A_502 = arith.constant 0 : i32
          %parallel_loop3A_503 = arith.index_cast %parallel_loop3A_502 : i32 to index
          %parallel_loop3A_504 = arith.index_cast %parallel_loop3A_228 : i32 to index
          %parallel_loop3A_505 = arith.constant 80 : index
          %parallel_loop3A_506 = tpu.vector_load %arg18[%parallel_loop3A_503, %parallel_loop3A_504, %parallel_loop3A_505] {strides = array<i32>} : memref<2x64x128xi32, #tpu.memory_space<vmem>>, vector<1x1x16xi32>,
          %parallel_loop3A_507 = vector.shape_cast %parallel_loop3A_506 : vector<1x1x16xi32> to vector<16xi32>
          %parallel_loop3A_508 = arith.constant 16 : i32
          %parallel_loop3A_509 = vector.broadcast %parallel_loop3A_508 : i32 to vector<16xi32>
          %parallel_loop3A_510 = arith.shli %parallel_loop3A_495, %parallel_loop3A_509 : vector<16xi32>
          %parallel_loop3A_511 = tpu.bitcast %parallel_loop3A_510 : vector<16xi32> -> vector<16xf32>
          %parallel_loop3A_512 = arith.constant 16 : i32
          %parallel_loop3A_513 = vector.broadcast %parallel_loop3A_512 : i32 to vector<16xi32>
          %parallel_loop3A_514 = arith.shli %parallel_loop3A_501, %parallel_loop3A_513 : vector<16xi32>
          %parallel_loop3A_515 = tpu.bitcast %parallel_loop3A_514 : vector<16xi32> -> vector<16xf32>
          %parallel_loop3A_516 = arith.addf %parallel_loop3A_511, %parallel_loop3A_515 : vector<16xf32>
          %parallel_loop3A_517 = arith.constant 16 : i32
          %parallel_loop3A_518 = vector.broadcast %parallel_loop3A_517 : i32 to vector<16xi32>
          %parallel_loop3A_519 = arith.shli %parallel_loop3A_507, %parallel_loop3A_518 : vector<16xi32>
          %parallel_loop3A_520 = tpu.bitcast %parallel_loop3A_519 : vector<16xi32> -> vector<16xf32>
          %parallel_loop3A_521 = arith.addf %parallel_loop3A_516, %parallel_loop3A_520 : vector<16xf32>
          %parallel_loop3A_522 = arith.index_cast %parallel_loop3A_228 : i32 to index
          %parallel_loop3A_523 = arith.constant 80 : index
          %parallel_loop3A_524 = tpu.vector_load %arg19[%parallel_loop3A_522, %parallel_loop3A_523] {strides = array<i32>} : memref<64x192xf32, #tpu.memory_space<vmem>>, vector<1x16xf32>,
          %parallel_loop3A_525 = vector.shape_cast %parallel_loop3A_524 : vector<1x16xf32> to vector<16xf32>
          %parallel_loop3A_526 = vector.shape_cast %parallel_loop3A_521 : vector<16xf32> to vector<1x16xf32>
          tpu.vector_store %arg19[%parallel_loop3A_522, %parallel_loop3A_523], %parallel_loop3A_526 {strides = array<i32>} : memref<64x192xf32, #tpu.memory_space<vmem>>, vector<1x16xf32>,
          %parallel_loop3A_527 = arith.constant 0 : i32
          %parallel_loop3A_528 = arith.index_cast %parallel_loop3A_527 : i32 to index
          %parallel_loop3A_529 = arith.index_cast %parallel_loop3A_228 : i32 to index
          %parallel_loop3A_530 = arith.constant 96 : index
          %parallel_loop3A_531 = tpu.vector_load %arg16[%parallel_loop3A_528, %parallel_loop3A_529, %parallel_loop3A_530] {strides = array<i32>} : memref<2x64x128xi32, #tpu.memory_space<vmem>>, vector<1x1x16xi32>,
          %parallel_loop3A_532 = vector.shape_cast %parallel_loop3A_531 : vector<1x1x16xi32> to vector<16xi32>
          %parallel_loop3A_533 = arith.constant 0 : i32
          %parallel_loop3A_534 = arith.index_cast %parallel_loop3A_533 : i32 to index
          %parallel_loop3A_535 = arith.index_cast %parallel_loop3A_228 : i32 to index
          %parallel_loop3A_536 = arith.constant 96 : index
          %parallel_loop3A_537 = tpu.vector_load %arg17[%parallel_loop3A_534, %parallel_loop3A_535, %parallel_loop3A_536] {strides = array<i32>} : memref<2x64x128xi32, #tpu.memory_space<vmem>>, vector<1x1x16xi32>,
          %parallel_loop3A_538 = vector.shape_cast %parallel_loop3A_537 : vector<1x1x16xi32> to vector<16xi32>
          %parallel_loop3A_539 = arith.constant 0 : i32
          %parallel_loop3A_540 = arith.index_cast %parallel_loop3A_539 : i32 to index
          %parallel_loop3A_541 = arith.index_cast %parallel_loop3A_228 : i32 to index
          %parallel_loop3A_542 = arith.constant 96 : index
          %parallel_loop3A_543 = tpu.vector_load %arg18[%parallel_loop3A_540, %parallel_loop3A_541, %parallel_loop3A_542] {strides = array<i32>} : memref<2x64x128xi32, #tpu.memory_space<vmem>>, vector<1x1x16xi32>,
          %parallel_loop3A_544 = vector.shape_cast %parallel_loop3A_543 : vector<1x1x16xi32> to vector<16xi32>
          %parallel_loop3A_545 = arith.constant 16 : i32
          %parallel_loop3A_546 = vector.broadcast %parallel_loop3A_545 : i32 to vector<16xi32>
          %parallel_loop3A_547 = arith.shli %parallel_loop3A_532, %parallel_loop3A_546 : vector<16xi32>
          %parallel_loop3A_548 = tpu.bitcast %parallel_loop3A_547 : vector<16xi32> -> vector<16xf32>
          %parallel_loop3A_549 = arith.constant 16 : i32
          %parallel_loop3A_550 = vector.broadcast %parallel_loop3A_549 : i32 to vector<16xi32>
          %parallel_loop3A_551 = arith.shli %parallel_loop3A_538, %parallel_loop3A_550 : vector<16xi32>
          %parallel_loop3A_552 = tpu.bitcast %parallel_loop3A_551 : vector<16xi32> -> vector<16xf32>
          %parallel_loop3A_553 = arith.addf %parallel_loop3A_548, %parallel_loop3A_552 : vector<16xf32>
          %parallel_loop3A_554 = arith.constant 16 : i32
          %parallel_loop3A_555 = vector.broadcast %parallel_loop3A_554 : i32 to vector<16xi32>
          %parallel_loop3A_556 = arith.shli %parallel_loop3A_544, %parallel_loop3A_555 : vector<16xi32>
          %parallel_loop3A_557 = tpu.bitcast %parallel_loop3A_556 : vector<16xi32> -> vector<16xf32>
          %parallel_loop3A_558 = arith.addf %parallel_loop3A_553, %parallel_loop3A_557 : vector<16xf32>
          %parallel_loop3A_559 = arith.index_cast %parallel_loop3A_228 : i32 to index
          %parallel_loop3A_560 = arith.constant 96 : index
          %parallel_loop3A_561 = tpu.vector_load %arg19[%parallel_loop3A_559, %parallel_loop3A_560] {strides = array<i32>} : memref<64x192xf32, #tpu.memory_space<vmem>>, vector<1x16xf32>,
          %parallel_loop3A_562 = vector.shape_cast %parallel_loop3A_561 : vector<1x16xf32> to vector<16xf32>
          %parallel_loop3A_563 = vector.shape_cast %parallel_loop3A_558 : vector<16xf32> to vector<1x16xf32>
          tpu.vector_store %arg19[%parallel_loop3A_559, %parallel_loop3A_560], %parallel_loop3A_563 {strides = array<i32>} : memref<64x192xf32, #tpu.memory_space<vmem>>, vector<1x16xf32>,
          %parallel_loop3A_564 = arith.constant 0 : i32
          %parallel_loop3A_565 = arith.index_cast %parallel_loop3A_564 : i32 to index
          %parallel_loop3A_566 = arith.index_cast %parallel_loop3A_228 : i32 to index
          %parallel_loop3A_567 = arith.constant 112 : index
          %parallel_loop3A_568 = tpu.vector_load %arg16[%parallel_loop3A_565, %parallel_loop3A_566, %parallel_loop3A_567] {strides = array<i32>} : memref<2x64x128xi32, #tpu.memory_space<vmem>>, vector<1x1x16xi32>,
          %parallel_loop3A_569 = vector.shape_cast %parallel_loop3A_568 : vector<1x1x16xi32> to vector<16xi32>
          %parallel_loop3A_570 = arith.constant 0 : i32
          %parallel_loop3A_571 = arith.index_cast %parallel_loop3A_570 : i32 to index
          %parallel_loop3A_572 = arith.index_cast %parallel_loop3A_228 : i32 to index
          %parallel_loop3A_573 = arith.constant 112 : index
          %parallel_loop3A_574 = tpu.vector_load %arg17[%parallel_loop3A_571, %parallel_loop3A_572, %parallel_loop3A_573] {strides = array<i32>} : memref<2x64x128xi32, #tpu.memory_space<vmem>>, vector<1x1x16xi32>,
          %parallel_loop3A_575 = vector.shape_cast %parallel_loop3A_574 : vector<1x1x16xi32> to vector<16xi32>
          %parallel_loop3A_576 = arith.constant 0 : i32
          %parallel_loop3A_577 = arith.index_cast %parallel_loop3A_576 : i32 to index
          %parallel_loop3A_578 = arith.index_cast %parallel_loop3A_228 : i32 to index
          %parallel_loop3A_579 = arith.constant 112 : index
          %parallel_loop3A_580 = tpu.vector_load %arg18[%parallel_loop3A_577, %parallel_loop3A_578, %parallel_loop3A_579] {strides = array<i32>} : memref<2x64x128xi32, #tpu.memory_space<vmem>>, vector<1x1x16xi32>,
          %parallel_loop3A_581 = vector.shape_cast %parallel_loop3A_580 : vector<1x1x16xi32> to vector<16xi32>
          %parallel_loop3A_582 = arith.constant 16 : i32
          %parallel_loop3A_583 = vector.broadcast %parallel_loop3A_582 : i32 to vector<16xi32>
          %parallel_loop3A_584 = arith.shli %parallel_loop3A_569, %parallel_loop3A_583 : vector<16xi32>
          %parallel_loop3A_585 = tpu.bitcast %parallel_loop3A_584 : vector<16xi32> -> vector<16xf32>
          %parallel_loop3A_586 = arith.constant 16 : i32
          %parallel_loop3A_587 = vector.broadcast %parallel_loop3A_586 : i32 to vector<16xi32>
          %parallel_loop3A_588 = arith.shli %parallel_loop3A_575, %parallel_loop3A_587 : vector<16xi32>
          %parallel_loop3A_589 = tpu.bitcast %parallel_loop3A_588 : vector<16xi32> -> vector<16xf32>
          %parallel_loop3A_590 = arith.addf %parallel_loop3A_585, %parallel_loop3A_589 : vector<16xf32>
          %parallel_loop3A_591 = arith.constant 16 : i32
          %parallel_loop3A_592 = vector.broadcast %parallel_loop3A_591 : i32 to vector<16xi32>
          %parallel_loop3A_593 = arith.shli %parallel_loop3A_581, %parallel_loop3A_592 : vector<16xi32>
          %parallel_loop3A_594 = tpu.bitcast %parallel_loop3A_593 : vector<16xi32> -> vector<16xf32>
          %parallel_loop3A_595 = arith.addf %parallel_loop3A_590, %parallel_loop3A_594 : vector<16xf32>
          %parallel_loop3A_596 = arith.index_cast %parallel_loop3A_228 : i32 to index
          %parallel_loop3A_597 = arith.constant 112 : index
          %parallel_loop3A_598 = tpu.vector_load %arg19[%parallel_loop3A_596, %parallel_loop3A_597] {strides = array<i32>} : memref<64x192xf32, #tpu.memory_space<vmem>>, vector<1x16xf32>,
          %parallel_loop3A_599 = vector.shape_cast %parallel_loop3A_598 : vector<1x16xf32> to vector<16xf32>
          %parallel_loop3A_600 = vector.shape_cast %parallel_loop3A_595 : vector<16xf32> to vector<1x16xf32>
          tpu.vector_store %arg19[%parallel_loop3A_596, %parallel_loop3A_597], %parallel_loop3A_600 {strides = array<i32>} : memref<64x192xf32, #tpu.memory_space<vmem>>, vector<1x16xf32>,
        } {sc.loop_unroll_factor = 4 : i64, sc.parallel_access}
        %mul3A_160 = arith.constant 64 : i32
        %mul3A_161 = arith.muli %add3A_87, %mul3A_160 : i32
        %add3A_162 = arith.addi %mul3A_2, %mul3A_161 : i32
        %dma_start3A_163 = arith.constant 0 : i32
        %dma_start3A_164 = tpu.memref_slice %arg10[%add3A_162, %dma_start3A_163] : memref<819200x192xf32, #tpu.memory_space<hbm>> -> memref<64x192xf32, #tpu.memory_space<hbm>>
        %dma_start3A_165 = arith.constant 0 : i32
        %dma_start3A_166 = tpu.memref_slice %arg10[%add3A_162, %dma_start3A_165] : memref<819200x192xf32, #tpu.memory_space<hbm>> -> memref<64x192xf32, #tpu.memory_space<hbm>>
        tpu.enqueue_dma source(%arg19 : memref<64x192xf32, #tpu.memory_space<vmem>>) target(%dma_start3A_166 : memref<64x192xf32, #tpu.memory_space<hbm>>) target_semaphore(%arg22 : memref<!tpu.dma_semaphore, #tpu.memory_space<semaphore_mem>>)
        %mul3A_167 = arith.constant 2 : i32
        %mul3A_168 = arith.muli %mul3A_167, %scan3A_80 : i32
        %add3A_169 = arith.constant 1 : i32
        %add3A_170 = arith.addi %mul3A_168, %add3A_169 : i32
        %mul3A_171 = arith.constant 8 : i32
        %mul3A_172 = arith.muli %scan3A_13, %mul3A_171 : i32
        %add3A_173 = arith.addi %mul3A_172, %add3A_170 : i32
        %add3A_174 = arith.constant 1 : i32
        %add3A_175 = arith.addi %add3A_170, %add3A_174 : i32
        %lt3A = arith.constant 8 : i32
        %lt3A_176 = arith.cmpi slt, %add3A_175, %lt3A : i32
        %convert_element_type3A_177 = arith.extui %lt3A_176 : i1 to i32
        %cond3A_178 = arith.constant 0 : i32
        %cond3A_179 = arith.cmpi ne, %convert_element_type3A_177, %cond3A_178 : i32
        scf.if %cond3A_179 {
          %add3A_228 = arith.constant 1 : i32
          %add3A_229 = arith.addi %add3A_170, %add3A_228 : i32
          %dma_start3A_230 = arith.constant 0 : i32
          %dma_start3A_231 = arith.constant 0 : i32
          %dma_start3A_232 = arith.constant 0 : i32
          %dma_start3A_233 = tpu.memref_slice %arg16[%dma_start3A_230, %dma_start3A_231, %dma_start3A_232] : memref<2x64x128xi32, #tpu.memory_space<vmem>> -> memref<1x64x128xi32, #tpu.memory_space<vmem>>
          %dma_start3A_234 = tpu.memref_squeeze %dma_start3A_233 : memref<1x64x128xi32, #tpu.memory_space<vmem>> -> memref<64x128xi32, #tpu.memory_space<vmem>>
          %dma_start3A_235 = arith.constant 0 : i32
          %dma_start3A_236 = tpu.memref_slice %arg11[%add3A_229, %dma_start3A_235] : memref<8x64xi32, #tpu.memory_space<vmem>> -> memref<1x64xi32, #tpu.memory_space<vmem>>
          %dma_start3A_237 = tpu.memref_squeeze %dma_start3A_236 : memref<1x64xi32, #tpu.memory_space<vmem>> -> memref<64xi32, #tpu.memory_space<vmem>>
          %dma_start3A_238 = arith.constant 0 : i32
          %dma_start3A_239 = arith.constant 0 : i32
          %dma_start3A_240 = tpu.memref_slice %arg2[%dma_start3A_238, %dma_start3A_239] : memref<3024x128xi32, #tpu.memory_space<hbm>> -> memref<3024x128xi32, #tpu.memory_space<hbm>>
          tpu.enqueue_indirect_dma source(%dma_start3A_240 : memref<3024x128xi32, #tpu.memory_space<hbm>>) target(%dma_start3A_234 : memref<64x128xi32, #tpu.memory_space<vmem>>) offsets(%dma_start3A_237 : memref<64xi32, #tpu.memory_space<vmem>>) semaphore(%arg20 : memref<!tpu.dma_semaphore, #tpu.memory_space<semaphore_mem>>)
          %dma_start3A_241 = arith.constant 0 : i32
          %dma_start3A_242 = arith.constant 0 : i32
          %dma_start3A_243 = arith.constant 0 : i32
          %dma_start3A_244 = tpu.memref_slice %arg17[%dma_start3A_241, %dma_start3A_242, %dma_start3A_243] : memref<2x64x128xi32, #tpu.memory_space<vmem>> -> memref<1x64x128xi32, #tpu.memory_space<vmem>>
          %dma_start3A_245 = tpu.memref_squeeze %dma_start3A_244 : memref<1x64x128xi32, #tpu.memory_space<vmem>> -> memref<64x128xi32, #tpu.memory_space<vmem>>
          %dma_start3A_246 = arith.constant 0 : i32
          %dma_start3A_247 = tpu.memref_slice %arg13[%add3A_229, %dma_start3A_246] : memref<8x64xi32, #tpu.memory_space<vmem>> -> memref<1x64xi32, #tpu.memory_space<vmem>>
          %dma_start3A_248 = tpu.memref_squeeze %dma_start3A_247 : memref<1x64xi32, #tpu.memory_space<vmem>> -> memref<64xi32, #tpu.memory_space<vmem>>
          %dma_start3A_249 = arith.constant 0 : i32
          %dma_start3A_250 = arith.constant 0 : i32
          %dma_start3A_251 = tpu.memref_slice %arg3[%dma_start3A_249, %dma_start3A_250] : memref<304304x128xi32, #tpu.memory_space<hbm>> -> memref<304304x128xi32, #tpu.memory_space<hbm>>
          tpu.enqueue_indirect_dma source(%dma_start3A_251 : memref<304304x128xi32, #tpu.memory_space<hbm>>) target(%dma_start3A_245 : memref<64x128xi32, #tpu.memory_space<vmem>>) offsets(%dma_start3A_248 : memref<64xi32, #tpu.memory_space<vmem>>) semaphore(%arg20 : memref<!tpu.dma_semaphore, #tpu.memory_space<semaphore_mem>>)
          %dma_start3A_252 = arith.constant 0 : i32
          %dma_start3A_253 = arith.constant 0 : i32
          %dma_start3A_254 = arith.constant 0 : i32
          %dma_start3A_255 = tpu.memref_slice %arg18[%dma_start3A_252, %dma_start3A_253, %dma_start3A_254] : memref<2x64x128xi32, #tpu.memory_space<vmem>> -> memref<1x64x128xi32, #tpu.memory_space<vmem>>
          %dma_start3A_256 = tpu.memref_squeeze %dma_start3A_255 : memref<1x64x128xi32, #tpu.memory_space<vmem>> -> memref<64x128xi32, #tpu.memory_space<vmem>>
          %dma_start3A_257 = arith.constant 0 : i32
          %dma_start3A_258 = tpu.memref_slice %arg15[%add3A_229, %dma_start3A_257] : memref<8x64xi32, #tpu.memory_space<vmem>> -> memref<1x64xi32, #tpu.memory_space<vmem>>
          %dma_start3A_259 = tpu.memref_squeeze %dma_start3A_258 : memref<1x64xi32, #tpu.memory_space<vmem>> -> memref<64xi32, #tpu.memory_space<vmem>>
          %dma_start3A_260 = arith.constant 0 : i32
          %dma_start3A_261 = arith.constant 0 : i32
          %dma_start3A_262 = tpu.memref_slice %arg4[%dma_start3A_260, %dma_start3A_261] : memref<100001x128xi32, #tpu.memory_space<hbm>> -> memref<100001x128xi32, #tpu.memory_space<hbm>>
          tpu.enqueue_indirect_dma source(%dma_start3A_262 : memref<100001x128xi32, #tpu.memory_space<hbm>>) target(%dma_start3A_256 : memref<64x128xi32, #tpu.memory_space<vmem>>) offsets(%dma_start3A_259 : memref<64xi32, #tpu.memory_space<vmem>>) semaphore(%arg20 : memref<!tpu.dma_semaphore, #tpu.memory_space<semaphore_mem>>)
        } else {
        }
        %dma_wait3A_180 = arith.constant 1 : i32
        %dma_wait3A_181 = arith.constant 0 : i32
        %dma_wait3A_182 = arith.constant 0 : i32
        %dma_wait3A_183 = tpu.memref_slice %arg16[%dma_wait3A_180, %dma_wait3A_181, %dma_wait3A_182] : memref<2x64x128xi32, #tpu.memory_space<vmem>> -> memref<1x64x128xi32, #tpu.memory_space<vmem>>
        %dma_wait3A_184 = tpu.memref_squeeze %dma_wait3A_183 : memref<1x64x128xi32, #tpu.memory_space<vmem>> -> memref<64x128xi32, #tpu.memory_space<vmem>>
        %dma_wait3A_185 = arith.constant 0 : i32
        %dma_wait3A_186 = tpu.memref_slice %arg11[%add3A_170, %dma_wait3A_185] : memref<8x64xi32, #tpu.memory_space<vmem>> -> memref<1x64xi32, #tpu.memory_space<vmem>>
        %dma_wait3A_187 = tpu.memref_squeeze %dma_wait3A_186 : memref<1x64xi32, #tpu.memory_space<vmem>> -> memref<64xi32, #tpu.memory_space<vmem>>
        %dma_wait3A_188 = arith.constant 0 : i32
        %dma_wait3A_189 = arith.constant 0 : i32
        %dma_wait3A_190 = tpu.memref_slice %arg2[%dma_wait3A_188, %dma_wait3A_189] : memref<3024x128xi32, #tpu.memory_space<hbm>> -> memref<3024x128xi32, #tpu.memory_space<hbm>>
        tpu.wait_indirect_dma semaphore(%arg21 : memref<!tpu.dma_semaphore, #tpu.memory_space<semaphore_mem>>) src(%dma_wait3A_190 : memref<3024x128xi32, #tpu.memory_space<hbm>>) dst(%dma_wait3A_184 : memref<64x128xi32, #tpu.memory_space<vmem>>)
        %dma_wait3A_191 = arith.constant 1 : i32
        %dma_wait3A_192 = arith.constant 0 : i32
        %dma_wait3A_193 = arith.constant 0 : i32
        %dma_wait3A_194 = tpu.memref_slice %arg17[%dma_wait3A_191, %dma_wait3A_192, %dma_wait3A_193] : memref<2x64x128xi32, #tpu.memory_space<vmem>> -> memref<1x64x128xi32, #tpu.memory_space<vmem>>
        %dma_wait3A_195 = tpu.memref_squeeze %dma_wait3A_194 : memref<1x64x128xi32, #tpu.memory_space<vmem>> -> memref<64x128xi32, #tpu.memory_space<vmem>>
        %dma_wait3A_196 = arith.constant 0 : i32
        %dma_wait3A_197 = tpu.memref_slice %arg13[%add3A_170, %dma_wait3A_196] : memref<8x64xi32, #tpu.memory_space<vmem>> -> memref<1x64xi32, #tpu.memory_space<vmem>>
        %dma_wait3A_198 = tpu.memref_squeeze %dma_wait3A_197 : memref<1x64xi32, #tpu.memory_space<vmem>> -> memref<64xi32, #tpu.memory_space<vmem>>
        %dma_wait3A_199 = arith.constant 0 : i32
        %dma_wait3A_200 = arith.constant 0 : i32
        %dma_wait3A_201 = tpu.memref_slice %arg3[%dma_wait3A_199, %dma_wait3A_200] : memref<304304x128xi32, #tpu.memory_space<hbm>> -> memref<304304x128xi32, #tpu.memory_space<hbm>>
        tpu.wait_indirect_dma semaphore(%arg21 : memref<!tpu.dma_semaphore, #tpu.memory_space<semaphore_mem>>) src(%dma_wait3A_201 : memref<304304x128xi32, #tpu.memory_space<hbm>>) dst(%dma_wait3A_195 : memref<64x128xi32, #tpu.memory_space<vmem>>)
        %dma_wait3A_202 = arith.constant 1 : i32
        %dma_wait3A_203 = arith.constant 0 : i32
        %dma_wait3A_204 = arith.constant 0 : i32
        %dma_wait3A_205 = tpu.memref_slice %arg18[%dma_wait3A_202, %dma_wait3A_203, %dma_wait3A_204] : memref<2x64x128xi32, #tpu.memory_space<vmem>> -> memref<1x64x128xi32, #tpu.memory_space<vmem>>
        %dma_wait3A_206 = tpu.memref_squeeze %dma_wait3A_205 : memref<1x64x128xi32, #tpu.memory_space<vmem>> -> memref<64x128xi32, #tpu.memory_space<vmem>>
        %dma_wait3A_207 = arith.constant 0 : i32
        %dma_wait3A_208 = tpu.memref_slice %arg15[%add3A_170, %dma_wait3A_207] : memref<8x64xi32, #tpu.memory_space<vmem>> -> memref<1x64xi32, #tpu.memory_space<vmem>>
        %dma_wait3A_209 = tpu.memref_squeeze %dma_wait3A_208 : memref<1x64xi32, #tpu.memory_space<vmem>> -> memref<64xi32, #tpu.memory_space<vmem>>
        %dma_wait3A_210 = arith.constant 0 : i32
        %dma_wait3A_211 = arith.constant 0 : i32
        %dma_wait3A_212 = tpu.memref_slice %arg4[%dma_wait3A_210, %dma_wait3A_211] : memref<100001x128xi32, #tpu.memory_space<hbm>> -> memref<100001x128xi32, #tpu.memory_space<hbm>>
        tpu.wait_indirect_dma semaphore(%arg21 : memref<!tpu.dma_semaphore, #tpu.memory_space<semaphore_mem>>) src(%dma_wait3A_212 : memref<100001x128xi32, #tpu.memory_space<hbm>>) dst(%dma_wait3A_206 : memref<64x128xi32, #tpu.memory_space<vmem>>)
        %ge3A_213 = arith.constant 1 : i32
        %ge3A_214 = arith.cmpi sge, %add3A_173, %ge3A_213 : i32
        %convert_element_type3A_215 = arith.extui %ge3A_214 : i1 to i32
        %cond3A_216 = arith.constant 0 : i32
        %cond3A_217 = arith.cmpi ne, %convert_element_type3A_215, %cond3A_216 : i32
        scf.if %cond3A_217 {
          %sub3A_228 = arith.constant 1 : i32
          %sub3A_229 = arith.subi %add3A_173, %sub3A_228 : i32
          %max3A = arith.constant 0 : i32
          %max3A_230 = arith.maxsi %sub3A_229, %max3A : i32
          %mul3A_231 = arith.constant 64 : i32
          %mul3A_232 = arith.muli %max3A_230, %mul3A_231 : i32
          %add3A_233 = arith.addi %mul3A_2, %mul3A_232 : i32
          %dma_wait3A_234 = arith.constant 0 : i32
          %dma_wait3A_235 = tpu.memref_slice %arg10[%add3A_233, %dma_wait3A_234] : memref<819200x192xf32, #tpu.memory_space<hbm>> -> memref<64x192xf32, #tpu.memory_space<hbm>>
          %dma_wait3A_236 = arith.constant 0 : i32
          %dma_wait3A_237 = tpu.memref_slice %arg10[%add3A_233, %dma_wait3A_236] : memref<819200x192xf32, #tpu.memory_space<hbm>> -> memref<64x192xf32, #tpu.memory_space<hbm>>
          tpu.wait_dma2 semaphore(%arg22 : memref<!tpu.dma_semaphore, #tpu.memory_space<semaphore_mem>>) src(%arg19 : memref<64x192xf32, #tpu.memory_space<vmem>>) dst(%dma_wait3A_237 : memref<64x192xf32, #tpu.memory_space<hbm>>)
        } else {
        }
        %parallel_loop3A_218 = arith.constant 0 : i32
        %parallel_loop3A_219 = arith.constant 64 : i32
        %parallel_loop3A_220 = arith.constant 1 : i32
        scf.for %parallel_loop3A_228 = %parallel_loop3A_218 to %parallel_loop3A_219 step %parallel_loop3A_220  : i32 {
          %parallel_loop3A_229 = arith.constant 1 : i32
          %parallel_loop3A_230 = arith.index_cast %parallel_loop3A_229 : i32 to index
          %parallel_loop3A_231 = arith.index_cast %parallel_loop3A_228 : i32 to index
          %parallel_loop3A_232 = arith.constant 0 : index
          %parallel_loop3A_233 = tpu.vector_load %arg16[%parallel_loop3A_230, %parallel_loop3A_231, %parallel_loop3A_232] {strides = array<i32>} : memref<2x64x128xi32, #tpu.memory_space<vmem>>, vector<1x1x16xi32>,
          %parallel_loop3A_234 = vector.shape_cast %parallel_loop3A_233 : vector<1x1x16xi32> to vector<16xi32>
          %parallel_loop3A_235 = arith.constant 1 : i32
          %parallel_loop3A_236 = arith.index_cast %parallel_loop3A_235 : i32 to index
          %parallel_loop3A_237 = arith.index_cast %parallel_loop3A_228 : i32 to index
          %parallel_loop3A_238 = arith.constant 0 : index
          %parallel_loop3A_239 = tpu.vector_load %arg17[%parallel_loop3A_236, %parallel_loop3A_237, %parallel_loop3A_238] {strides = array<i32>} : memref<2x64x128xi32, #tpu.memory_space<vmem>>, vector<1x1x16xi32>,
          %parallel_loop3A_240 = vector.shape_cast %parallel_loop3A_239 : vector<1x1x16xi32> to vector<16xi32>
          %parallel_loop3A_241 = arith.constant 1 : i32
          %parallel_loop3A_242 = arith.index_cast %parallel_loop3A_241 : i32 to index
          %parallel_loop3A_243 = arith.index_cast %parallel_loop3A_228 : i32 to index
          %parallel_loop3A_244 = arith.constant 0 : index
          %parallel_loop3A_245 = tpu.vector_load %arg18[%parallel_loop3A_242, %parallel_loop3A_243, %parallel_loop3A_244] {strides = array<i32>} : memref<2x64x128xi32, #tpu.memory_space<vmem>>, vector<1x1x16xi32>,
          %parallel_loop3A_246 = vector.shape_cast %parallel_loop3A_245 : vector<1x1x16xi32> to vector<16xi32>
          %parallel_loop3A_247 = arith.constant 16 : i32
          %parallel_loop3A_248 = vector.broadcast %parallel_loop3A_247 : i32 to vector<16xi32>
          %parallel_loop3A_249 = arith.shli %parallel_loop3A_234, %parallel_loop3A_248 : vector<16xi32>
          %parallel_loop3A_250 = tpu.bitcast %parallel_loop3A_249 : vector<16xi32> -> vector<16xf32>
          %parallel_loop3A_251 = arith.constant 16 : i32
          %parallel_loop3A_252 = vector.broadcast %parallel_loop3A_251 : i32 to vector<16xi32>
          %parallel_loop3A_253 = arith.shli %parallel_loop3A_240, %parallel_loop3A_252 : vector<16xi32>
          %parallel_loop3A_254 = tpu.bitcast %parallel_loop3A_253 : vector<16xi32> -> vector<16xf32>
          %parallel_loop3A_255 = arith.addf %parallel_loop3A_250, %parallel_loop3A_254 : vector<16xf32>
          %parallel_loop3A_256 = arith.constant 16 : i32
          %parallel_loop3A_257 = vector.broadcast %parallel_loop3A_256 : i32 to vector<16xi32>
          %parallel_loop3A_258 = arith.shli %parallel_loop3A_246, %parallel_loop3A_257 : vector<16xi32>
          %parallel_loop3A_259 = tpu.bitcast %parallel_loop3A_258 : vector<16xi32> -> vector<16xf32>
          %parallel_loop3A_260 = arith.addf %parallel_loop3A_255, %parallel_loop3A_259 : vector<16xf32>
          %parallel_loop3A_261 = arith.index_cast %parallel_loop3A_228 : i32 to index
          %parallel_loop3A_262 = arith.constant 0 : index
          %parallel_loop3A_263 = tpu.vector_load %arg19[%parallel_loop3A_261, %parallel_loop3A_262] {strides = array<i32>} : memref<64x192xf32, #tpu.memory_space<vmem>>, vector<1x16xf32>,
          %parallel_loop3A_264 = vector.shape_cast %parallel_loop3A_263 : vector<1x16xf32> to vector<16xf32>
          %parallel_loop3A_265 = vector.shape_cast %parallel_loop3A_260 : vector<16xf32> to vector<1x16xf32>
          tpu.vector_store %arg19[%parallel_loop3A_261, %parallel_loop3A_262], %parallel_loop3A_265 {strides = array<i32>} : memref<64x192xf32, #tpu.memory_space<vmem>>, vector<1x16xf32>,
          %parallel_loop3A_266 = arith.constant -65536 : i32
          %parallel_loop3A_267 = vector.broadcast %parallel_loop3A_266 : i32 to vector<16xi32>
          %parallel_loop3A_268 = arith.andi %parallel_loop3A_234, %parallel_loop3A_267 : vector<16xi32>
          %parallel_loop3A_269 = tpu.bitcast %parallel_loop3A_268 : vector<16xi32> -> vector<16xf32>
          %parallel_loop3A_270 = arith.constant -65536 : i32
          %parallel_loop3A_271 = vector.broadcast %parallel_loop3A_270 : i32 to vector<16xi32>
          %parallel_loop3A_272 = arith.andi %parallel_loop3A_240, %parallel_loop3A_271 : vector<16xi32>
          %parallel_loop3A_273 = tpu.bitcast %parallel_loop3A_272 : vector<16xi32> -> vector<16xf32>
          %parallel_loop3A_274 = arith.addf %parallel_loop3A_269, %parallel_loop3A_273 : vector<16xf32>
          %parallel_loop3A_275 = arith.constant -65536 : i32
          %parallel_loop3A_276 = vector.broadcast %parallel_loop3A_275 : i32 to vector<16xi32>
          %parallel_loop3A_277 = arith.andi %parallel_loop3A_246, %parallel_loop3A_276 : vector<16xi32>
          %parallel_loop3A_278 = tpu.bitcast %parallel_loop3A_277 : vector<16xi32> -> vector<16xf32>
          %parallel_loop3A_279 = arith.addf %parallel_loop3A_274, %parallel_loop3A_278 : vector<16xf32>
          %parallel_loop3A_280 = arith.index_cast %parallel_loop3A_228 : i32 to index
          %parallel_loop3A_281 = arith.constant 128 : index
          %parallel_loop3A_282 = tpu.vector_load %arg19[%parallel_loop3A_280, %parallel_loop3A_281] {strides = array<i32>} : memref<64x192xf32, #tpu.memory_space<vmem>>, vector<1x16xf32>,
          %parallel_loop3A_283 = vector.shape_cast %parallel_loop3A_282 : vector<1x16xf32> to vector<16xf32>
          %parallel_loop3A_284 = vector.shape_cast %parallel_loop3A_279 : vector<16xf32> to vector<1x16xf32>
          tpu.vector_store %arg19[%parallel_loop3A_280, %parallel_loop3A_281], %parallel_loop3A_284 {strides = array<i32>} : memref<64x192xf32, #tpu.memory_space<vmem>>, vector<1x16xf32>,
          %parallel_loop3A_285 = arith.constant 1 : i32
          %parallel_loop3A_286 = arith.index_cast %parallel_loop3A_285 : i32 to index
          %parallel_loop3A_287 = arith.index_cast %parallel_loop3A_228 : i32 to index
          %parallel_loop3A_288 = arith.constant 16 : index
          %parallel_loop3A_289 = tpu.vector_load %arg16[%parallel_loop3A_286, %parallel_loop3A_287, %parallel_loop3A_288] {strides = array<i32>} : memref<2x64x128xi32, #tpu.memory_space<vmem>>, vector<1x1x16xi32>,
          %parallel_loop3A_290 = vector.shape_cast %parallel_loop3A_289 : vector<1x1x16xi32> to vector<16xi32>
          %parallel_loop3A_291 = arith.constant 1 : i32
          %parallel_loop3A_292 = arith.index_cast %parallel_loop3A_291 : i32 to index
          %parallel_loop3A_293 = arith.index_cast %parallel_loop3A_228 : i32 to index
          %parallel_loop3A_294 = arith.constant 16 : index
          %parallel_loop3A_295 = tpu.vector_load %arg17[%parallel_loop3A_292, %parallel_loop3A_293, %parallel_loop3A_294] {strides = array<i32>} : memref<2x64x128xi32, #tpu.memory_space<vmem>>, vector<1x1x16xi32>,
          %parallel_loop3A_296 = vector.shape_cast %parallel_loop3A_295 : vector<1x1x16xi32> to vector<16xi32>
          %parallel_loop3A_297 = arith.constant 1 : i32
          %parallel_loop3A_298 = arith.index_cast %parallel_loop3A_297 : i32 to index
          %parallel_loop3A_299 = arith.index_cast %parallel_loop3A_228 : i32 to index
          %parallel_loop3A_300 = arith.constant 16 : index
          %parallel_loop3A_301 = tpu.vector_load %arg18[%parallel_loop3A_298, %parallel_loop3A_299, %parallel_loop3A_300] {strides = array<i32>} : memref<2x64x128xi32, #tpu.memory_space<vmem>>, vector<1x1x16xi32>,
          %parallel_loop3A_302 = vector.shape_cast %parallel_loop3A_301 : vector<1x1x16xi32> to vector<16xi32>
          %parallel_loop3A_303 = arith.constant 16 : i32
          %parallel_loop3A_304 = vector.broadcast %parallel_loop3A_303 : i32 to vector<16xi32>
          %parallel_loop3A_305 = arith.shli %parallel_loop3A_290, %parallel_loop3A_304 : vector<16xi32>
          %parallel_loop3A_306 = tpu.bitcast %parallel_loop3A_305 : vector<16xi32> -> vector<16xf32>
          %parallel_loop3A_307 = arith.constant 16 : i32
          %parallel_loop3A_308 = vector.broadcast %parallel_loop3A_307 : i32 to vector<16xi32>
          %parallel_loop3A_309 = arith.shli %parallel_loop3A_296, %parallel_loop3A_308 : vector<16xi32>
          %parallel_loop3A_310 = tpu.bitcast %parallel_loop3A_309 : vector<16xi32> -> vector<16xf32>
          %parallel_loop3A_311 = arith.addf %parallel_loop3A_306, %parallel_loop3A_310 : vector<16xf32>
          %parallel_loop3A_312 = arith.constant 16 : i32
          %parallel_loop3A_313 = vector.broadcast %parallel_loop3A_312 : i32 to vector<16xi32>
          %parallel_loop3A_314 = arith.shli %parallel_loop3A_302, %parallel_loop3A_313 : vector<16xi32>
          %parallel_loop3A_315 = tpu.bitcast %parallel_loop3A_314 : vector<16xi32> -> vector<16xf32>
          %parallel_loop3A_316 = arith.addf %parallel_loop3A_311, %parallel_loop3A_315 : vector<16xf32>
          %parallel_loop3A_317 = arith.index_cast %parallel_loop3A_228 : i32 to index
          %parallel_loop3A_318 = arith.constant 16 : index
          %parallel_loop3A_319 = tpu.vector_load %arg19[%parallel_loop3A_317, %parallel_loop3A_318] {strides = array<i32>} : memref<64x192xf32, #tpu.memory_space<vmem>>, vector<1x16xf32>,
          %parallel_loop3A_320 = vector.shape_cast %parallel_loop3A_319 : vector<1x16xf32> to vector<16xf32>
          %parallel_loop3A_321 = vector.shape_cast %parallel_loop3A_316 : vector<16xf32> to vector<1x16xf32>
          tpu.vector_store %arg19[%parallel_loop3A_317, %parallel_loop3A_318], %parallel_loop3A_321 {strides = array<i32>} : memref<64x192xf32, #tpu.memory_space<vmem>>, vector<1x16xf32>,
          %parallel_loop3A_322 = arith.constant -65536 : i32
          %parallel_loop3A_323 = vector.broadcast %parallel_loop3A_322 : i32 to vector<16xi32>
          %parallel_loop3A_324 = arith.andi %parallel_loop3A_290, %parallel_loop3A_323 : vector<16xi32>
          %parallel_loop3A_325 = tpu.bitcast %parallel_loop3A_324 : vector<16xi32> -> vector<16xf32>
          %parallel_loop3A_326 = arith.constant -65536 : i32
          %parallel_loop3A_327 = vector.broadcast %parallel_loop3A_326 : i32 to vector<16xi32>
          %parallel_loop3A_328 = arith.andi %parallel_loop3A_296, %parallel_loop3A_327 : vector<16xi32>
          %parallel_loop3A_329 = tpu.bitcast %parallel_loop3A_328 : vector<16xi32> -> vector<16xf32>
          %parallel_loop3A_330 = arith.addf %parallel_loop3A_325, %parallel_loop3A_329 : vector<16xf32>
          %parallel_loop3A_331 = arith.constant -65536 : i32
          %parallel_loop3A_332 = vector.broadcast %parallel_loop3A_331 : i32 to vector<16xi32>
          %parallel_loop3A_333 = arith.andi %parallel_loop3A_302, %parallel_loop3A_332 : vector<16xi32>
          %parallel_loop3A_334 = tpu.bitcast %parallel_loop3A_333 : vector<16xi32> -> vector<16xf32>
          %parallel_loop3A_335 = arith.addf %parallel_loop3A_330, %parallel_loop3A_334 : vector<16xf32>
          %parallel_loop3A_336 = arith.index_cast %parallel_loop3A_228 : i32 to index
          %parallel_loop3A_337 = arith.constant 144 : index
          %parallel_loop3A_338 = tpu.vector_load %arg19[%parallel_loop3A_336, %parallel_loop3A_337] {strides = array<i32>} : memref<64x192xf32, #tpu.memory_space<vmem>>, vector<1x16xf32>,
          %parallel_loop3A_339 = vector.shape_cast %parallel_loop3A_338 : vector<1x16xf32> to vector<16xf32>
          %parallel_loop3A_340 = vector.shape_cast %parallel_loop3A_335 : vector<16xf32> to vector<1x16xf32>
          tpu.vector_store %arg19[%parallel_loop3A_336, %parallel_loop3A_337], %parallel_loop3A_340 {strides = array<i32>} : memref<64x192xf32, #tpu.memory_space<vmem>>, vector<1x16xf32>,
          %parallel_loop3A_341 = arith.constant 1 : i32
          %parallel_loop3A_342 = arith.index_cast %parallel_loop3A_341 : i32 to index
          %parallel_loop3A_343 = arith.index_cast %parallel_loop3A_228 : i32 to index
          %parallel_loop3A_344 = arith.constant 32 : index
          %parallel_loop3A_345 = tpu.vector_load %arg16[%parallel_loop3A_342, %parallel_loop3A_343, %parallel_loop3A_344] {strides = array<i32>} : memref<2x64x128xi32, #tpu.memory_space<vmem>>, vector<1x1x16xi32>,
          %parallel_loop3A_346 = vector.shape_cast %parallel_loop3A_345 : vector<1x1x16xi32> to vector<16xi32>
          %parallel_loop3A_347 = arith.constant 1 : i32
          %parallel_loop3A_348 = arith.index_cast %parallel_loop3A_347 : i32 to index
          %parallel_loop3A_349 = arith.index_cast %parallel_loop3A_228 : i32 to index
          %parallel_loop3A_350 = arith.constant 32 : index
          %parallel_loop3A_351 = tpu.vector_load %arg17[%parallel_loop3A_348, %parallel_loop3A_349, %parallel_loop3A_350] {strides = array<i32>} : memref<2x64x128xi32, #tpu.memory_space<vmem>>, vector<1x1x16xi32>,
          %parallel_loop3A_352 = vector.shape_cast %parallel_loop3A_351 : vector<1x1x16xi32> to vector<16xi32>
          %parallel_loop3A_353 = arith.constant 1 : i32
          %parallel_loop3A_354 = arith.index_cast %parallel_loop3A_353 : i32 to index
          %parallel_loop3A_355 = arith.index_cast %parallel_loop3A_228 : i32 to index
          %parallel_loop3A_356 = arith.constant 32 : index
          %parallel_loop3A_357 = tpu.vector_load %arg18[%parallel_loop3A_354, %parallel_loop3A_355, %parallel_loop3A_356] {strides = array<i32>} : memref<2x64x128xi32, #tpu.memory_space<vmem>>, vector<1x1x16xi32>,
          %parallel_loop3A_358 = vector.shape_cast %parallel_loop3A_357 : vector<1x1x16xi32> to vector<16xi32>
          %parallel_loop3A_359 = arith.constant 16 : i32
          %parallel_loop3A_360 = vector.broadcast %parallel_loop3A_359 : i32 to vector<16xi32>
          %parallel_loop3A_361 = arith.shli %parallel_loop3A_346, %parallel_loop3A_360 : vector<16xi32>
          %parallel_loop3A_362 = tpu.bitcast %parallel_loop3A_361 : vector<16xi32> -> vector<16xf32>
          %parallel_loop3A_363 = arith.constant 16 : i32
          %parallel_loop3A_364 = vector.broadcast %parallel_loop3A_363 : i32 to vector<16xi32>
          %parallel_loop3A_365 = arith.shli %parallel_loop3A_352, %parallel_loop3A_364 : vector<16xi32>
          %parallel_loop3A_366 = tpu.bitcast %parallel_loop3A_365 : vector<16xi32> -> vector<16xf32>
          %parallel_loop3A_367 = arith.addf %parallel_loop3A_362, %parallel_loop3A_366 : vector<16xf32>
          %parallel_loop3A_368 = arith.constant 16 : i32
          %parallel_loop3A_369 = vector.broadcast %parallel_loop3A_368 : i32 to vector<16xi32>
          %parallel_loop3A_370 = arith.shli %parallel_loop3A_358, %parallel_loop3A_369 : vector<16xi32>
          %parallel_loop3A_371 = tpu.bitcast %parallel_loop3A_370 : vector<16xi32> -> vector<16xf32>
          %parallel_loop3A_372 = arith.addf %parallel_loop3A_367, %parallel_loop3A_371 : vector<16xf32>
          %parallel_loop3A_373 = arith.index_cast %parallel_loop3A_228 : i32 to index
          %parallel_loop3A_374 = arith.constant 32 : index
          %parallel_loop3A_375 = tpu.vector_load %arg19[%parallel_loop3A_373, %parallel_loop3A_374] {strides = array<i32>} : memref<64x192xf32, #tpu.memory_space<vmem>>, vector<1x16xf32>,
          %parallel_loop3A_376 = vector.shape_cast %parallel_loop3A_375 : vector<1x16xf32> to vector<16xf32>
          %parallel_loop3A_377 = vector.shape_cast %parallel_loop3A_372 : vector<16xf32> to vector<1x16xf32>
          tpu.vector_store %arg19[%parallel_loop3A_373, %parallel_loop3A_374], %parallel_loop3A_377 {strides = array<i32>} : memref<64x192xf32, #tpu.memory_space<vmem>>, vector<1x16xf32>,
          %parallel_loop3A_378 = arith.constant -65536 : i32
          %parallel_loop3A_379 = vector.broadcast %parallel_loop3A_378 : i32 to vector<16xi32>
          %parallel_loop3A_380 = arith.andi %parallel_loop3A_346, %parallel_loop3A_379 : vector<16xi32>
          %parallel_loop3A_381 = tpu.bitcast %parallel_loop3A_380 : vector<16xi32> -> vector<16xf32>
          %parallel_loop3A_382 = arith.constant -65536 : i32
          %parallel_loop3A_383 = vector.broadcast %parallel_loop3A_382 : i32 to vector<16xi32>
          %parallel_loop3A_384 = arith.andi %parallel_loop3A_352, %parallel_loop3A_383 : vector<16xi32>
          %parallel_loop3A_385 = tpu.bitcast %parallel_loop3A_384 : vector<16xi32> -> vector<16xf32>
          %parallel_loop3A_386 = arith.addf %parallel_loop3A_381, %parallel_loop3A_385 : vector<16xf32>
          %parallel_loop3A_387 = arith.constant -65536 : i32
          %parallel_loop3A_388 = vector.broadcast %parallel_loop3A_387 : i32 to vector<16xi32>
          %parallel_loop3A_389 = arith.andi %parallel_loop3A_358, %parallel_loop3A_388 : vector<16xi32>
          %parallel_loop3A_390 = tpu.bitcast %parallel_loop3A_389 : vector<16xi32> -> vector<16xf32>
          %parallel_loop3A_391 = arith.addf %parallel_loop3A_386, %parallel_loop3A_390 : vector<16xf32>
          %parallel_loop3A_392 = arith.index_cast %parallel_loop3A_228 : i32 to index
          %parallel_loop3A_393 = arith.constant 160 : index
          %parallel_loop3A_394 = tpu.vector_load %arg19[%parallel_loop3A_392, %parallel_loop3A_393] {strides = array<i32>} : memref<64x192xf32, #tpu.memory_space<vmem>>, vector<1x16xf32>,
          %parallel_loop3A_395 = vector.shape_cast %parallel_loop3A_394 : vector<1x16xf32> to vector<16xf32>
          %parallel_loop3A_396 = vector.shape_cast %parallel_loop3A_391 : vector<16xf32> to vector<1x16xf32>
          tpu.vector_store %arg19[%parallel_loop3A_392, %parallel_loop3A_393], %parallel_loop3A_396 {strides = array<i32>} : memref<64x192xf32, #tpu.memory_space<vmem>>, vector<1x16xf32>,
          %parallel_loop3A_397 = arith.constant 1 : i32
          %parallel_loop3A_398 = arith.index_cast %parallel_loop3A_397 : i32 to index
          %parallel_loop3A_399 = arith.index_cast %parallel_loop3A_228 : i32 to index
          %parallel_loop3A_400 = arith.constant 48 : index
          %parallel_loop3A_401 = tpu.vector_load %arg16[%parallel_loop3A_398, %parallel_loop3A_399, %parallel_loop3A_400] {strides = array<i32>} : memref<2x64x128xi32, #tpu.memory_space<vmem>>, vector<1x1x16xi32>,
          %parallel_loop3A_402 = vector.shape_cast %parallel_loop3A_401 : vector<1x1x16xi32> to vector<16xi32>
          %parallel_loop3A_403 = arith.constant 1 : i32
          %parallel_loop3A_404 = arith.index_cast %parallel_loop3A_403 : i32 to index
          %parallel_loop3A_405 = arith.index_cast %parallel_loop3A_228 : i32 to index
          %parallel_loop3A_406 = arith.constant 48 : index
          %parallel_loop3A_407 = tpu.vector_load %arg17[%parallel_loop3A_404, %parallel_loop3A_405, %parallel_loop3A_406] {strides = array<i32>} : memref<2x64x128xi32, #tpu.memory_space<vmem>>, vector<1x1x16xi32>,
          %parallel_loop3A_408 = vector.shape_cast %parallel_loop3A_407 : vector<1x1x16xi32> to vector<16xi32>
          %parallel_loop3A_409 = arith.constant 1 : i32
          %parallel_loop3A_410 = arith.index_cast %parallel_loop3A_409 : i32 to index
          %parallel_loop3A_411 = arith.index_cast %parallel_loop3A_228 : i32 to index
          %parallel_loop3A_412 = arith.constant 48 : index
          %parallel_loop3A_413 = tpu.vector_load %arg18[%parallel_loop3A_410, %parallel_loop3A_411, %parallel_loop3A_412] {strides = array<i32>} : memref<2x64x128xi32, #tpu.memory_space<vmem>>, vector<1x1x16xi32>,
          %parallel_loop3A_414 = vector.shape_cast %parallel_loop3A_413 : vector<1x1x16xi32> to vector<16xi32>
          %parallel_loop3A_415 = arith.constant 16 : i32
          %parallel_loop3A_416 = vector.broadcast %parallel_loop3A_415 : i32 to vector<16xi32>
          %parallel_loop3A_417 = arith.shli %parallel_loop3A_402, %parallel_loop3A_416 : vector<16xi32>
          %parallel_loop3A_418 = tpu.bitcast %parallel_loop3A_417 : vector<16xi32> -> vector<16xf32>
          %parallel_loop3A_419 = arith.constant 16 : i32
          %parallel_loop3A_420 = vector.broadcast %parallel_loop3A_419 : i32 to vector<16xi32>
          %parallel_loop3A_421 = arith.shli %parallel_loop3A_408, %parallel_loop3A_420 : vector<16xi32>
          %parallel_loop3A_422 = tpu.bitcast %parallel_loop3A_421 : vector<16xi32> -> vector<16xf32>
          %parallel_loop3A_423 = arith.addf %parallel_loop3A_418, %parallel_loop3A_422 : vector<16xf32>
          %parallel_loop3A_424 = arith.constant 16 : i32
          %parallel_loop3A_425 = vector.broadcast %parallel_loop3A_424 : i32 to vector<16xi32>
          %parallel_loop3A_426 = arith.shli %parallel_loop3A_414, %parallel_loop3A_425 : vector<16xi32>
          %parallel_loop3A_427 = tpu.bitcast %parallel_loop3A_426 : vector<16xi32> -> vector<16xf32>
          %parallel_loop3A_428 = arith.addf %parallel_loop3A_423, %parallel_loop3A_427 : vector<16xf32>
          %parallel_loop3A_429 = arith.index_cast %parallel_loop3A_228 : i32 to index
          %parallel_loop3A_430 = arith.constant 48 : index
          %parallel_loop3A_431 = tpu.vector_load %arg19[%parallel_loop3A_429, %parallel_loop3A_430] {strides = array<i32>} : memref<64x192xf32, #tpu.memory_space<vmem>>, vector<1x16xf32>,
          %parallel_loop3A_432 = vector.shape_cast %parallel_loop3A_431 : vector<1x16xf32> to vector<16xf32>
          %parallel_loop3A_433 = vector.shape_cast %parallel_loop3A_428 : vector<16xf32> to vector<1x16xf32>
          tpu.vector_store %arg19[%parallel_loop3A_429, %parallel_loop3A_430], %parallel_loop3A_433 {strides = array<i32>} : memref<64x192xf32, #tpu.memory_space<vmem>>, vector<1x16xf32>,
          %parallel_loop3A_434 = arith.constant -65536 : i32
          %parallel_loop3A_435 = vector.broadcast %parallel_loop3A_434 : i32 to vector<16xi32>
          %parallel_loop3A_436 = arith.andi %parallel_loop3A_402, %parallel_loop3A_435 : vector<16xi32>
          %parallel_loop3A_437 = tpu.bitcast %parallel_loop3A_436 : vector<16xi32> -> vector<16xf32>
          %parallel_loop3A_438 = arith.constant -65536 : i32
          %parallel_loop3A_439 = vector.broadcast %parallel_loop3A_438 : i32 to vector<16xi32>
          %parallel_loop3A_440 = arith.andi %parallel_loop3A_408, %parallel_loop3A_439 : vector<16xi32>
          %parallel_loop3A_441 = tpu.bitcast %parallel_loop3A_440 : vector<16xi32> -> vector<16xf32>
          %parallel_loop3A_442 = arith.addf %parallel_loop3A_437, %parallel_loop3A_441 : vector<16xf32>
          %parallel_loop3A_443 = arith.constant -65536 : i32
          %parallel_loop3A_444 = vector.broadcast %parallel_loop3A_443 : i32 to vector<16xi32>
          %parallel_loop3A_445 = arith.andi %parallel_loop3A_414, %parallel_loop3A_444 : vector<16xi32>
          %parallel_loop3A_446 = tpu.bitcast %parallel_loop3A_445 : vector<16xi32> -> vector<16xf32>
          %parallel_loop3A_447 = arith.addf %parallel_loop3A_442, %parallel_loop3A_446 : vector<16xf32>
          %parallel_loop3A_448 = arith.index_cast %parallel_loop3A_228 : i32 to index
          %parallel_loop3A_449 = arith.constant 176 : index
          %parallel_loop3A_450 = tpu.vector_load %arg19[%parallel_loop3A_448, %parallel_loop3A_449] {strides = array<i32>} : memref<64x192xf32, #tpu.memory_space<vmem>>, vector<1x16xf32>,
          %parallel_loop3A_451 = vector.shape_cast %parallel_loop3A_450 : vector<1x16xf32> to vector<16xf32>
          %parallel_loop3A_452 = vector.shape_cast %parallel_loop3A_447 : vector<16xf32> to vector<1x16xf32>
          tpu.vector_store %arg19[%parallel_loop3A_448, %parallel_loop3A_449], %parallel_loop3A_452 {strides = array<i32>} : memref<64x192xf32, #tpu.memory_space<vmem>>, vector<1x16xf32>,
          %parallel_loop3A_453 = arith.constant 1 : i32
          %parallel_loop3A_454 = arith.index_cast %parallel_loop3A_453 : i32 to index
          %parallel_loop3A_455 = arith.index_cast %parallel_loop3A_228 : i32 to index
          %parallel_loop3A_456 = arith.constant 64 : index
          %parallel_loop3A_457 = tpu.vector_load %arg16[%parallel_loop3A_454, %parallel_loop3A_455, %parallel_loop3A_456] {strides = array<i32>} : memref<2x64x128xi32, #tpu.memory_space<vmem>>, vector<1x1x16xi32>,
          %parallel_loop3A_458 = vector.shape_cast %parallel_loop3A_457 : vector<1x1x16xi32> to vector<16xi32>
          %parallel_loop3A_459 = arith.constant 1 : i32
          %parallel_loop3A_460 = arith.index_cast %parallel_loop3A_459 : i32 to index
          %parallel_loop3A_461 = arith.index_cast %parallel_loop3A_228 : i32 to index
          %parallel_loop3A_462 = arith.constant 64 : index
          %parallel_loop3A_463 = tpu.vector_load %arg17[%parallel_loop3A_460, %parallel_loop3A_461, %parallel_loop3A_462] {strides = array<i32>} : memref<2x64x128xi32, #tpu.memory_space<vmem>>, vector<1x1x16xi32>,
          %parallel_loop3A_464 = vector.shape_cast %parallel_loop3A_463 : vector<1x1x16xi32> to vector<16xi32>
          %parallel_loop3A_465 = arith.constant 1 : i32
          %parallel_loop3A_466 = arith.index_cast %parallel_loop3A_465 : i32 to index
          %parallel_loop3A_467 = arith.index_cast %parallel_loop3A_228 : i32 to index
          %parallel_loop3A_468 = arith.constant 64 : index
          %parallel_loop3A_469 = tpu.vector_load %arg18[%parallel_loop3A_466, %parallel_loop3A_467, %parallel_loop3A_468] {strides = array<i32>} : memref<2x64x128xi32, #tpu.memory_space<vmem>>, vector<1x1x16xi32>,
          %parallel_loop3A_470 = vector.shape_cast %parallel_loop3A_469 : vector<1x1x16xi32> to vector<16xi32>
          %parallel_loop3A_471 = arith.constant 16 : i32
          %parallel_loop3A_472 = vector.broadcast %parallel_loop3A_471 : i32 to vector<16xi32>
          %parallel_loop3A_473 = arith.shli %parallel_loop3A_458, %parallel_loop3A_472 : vector<16xi32>
          %parallel_loop3A_474 = tpu.bitcast %parallel_loop3A_473 : vector<16xi32> -> vector<16xf32>
          %parallel_loop3A_475 = arith.constant 16 : i32
          %parallel_loop3A_476 = vector.broadcast %parallel_loop3A_475 : i32 to vector<16xi32>
          %parallel_loop3A_477 = arith.shli %parallel_loop3A_464, %parallel_loop3A_476 : vector<16xi32>
          %parallel_loop3A_478 = tpu.bitcast %parallel_loop3A_477 : vector<16xi32> -> vector<16xf32>
          %parallel_loop3A_479 = arith.addf %parallel_loop3A_474, %parallel_loop3A_478 : vector<16xf32>
          %parallel_loop3A_480 = arith.constant 16 : i32
          %parallel_loop3A_481 = vector.broadcast %parallel_loop3A_480 : i32 to vector<16xi32>
          %parallel_loop3A_482 = arith.shli %parallel_loop3A_470, %parallel_loop3A_481 : vector<16xi32>
          %parallel_loop3A_483 = tpu.bitcast %parallel_loop3A_482 : vector<16xi32> -> vector<16xf32>
          %parallel_loop3A_484 = arith.addf %parallel_loop3A_479, %parallel_loop3A_483 : vector<16xf32>
          %parallel_loop3A_485 = arith.index_cast %parallel_loop3A_228 : i32 to index
          %parallel_loop3A_486 = arith.constant 64 : index
          %parallel_loop3A_487 = tpu.vector_load %arg19[%parallel_loop3A_485, %parallel_loop3A_486] {strides = array<i32>} : memref<64x192xf32, #tpu.memory_space<vmem>>, vector<1x16xf32>,
          %parallel_loop3A_488 = vector.shape_cast %parallel_loop3A_487 : vector<1x16xf32> to vector<16xf32>
          %parallel_loop3A_489 = vector.shape_cast %parallel_loop3A_484 : vector<16xf32> to vector<1x16xf32>
          tpu.vector_store %arg19[%parallel_loop3A_485, %parallel_loop3A_486], %parallel_loop3A_489 {strides = array<i32>} : memref<64x192xf32, #tpu.memory_space<vmem>>, vector<1x16xf32>,
          %parallel_loop3A_490 = arith.constant 1 : i32
          %parallel_loop3A_491 = arith.index_cast %parallel_loop3A_490 : i32 to index
          %parallel_loop3A_492 = arith.index_cast %parallel_loop3A_228 : i32 to index
          %parallel_loop3A_493 = arith.constant 80 : index
          %parallel_loop3A_494 = tpu.vector_load %arg16[%parallel_loop3A_491, %parallel_loop3A_492, %parallel_loop3A_493] {strides = array<i32>} : memref<2x64x128xi32, #tpu.memory_space<vmem>>, vector<1x1x16xi32>,
          %parallel_loop3A_495 = vector.shape_cast %parallel_loop3A_494 : vector<1x1x16xi32> to vector<16xi32>
          %parallel_loop3A_496 = arith.constant 1 : i32
          %parallel_loop3A_497 = arith.index_cast %parallel_loop3A_496 : i32 to index
          %parallel_loop3A_498 = arith.index_cast %parallel_loop3A_228 : i32 to index
          %parallel_loop3A_499 = arith.constant 80 : index
          %parallel_loop3A_500 = tpu.vector_load %arg17[%parallel_loop3A_497, %parallel_loop3A_498, %parallel_loop3A_499] {strides = array<i32>} : memref<2x64x128xi32, #tpu.memory_space<vmem>>, vector<1x1x16xi32>,
          %parallel_loop3A_501 = vector.shape_cast %parallel_loop3A_500 : vector<1x1x16xi32> to vector<16xi32>
          %parallel_loop3A_502 = arith.constant 1 : i32
          %parallel_loop3A_503 = arith.index_cast %parallel_loop3A_502 : i32 to index
          %parallel_loop3A_504 = arith.index_cast %parallel_loop3A_228 : i32 to index
          %parallel_loop3A_505 = arith.constant 80 : index
          %parallel_loop3A_506 = tpu.vector_load %arg18[%parallel_loop3A_503, %parallel_loop3A_504, %parallel_loop3A_505] {strides = array<i32>} : memref<2x64x128xi32, #tpu.memory_space<vmem>>, vector<1x1x16xi32>,
          %parallel_loop3A_507 = vector.shape_cast %parallel_loop3A_506 : vector<1x1x16xi32> to vector<16xi32>
          %parallel_loop3A_508 = arith.constant 16 : i32
          %parallel_loop3A_509 = vector.broadcast %parallel_loop3A_508 : i32 to vector<16xi32>
          %parallel_loop3A_510 = arith.shli %parallel_loop3A_495, %parallel_loop3A_509 : vector<16xi32>
          %parallel_loop3A_511 = tpu.bitcast %parallel_loop3A_510 : vector<16xi32> -> vector<16xf32>
          %parallel_loop3A_512 = arith.constant 16 : i32
          %parallel_loop3A_513 = vector.broadcast %parallel_loop3A_512 : i32 to vector<16xi32>
          %parallel_loop3A_514 = arith.shli %parallel_loop3A_501, %parallel_loop3A_513 : vector<16xi32>
          %parallel_loop3A_515 = tpu.bitcast %parallel_loop3A_514 : vector<16xi32> -> vector<16xf32>
          %parallel_loop3A_516 = arith.addf %parallel_loop3A_511, %parallel_loop3A_515 : vector<16xf32>
          %parallel_loop3A_517 = arith.constant 16 : i32
          %parallel_loop3A_518 = vector.broadcast %parallel_loop3A_517 : i32 to vector<16xi32>
          %parallel_loop3A_519 = arith.shli %parallel_loop3A_507, %parallel_loop3A_518 : vector<16xi32>
          %parallel_loop3A_520 = tpu.bitcast %parallel_loop3A_519 : vector<16xi32> -> vector<16xf32>
          %parallel_loop3A_521 = arith.addf %parallel_loop3A_516, %parallel_loop3A_520 : vector<16xf32>
          %parallel_loop3A_522 = arith.index_cast %parallel_loop3A_228 : i32 to index
          %parallel_loop3A_523 = arith.constant 80 : index
          %parallel_loop3A_524 = tpu.vector_load %arg19[%parallel_loop3A_522, %parallel_loop3A_523] {strides = array<i32>} : memref<64x192xf32, #tpu.memory_space<vmem>>, vector<1x16xf32>,
          %parallel_loop3A_525 = vector.shape_cast %parallel_loop3A_524 : vector<1x16xf32> to vector<16xf32>
          %parallel_loop3A_526 = vector.shape_cast %parallel_loop3A_521 : vector<16xf32> to vector<1x16xf32>
          tpu.vector_store %arg19[%parallel_loop3A_522, %parallel_loop3A_523], %parallel_loop3A_526 {strides = array<i32>} : memref<64x192xf32, #tpu.memory_space<vmem>>, vector<1x16xf32>,
          %parallel_loop3A_527 = arith.constant 1 : i32
          %parallel_loop3A_528 = arith.index_cast %parallel_loop3A_527 : i32 to index
          %parallel_loop3A_529 = arith.index_cast %parallel_loop3A_228 : i32 to index
          %parallel_loop3A_530 = arith.constant 96 : index
          %parallel_loop3A_531 = tpu.vector_load %arg16[%parallel_loop3A_528, %parallel_loop3A_529, %parallel_loop3A_530] {strides = array<i32>} : memref<2x64x128xi32, #tpu.memory_space<vmem>>, vector<1x1x16xi32>,
          %parallel_loop3A_532 = vector.shape_cast %parallel_loop3A_531 : vector<1x1x16xi32> to vector<16xi32>
          %parallel_loop3A_533 = arith.constant 1 : i32
          %parallel_loop3A_534 = arith.index_cast %parallel_loop3A_533 : i32 to index
          %parallel_loop3A_535 = arith.index_cast %parallel_loop3A_228 : i32 to index
          %parallel_loop3A_536 = arith.constant 96 : index
          %parallel_loop3A_537 = tpu.vector_load %arg17[%parallel_loop3A_534, %parallel_loop3A_535, %parallel_loop3A_536] {strides = array<i32>} : memref<2x64x128xi32, #tpu.memory_space<vmem>>, vector<1x1x16xi32>,
          %parallel_loop3A_538 = vector.shape_cast %parallel_loop3A_537 : vector<1x1x16xi32> to vector<16xi32>
          %parallel_loop3A_539 = arith.constant 1 : i32
          %parallel_loop3A_540 = arith.index_cast %parallel_loop3A_539 : i32 to index
          %parallel_loop3A_541 = arith.index_cast %parallel_loop3A_228 : i32 to index
          %parallel_loop3A_542 = arith.constant 96 : index
          %parallel_loop3A_543 = tpu.vector_load %arg18[%parallel_loop3A_540, %parallel_loop3A_541, %parallel_loop3A_542] {strides = array<i32>} : memref<2x64x128xi32, #tpu.memory_space<vmem>>, vector<1x1x16xi32>,
          %parallel_loop3A_544 = vector.shape_cast %parallel_loop3A_543 : vector<1x1x16xi32> to vector<16xi32>
          %parallel_loop3A_545 = arith.constant 16 : i32
          %parallel_loop3A_546 = vector.broadcast %parallel_loop3A_545 : i32 to vector<16xi32>
          %parallel_loop3A_547 = arith.shli %parallel_loop3A_532, %parallel_loop3A_546 : vector<16xi32>
          %parallel_loop3A_548 = tpu.bitcast %parallel_loop3A_547 : vector<16xi32> -> vector<16xf32>
          %parallel_loop3A_549 = arith.constant 16 : i32
          %parallel_loop3A_550 = vector.broadcast %parallel_loop3A_549 : i32 to vector<16xi32>
          %parallel_loop3A_551 = arith.shli %parallel_loop3A_538, %parallel_loop3A_550 : vector<16xi32>
          %parallel_loop3A_552 = tpu.bitcast %parallel_loop3A_551 : vector<16xi32> -> vector<16xf32>
          %parallel_loop3A_553 = arith.addf %parallel_loop3A_548, %parallel_loop3A_552 : vector<16xf32>
          %parallel_loop3A_554 = arith.constant 16 : i32
          %parallel_loop3A_555 = vector.broadcast %parallel_loop3A_554 : i32 to vector<16xi32>
          %parallel_loop3A_556 = arith.shli %parallel_loop3A_544, %parallel_loop3A_555 : vector<16xi32>
          %parallel_loop3A_557 = tpu.bitcast %parallel_loop3A_556 : vector<16xi32> -> vector<16xf32>
          %parallel_loop3A_558 = arith.addf %parallel_loop3A_553, %parallel_loop3A_557 : vector<16xf32>
          %parallel_loop3A_559 = arith.index_cast %parallel_loop3A_228 : i32 to index
          %parallel_loop3A_560 = arith.constant 96 : index
          %parallel_loop3A_561 = tpu.vector_load %arg19[%parallel_loop3A_559, %parallel_loop3A_560] {strides = array<i32>} : memref<64x192xf32, #tpu.memory_space<vmem>>, vector<1x16xf32>,
          %parallel_loop3A_562 = vector.shape_cast %parallel_loop3A_561 : vector<1x16xf32> to vector<16xf32>
          %parallel_loop3A_563 = vector.shape_cast %parallel_loop3A_558 : vector<16xf32> to vector<1x16xf32>
          tpu.vector_store %arg19[%parallel_loop3A_559, %parallel_loop3A_560], %parallel_loop3A_563 {strides = array<i32>} : memref<64x192xf32, #tpu.memory_space<vmem>>, vector<1x16xf32>,
          %parallel_loop3A_564 = arith.constant 1 : i32
          %parallel_loop3A_565 = arith.index_cast %parallel_loop3A_564 : i32 to index
          %parallel_loop3A_566 = arith.index_cast %parallel_loop3A_228 : i32 to index
          %parallel_loop3A_567 = arith.constant 112 : index
          %parallel_loop3A_568 = tpu.vector_load %arg16[%parallel_loop3A_565, %parallel_loop3A_566, %parallel_loop3A_567] {strides = array<i32>} : memref<2x64x128xi32, #tpu.memory_space<vmem>>, vector<1x1x16xi32>,
          %parallel_loop3A_569 = vector.shape_cast %parallel_loop3A_568 : vector<1x1x16xi32> to vector<16xi32>
          %parallel_loop3A_570 = arith.constant 1 : i32
          %parallel_loop3A_571 = arith.index_cast %parallel_loop3A_570 : i32 to index
          %parallel_loop3A_572 = arith.index_cast %parallel_loop3A_228 : i32 to index
          %parallel_loop3A_573 = arith.constant 112 : index
          %parallel_loop3A_574 = tpu.vector_load %arg17[%parallel_loop3A_571, %parallel_loop3A_572, %parallel_loop3A_573] {strides = array<i32>} : memref<2x64x128xi32, #tpu.memory_space<vmem>>, vector<1x1x16xi32>,
          %parallel_loop3A_575 = vector.shape_cast %parallel_loop3A_574 : vector<1x1x16xi32> to vector<16xi32>
          %parallel_loop3A_576 = arith.constant 1 : i32
          %parallel_loop3A_577 = arith.index_cast %parallel_loop3A_576 : i32 to index
          %parallel_loop3A_578 = arith.index_cast %parallel_loop3A_228 : i32 to index
          %parallel_loop3A_579 = arith.constant 112 : index
          %parallel_loop3A_580 = tpu.vector_load %arg18[%parallel_loop3A_577, %parallel_loop3A_578, %parallel_loop3A_579] {strides = array<i32>} : memref<2x64x128xi32, #tpu.memory_space<vmem>>, vector<1x1x16xi32>,
          %parallel_loop3A_581 = vector.shape_cast %parallel_loop3A_580 : vector<1x1x16xi32> to vector<16xi32>
          %parallel_loop3A_582 = arith.constant 16 : i32
          %parallel_loop3A_583 = vector.broadcast %parallel_loop3A_582 : i32 to vector<16xi32>
          %parallel_loop3A_584 = arith.shli %parallel_loop3A_569, %parallel_loop3A_583 : vector<16xi32>
          %parallel_loop3A_585 = tpu.bitcast %parallel_loop3A_584 : vector<16xi32> -> vector<16xf32>
          %parallel_loop3A_586 = arith.constant 16 : i32
          %parallel_loop3A_587 = vector.broadcast %parallel_loop3A_586 : i32 to vector<16xi32>
          %parallel_loop3A_588 = arith.shli %parallel_loop3A_575, %parallel_loop3A_587 : vector<16xi32>
          %parallel_loop3A_589 = tpu.bitcast %parallel_loop3A_588 : vector<16xi32> -> vector<16xf32>
          %parallel_loop3A_590 = arith.addf %parallel_loop3A_585, %parallel_loop3A_589 : vector<16xf32>
          %parallel_loop3A_591 = arith.constant 16 : i32
          %parallel_loop3A_592 = vector.broadcast %parallel_loop3A_591 : i32 to vector<16xi32>
          %parallel_loop3A_593 = arith.shli %parallel_loop3A_581, %parallel_loop3A_592 : vector<16xi32>
          %parallel_loop3A_594 = tpu.bitcast %parallel_loop3A_593 : vector<16xi32> -> vector<16xf32>
          %parallel_loop3A_595 = arith.addf %parallel_loop3A_590, %parallel_loop3A_594 : vector<16xf32>
          %parallel_loop3A_596 = arith.index_cast %parallel_loop3A_228 : i32 to index
          %parallel_loop3A_597 = arith.constant 112 : index
          %parallel_loop3A_598 = tpu.vector_load %arg19[%parallel_loop3A_596, %parallel_loop3A_597] {strides = array<i32>} : memref<64x192xf32, #tpu.memory_space<vmem>>, vector<1x16xf32>,
          %parallel_loop3A_599 = vector.shape_cast %parallel_loop3A_598 : vector<1x16xf32> to vector<16xf32>
          %parallel_loop3A_600 = vector.shape_cast %parallel_loop3A_595 : vector<16xf32> to vector<1x16xf32>
          tpu.vector_store %arg19[%parallel_loop3A_596, %parallel_loop3A_597], %parallel_loop3A_600 {strides = array<i32>} : memref<64x192xf32, #tpu.memory_space<vmem>>, vector<1x16xf32>,
        } {sc.loop_unroll_factor = 4 : i64, sc.parallel_access}
        %mul3A_221 = arith.constant 64 : i32
        %mul3A_222 = arith.muli %add3A_173, %mul3A_221 : i32
        %add3A_223 = arith.addi %mul3A_2, %mul3A_222 : i32
        %dma_start3A_224 = arith.constant 0 : i32
        %dma_start3A_225 = tpu.memref_slice %arg10[%add3A_223, %dma_start3A_224] : memref<819200x192xf32, #tpu.memory_space<hbm>> -> memref<64x192xf32, #tpu.memory_space<hbm>>
        %dma_start3A_226 = arith.constant 0 : i32
        %dma_start3A_227 = tpu.memref_slice %arg10[%add3A_223, %dma_start3A_226] : memref<819200x192xf32, #tpu.memory_space<hbm>> -> memref<64x192xf32, #tpu.memory_space<hbm>>
        tpu.enqueue_dma source(%arg19 : memref<64x192xf32, #tpu.memory_space<vmem>>) target(%dma_start3A_227 : memref<64x192xf32, #tpu.memory_space<hbm>>) target_semaphore(%arg22 : memref<!tpu.dma_semaphore, #tpu.memory_space<semaphore_mem>>)
      }
      %scan3A_79 = arith.constant 4 : i32
    }
    %scan3A_7 = arith.constant 50 : i32
    %add3A_8 = arith.constant 25536 : i32
    %add3A_9 = arith.addi %mul3A_2, %add3A_8 : i32
    %dma_wait3A = arith.constant 0 : i32
    %dma_wait3A_10 = tpu.memref_slice %arg10[%add3A_9, %dma_wait3A] : memref<819200x192xf32, #tpu.memory_space<hbm>> -> memref<64x192xf32, #tpu.memory_space<hbm>>
    %dma_wait3A_11 = arith.constant 0 : i32
    %dma_wait3A_12 = tpu.memref_slice %arg10[%add3A_9, %dma_wait3A_11] : memref<819200x192xf32, #tpu.memory_space<hbm>> -> memref<64x192xf32, #tpu.memory_space<hbm>>
    tpu.wait_dma2 semaphore(%arg22 : memref<!tpu.dma_semaphore, #tpu.memory_space<semaphore_mem>>) src(%arg19 : memref<64x192xf32, #tpu.memory_space<vmem>>) dst(%dma_wait3A_12 : memref<64x192xf32, #tpu.memory_space<hbm>>)
    return
  }
}

module attributes {stable_mosaic.version = 14 : i64} {
  func.func @body(%arg0: i32, %arg1: memref<301x64xf32, #tpu.memory_space<vmem>>, %arg2: memref<64x256xf32, #tpu.memory_space<vmem>>, %arg3: memref<1x256xf32, #tpu.memory_space<vmem>>, %arg4: memref<301x256xf32, #tpu.memory_space<vmem>>) attributes {dimension_semantics = [#tpu.dimension_semantics<arbitrary>], iteration_bounds = array<i64: 1>, scalar_prefetch = 0 : i64, scratch_operands = 0 : i64, tpu.core_type = #tpu.core_type<tc>, window_params = [{transform_indices = @transform_0, window_bounds = array<i64: 301, 64>}, {pipeline_mode = #tpu.pipeline_mode<synchronous>, transform_indices = @transform_1, window_bounds = array<i64: 64, 256>}, {pipeline_mode = #tpu.pipeline_mode<synchronous>, transform_indices = @transform_2, window_bounds = array<i64: 1, 256>}, {transform_indices = @transform_3, window_bounds = array<i64: 301, 256>}]} {
    %get3A = arith.constant 0 : index
    %get3A_0 = arith.constant 0 : index
    %get3A_1 = vector.load %arg1[%get3A, %get3A_0] : memref<301x64xf32, #tpu.memory_space<vmem>>, vector<301x64xf32>
    %get3A_2 = arith.constant 0 : index
    %get3A_3 = arith.constant 0 : index
    %get3A_4 = vector.load %arg2[%get3A_2, %get3A_3] : memref<64x256xf32, #tpu.memory_space<vmem>>, vector<64x256xf32>
    %dot_general3A = arith.constant dense<0.000000e+00> : vector<301x256xf32>
    %dot_general3A_5 = tpu.matmul %get3A_1, %get3A_4, %dot_general3A {dimension_numbers = #tpu.dot_dimension_numbers<[1], [0], [0], [1], [0, 0, 1, 1], [], []>, transpose_lhs_hint = false} : vector<301x64xf32>, vector<64x256xf32>, vector<301x256xf32> -> vector<301x256xf32>
    %get3A_6 = arith.constant 0 : index
    %get3A_7 = arith.constant 0 : index
    %get3A_8 = vector.load %arg3[%get3A_6, %get3A_7] : memref<1x256xf32, #tpu.memory_space<vmem>>, vector<1x256xf32>
    %add3A = vector.broadcast %get3A_8 : vector<1x256xf32> to vector<301x256xf32>
    %add3A_9 = arith.addf %dot_general3A_5, %add3A : vector<301x256xf32>
    %swap3A = arith.constant 0 : index
    %swap3A_10 = arith.constant 0 : index
    %swap3A_11 = vector.load %arg4[%swap3A, %swap3A_10] : memref<301x256xf32, #tpu.memory_space<vmem>>, vector<301x256xf32>
    tpu.vector_store %arg4[%swap3A, %swap3A_10], %add3A_9 {strides = array<i32>} : memref<301x256xf32, #tpu.memory_space<vmem>>, vector<301x256xf32>,
    return
  }
  func.func @transform_0(%arg0: i32) -> (i32, i32) {
    %c0_i32 = arith.constant 0 : i32
    %c0_i32_0 = arith.constant 0 : i32
    return %arg0, %c0_i32 : i32, i32
  }
  func.func @transform_1(%arg0: i32) -> (i32, i32) {
    %c0_i32 = arith.constant 0 : i32
    %c0_i32_0 = arith.constant 0 : i32
    %c0_i32_1 = arith.constant 0 : i32
    return %c0_i32, %c0_i32_0 : i32, i32
  }
  func.func @transform_2(%arg0: i32) -> (i32, i32) {
    %c0_i32 = arith.constant 0 : i32
    %c0_i32_0 = arith.constant 0 : i32
    %c0_i32_1 = arith.constant 0 : i32
    return %c0_i32, %c0_i32_0 : i32, i32
  }
  func.func @transform_3(%arg0: i32) -> (i32, i32) {
    %c0_i32 = arith.constant 0 : i32
    %c0_i32_0 = arith.constant 0 : i32
    return %arg0, %c0_i32 : i32, i32
  }
}

module attributes {stable_mosaic.version = 14 : i64} {
  func.func @body(%arg0: i32, %arg1: memref<512x64xf32, #tpu.memory_space<vmem>>, %arg2: memref<64x256xf32, #tpu.memory_space<vmem>>, %arg3: memref<1x256xf32, #tpu.memory_space<vmem>>, %arg4: memref<512x256xf32, #tpu.memory_space<vmem>>) attributes {dimension_semantics = [#tpu.dimension_semantics<arbitrary>], iteration_bounds = array<i64: 2>, scalar_prefetch = 0 : i64, scratch_operands = 0 : i64, tpu.core_type = #tpu.core_type<tc>, window_params = [{transform_indices = @transform_0, window_bounds = array<i64: 512, 64>}, {pipeline_mode = #tpu.pipeline_mode<synchronous>, transform_indices = @transform_1, window_bounds = array<i64: 64, 256>}, {pipeline_mode = #tpu.pipeline_mode<synchronous>, transform_indices = @transform_2, window_bounds = array<i64: 1, 256>}, {transform_indices = @transform_3, window_bounds = array<i64: 512, 256>}]} {
    %get3A = arith.constant 0 : index
    %get3A_0 = arith.constant 0 : index
    %get3A_1 = vector.load %arg1[%get3A, %get3A_0] : memref<512x64xf32, #tpu.memory_space<vmem>>, vector<512x64xf32>
    %get3A_2 = arith.constant 0 : index
    %get3A_3 = arith.constant 0 : index
    %get3A_4 = vector.load %arg2[%get3A_2, %get3A_3] : memref<64x256xf32, #tpu.memory_space<vmem>>, vector<64x256xf32>
    %dot_general3A = arith.constant dense<0.000000e+00> : vector<512x256xf32>
    %dot_general3A_5 = tpu.matmul %get3A_1, %get3A_4, %dot_general3A {dimension_numbers = #tpu.dot_dimension_numbers<[1], [0], [0], [1], [0, 0, 1, 1], [], []>, transpose_lhs_hint = false} : vector<512x64xf32>, vector<64x256xf32>, vector<512x256xf32> -> vector<512x256xf32>
    %get3A_6 = arith.constant 0 : index
    %get3A_7 = arith.constant 0 : index
    %get3A_8 = vector.load %arg3[%get3A_6, %get3A_7] : memref<1x256xf32, #tpu.memory_space<vmem>>, vector<1x256xf32>
    %add3A = vector.broadcast %get3A_8 : vector<1x256xf32> to vector<512x256xf32>
    %add3A_9 = arith.addf %dot_general3A_5, %add3A : vector<512x256xf32>
    %swap3A = arith.constant 0 : index
    %swap3A_10 = arith.constant 0 : index
    %swap3A_11 = vector.load %arg4[%swap3A, %swap3A_10] : memref<512x256xf32, #tpu.memory_space<vmem>>, vector<512x256xf32>
    tpu.vector_store %arg4[%swap3A, %swap3A_10], %add3A_9 {strides = array<i32>} : memref<512x256xf32, #tpu.memory_space<vmem>>, vector<512x256xf32>,
    return
  }
  func.func @transform_0(%arg0: i32) -> (i32, i32) {
    %c0_i32 = arith.constant 0 : i32
    %c0_i32_0 = arith.constant 0 : i32
    return %arg0, %c0_i32 : i32, i32
  }
  func.func @transform_1(%arg0: i32) -> (i32, i32) {
    %c0_i32 = arith.constant 0 : i32
    %c0_i32_0 = arith.constant 0 : i32
    %c0_i32_1 = arith.constant 0 : i32
    return %c0_i32, %c0_i32_0 : i32, i32
  }
  func.func @transform_2(%arg0: i32) -> (i32, i32) {
    %c0_i32 = arith.constant 0 : i32
    %c0_i32_0 = arith.constant 0 : i32
    %c0_i32_1 = arith.constant 0 : i32
    return %c0_i32, %c0_i32_0 : i32, i32
  }
  func.func @transform_3(%arg0: i32) -> (i32, i32) {
    %c0_i32 = arith.constant 0 : i32
    %c0_i32_0 = arith.constant 0 : i32
    return %arg0, %c0_i32 : i32, i32
  }
}

module attributes {stable_mosaic.version = 14 : i64} {
  func.func @body(%arg0: i32, %arg1: memref<3x64xf32, #tpu.memory_space<vmem>>, %arg2: memref<64x256xf32, #tpu.memory_space<vmem>>, %arg3: memref<1x256xf32, #tpu.memory_space<vmem>>, %arg4: memref<3x256xf32, #tpu.memory_space<vmem>>) attributes {dimension_semantics = [#tpu.dimension_semantics<arbitrary>], iteration_bounds = array<i64: 1>, scalar_prefetch = 0 : i64, scratch_operands = 0 : i64, tpu.core_type = #tpu.core_type<tc>, window_params = [{transform_indices = @transform_0, window_bounds = array<i64: 3, 64>}, {pipeline_mode = #tpu.pipeline_mode<synchronous>, transform_indices = @transform_1, window_bounds = array<i64: 64, 256>}, {pipeline_mode = #tpu.pipeline_mode<synchronous>, transform_indices = @transform_2, window_bounds = array<i64: 1, 256>}, {transform_indices = @transform_3, window_bounds = array<i64: 3, 256>}]} {
    %get3A = arith.constant 0 : index
    %get3A_0 = arith.constant 0 : index
    %get3A_1 = vector.load %arg1[%get3A, %get3A_0] : memref<3x64xf32, #tpu.memory_space<vmem>>, vector<3x64xf32>
    %get3A_2 = arith.constant 0 : index
    %get3A_3 = arith.constant 0 : index
    %get3A_4 = vector.load %arg2[%get3A_2, %get3A_3] : memref<64x256xf32, #tpu.memory_space<vmem>>, vector<64x256xf32>
    %dot_general3A = arith.constant dense<0.000000e+00> : vector<3x256xf32>
    %dot_general3A_5 = tpu.matmul %get3A_1, %get3A_4, %dot_general3A {dimension_numbers = #tpu.dot_dimension_numbers<[1], [0], [0], [1], [0, 0, 1, 1], [], []>, transpose_lhs_hint = false} : vector<3x64xf32>, vector<64x256xf32>, vector<3x256xf32> -> vector<3x256xf32>
    %get3A_6 = arith.constant 0 : index
    %get3A_7 = arith.constant 0 : index
    %get3A_8 = vector.load %arg3[%get3A_6, %get3A_7] : memref<1x256xf32, #tpu.memory_space<vmem>>, vector<1x256xf32>
    %add3A = vector.broadcast %get3A_8 : vector<1x256xf32> to vector<3x256xf32>
    %add3A_9 = arith.addf %dot_general3A_5, %add3A : vector<3x256xf32>
    %swap3A = arith.constant 0 : index
    %swap3A_10 = arith.constant 0 : index
    %swap3A_11 = vector.load %arg4[%swap3A, %swap3A_10] : memref<3x256xf32, #tpu.memory_space<vmem>>, vector<3x256xf32>
    tpu.vector_store %arg4[%swap3A, %swap3A_10], %add3A_9 {strides = array<i32>} : memref<3x256xf32, #tpu.memory_space<vmem>>, vector<3x256xf32>,
    return
  }
  func.func @transform_0(%arg0: i32) -> (i32, i32) {
    %c0_i32 = arith.constant 0 : i32
    %c0_i32_0 = arith.constant 0 : i32
    return %arg0, %c0_i32 : i32, i32
  }
  func.func @transform_1(%arg0: i32) -> (i32, i32) {
    %c0_i32 = arith.constant 0 : i32
    %c0_i32_0 = arith.constant 0 : i32
    %c0_i32_1 = arith.constant 0 : i32
    return %c0_i32, %c0_i32_0 : i32, i32
  }
  func.func @transform_2(%arg0: i32) -> (i32, i32) {
    %c0_i32 = arith.constant 0 : i32
    %c0_i32_0 = arith.constant 0 : i32
    %c0_i32_1 = arith.constant 0 : i32
    return %c0_i32, %c0_i32_0 : i32, i32
  }
  func.func @transform_3(%arg0: i32) -> (i32, i32) {
    %c0_i32 = arith.constant 0 : i32
    %c0_i32_0 = arith.constant 0 : i32
    return %arg0, %c0_i32 : i32, i32
  }
}

module attributes {stable_mosaic.version = 14 : i64} {
  func.func @body(%arg0: i32, %arg1: memref<512x64xf32, #tpu.memory_space<vmem>>, %arg2: memref<64x256xf32, #tpu.memory_space<vmem>>, %arg3: memref<1x256xf32, #tpu.memory_space<vmem>>, %arg4: memref<512x128xi32, #tpu.memory_space<vmem>>) attributes {dimension_semantics = [#tpu.dimension_semantics<arbitrary>], iteration_bounds = array<i64: 196>, scalar_prefetch = 0 : i64, scratch_operands = 0 : i64, tpu.core_type = #tpu.core_type<tc>, window_params = [{transform_indices = @transform_0, window_bounds = array<i64: 512, 64>}, {pipeline_mode = #tpu.pipeline_mode<synchronous>, transform_indices = @transform_1, window_bounds = array<i64: 64, 256>}, {pipeline_mode = #tpu.pipeline_mode<synchronous>, transform_indices = @transform_2, window_bounds = array<i64: 1, 256>}, {transform_indices = @transform_3, window_bounds = array<i64: 512, 128>}]} {
    %get3A = arith.constant 0 : index
    %get3A_0 = arith.constant 0 : index
    %get3A_1 = vector.load %arg1[%get3A, %get3A_0] : memref<512x64xf32, #tpu.memory_space<vmem>>, vector<512x64xf32>
    %get3A_2 = arith.constant 0 : index
    %get3A_3 = arith.constant 0 : index
    %get3A_4 = vector.load %arg2[%get3A_2, %get3A_3] : memref<64x256xf32, #tpu.memory_space<vmem>>, vector<64x256xf32>
    %dot_general3A = arith.constant dense<0.000000e+00> : vector<512x256xf32>
    %dot_general3A_5 = tpu.matmul %get3A_1, %get3A_4, %dot_general3A {dimension_numbers = #tpu.dot_dimension_numbers<[1], [0], [0], [1], [0, 0, 1, 1], [], []>, transpose_lhs_hint = false} : vector<512x64xf32>, vector<64x256xf32>, vector<512x256xf32> -> vector<512x256xf32>
    %get3A_6 = arith.constant 0 : index
    %get3A_7 = arith.constant 0 : index
    %get3A_8 = vector.load %arg3[%get3A_6, %get3A_7] : memref<1x256xf32, #tpu.memory_space<vmem>>, vector<1x256xf32>
    %add3A = vector.broadcast %get3A_8 : vector<1x256xf32> to vector<512x256xf32>
    %add3A_9 = arith.addf %dot_general3A_5, %add3A : vector<512x256xf32>
    %convert_element_type3A = arith.truncf %add3A_9 : vector<512x256xf32> to vector<512x256xbf16>
    %slice3A = vector.extract_strided_slice %convert_element_type3A {offsets = [0, 0], sizes = [512, 128], strides = [1, 1]} : vector<512x256xbf16> to vector<512x128xbf16>
    %bitcast_convert_type3A = tpu.bitcast %slice3A : vector<512x128xbf16> -> vector<512x128xi16>
    %convert_element_type3A_10 = arith.extui %bitcast_convert_type3A : vector<512x128xi16> to vector<512x128xi32>
    %slice3A_11 = vector.extract_strided_slice %convert_element_type3A {offsets = [0, 128], sizes = [512, 128], strides = [1, 1]} : vector<512x256xbf16> to vector<512x128xbf16>
    %bitcast_convert_type3A_12 = tpu.bitcast %slice3A_11 : vector<512x128xbf16> -> vector<512x128xi16>
    %convert_element_type3A_13 = arith.extui %bitcast_convert_type3A_12 : vector<512x128xi16> to vector<512x128xi32>
    %shift_left3A = arith.constant 16 : i32
    %shift_left3A_14 = vector.broadcast %shift_left3A : i32 to vector<512x128xi32>
    %shift_left3A_15 = arith.shli %convert_element_type3A_13, %shift_left3A_14 : vector<512x128xi32>
    %or3A = arith.ori %convert_element_type3A_10, %shift_left3A_15 : vector<512x128xi32>
    %swap3A = arith.constant 0 : index
    %swap3A_16 = arith.constant 0 : index
    %swap3A_17 = vector.load %arg4[%swap3A, %swap3A_16] : memref<512x128xi32, #tpu.memory_space<vmem>>, vector<512x128xi32>
    tpu.vector_store %arg4[%swap3A, %swap3A_16], %or3A {strides = array<i32>} : memref<512x128xi32, #tpu.memory_space<vmem>>, vector<512x128xi32>,
    return
  }
  func.func @transform_0(%arg0: i32) -> (i32, i32) {
    %c0_i32 = arith.constant 0 : i32
    %c0_i32_0 = arith.constant 0 : i32
    return %arg0, %c0_i32 : i32, i32
  }
  func.func @transform_1(%arg0: i32) -> (i32, i32) {
    %c0_i32 = arith.constant 0 : i32
    %c0_i32_0 = arith.constant 0 : i32
    %c0_i32_1 = arith.constant 0 : i32
    return %c0_i32, %c0_i32_0 : i32, i32
  }
  func.func @transform_2(%arg0: i32) -> (i32, i32) {
    %c0_i32 = arith.constant 0 : i32
    %c0_i32_0 = arith.constant 0 : i32
    %c0_i32_1 = arith.constant 0 : i32
    return %c0_i32, %c0_i32_0 : i32, i32
  }
  func.func @transform_3(%arg0: i32) -> (i32, i32) {
    %c0_i32 = arith.constant 0 : i32
    %c0_i32_0 = arith.constant 0 : i32
    return %arg0, %c0_i32 : i32, i32
  }
}

module attributes {stable_mosaic.version = 14 : i64} {
  func.func @body(%arg0: i32, %arg1: memref<1008x256xf32, #tpu.memory_space<vmem>>, %arg2: memref<1x1x256xf32, #tpu.memory_space<vmem>>, %arg3: memref<1008x128xi32, #tpu.memory_space<vmem>>) attributes {dimension_semantics = [#tpu.dimension_semantics<arbitrary>], iteration_bounds = array<i64: 3>, scalar_prefetch = 0 : i64, scratch_operands = 0 : i64, tpu.core_type = #tpu.core_type<tc>, window_params = [{pipeline_mode = #tpu.pipeline_mode<synchronous>, transform_indices = @transform_0, window_bounds = array<i64: 1008, 256>}, {transform_indices = @transform_1, window_bounds = array<i64: 1, 1, 256>}, {transform_indices = @transform_2, window_bounds = array<i64: 1008, 128>}]} {
    %get3A = arith.constant 0 : index
    %get3A_0 = arith.constant 0 : index
    %get3A_1 = vector.load %arg1[%get3A, %get3A_0] : memref<1008x256xf32, #tpu.memory_space<vmem>>, vector<1008x256xf32>
    %get3A_2 = arith.constant 0 : index
    %get3A_3 = arith.constant 0 : index
    %get3A_4 = arith.constant 0 : index
    %get3A_5 = vector.load %arg2[%get3A_2, %get3A_3, %get3A_4] : memref<1x1x256xf32, #tpu.memory_space<vmem>>, vector<1x1x256xf32>
    %get3A_6 = vector.shape_cast %get3A_5 : vector<1x1x256xf32> to vector<1x256xf32>
    %add3A = vector.broadcast %get3A_6 : vector<1x256xf32> to vector<1008x256xf32>
    %add3A_7 = arith.addf %get3A_1, %add3A : vector<1008x256xf32>
    %convert_element_type3A = arith.truncf %add3A_7 : vector<1008x256xf32> to vector<1008x256xbf16>
    %slice3A = vector.extract_strided_slice %convert_element_type3A {offsets = [0, 0], sizes = [1008, 128], strides = [1, 1]} : vector<1008x256xbf16> to vector<1008x128xbf16>
    %bitcast_convert_type3A = tpu.bitcast %slice3A : vector<1008x128xbf16> -> vector<1008x128xi16>
    %convert_element_type3A_8 = arith.extui %bitcast_convert_type3A : vector<1008x128xi16> to vector<1008x128xi32>
    %slice3A_9 = vector.extract_strided_slice %convert_element_type3A {offsets = [0, 128], sizes = [1008, 128], strides = [1, 1]} : vector<1008x256xbf16> to vector<1008x128xbf16>
    %bitcast_convert_type3A_10 = tpu.bitcast %slice3A_9 : vector<1008x128xbf16> -> vector<1008x128xi16>
    %convert_element_type3A_11 = arith.extui %bitcast_convert_type3A_10 : vector<1008x128xi16> to vector<1008x128xi32>
    %shift_left3A = arith.constant 16 : i32
    %shift_left3A_12 = vector.broadcast %shift_left3A : i32 to vector<1008x128xi32>
    %shift_left3A_13 = arith.shli %convert_element_type3A_11, %shift_left3A_12 : vector<1008x128xi32>
    %or3A = arith.ori %convert_element_type3A_8, %shift_left3A_13 : vector<1008x128xi32>
    %swap3A = arith.constant 0 : index
    %swap3A_14 = arith.constant 0 : index
    %swap3A_15 = vector.load %arg3[%swap3A, %swap3A_14] : memref<1008x128xi32, #tpu.memory_space<vmem>>, vector<1008x128xi32>
    tpu.vector_store %arg3[%swap3A, %swap3A_14], %or3A {strides = array<i32>} : memref<1008x128xi32, #tpu.memory_space<vmem>>, vector<1008x128xi32>,
    return
  }
  func.func @transform_0(%arg0: i32) -> (i32, i32) {
    %c0_i32 = arith.constant 0 : i32
    %c0_i32_0 = arith.constant 0 : i32
    %c0_i32_1 = arith.constant 0 : i32
    return %c0_i32, %c0_i32_0 : i32, i32
  }
  func.func @transform_1(%arg0: i32) -> (i32, i32, i32) {
    %c0_i32 = arith.constant 0 : i32
    %c0_i32_0 = arith.constant 0 : i32
    %c0_i32_1 = arith.constant 0 : i32
    return %arg0, %c0_i32, %c0_i32_0 : i32, i32, i32
  }
  func.func @transform_2(%arg0: i32) -> (i32, i32) {
    %c0_i32 = arith.constant 0 : i32
    %c0_i32_0 = arith.constant 0 : i32
    return %arg0, %c0_i32 : i32, i32
  }
}

module attributes {stable_mosaic.version = 14 : i64} {
  func.func @body(%arg0: i32, %arg1: memref<304x256xf32, #tpu.memory_space<vmem>>, %arg2: memref<1x1x256xf32, #tpu.memory_space<vmem>>, %arg3: memref<304x128xi32, #tpu.memory_space<vmem>>) attributes {dimension_semantics = [#tpu.dimension_semantics<arbitrary>], iteration_bounds = array<i64: 1001>, scalar_prefetch = 0 : i64, scratch_operands = 0 : i64, tpu.core_type = #tpu.core_type<tc>, window_params = [{pipeline_mode = #tpu.pipeline_mode<synchronous>, transform_indices = @transform_0, window_bounds = array<i64: 304, 256>}, {transform_indices = @transform_1, window_bounds = array<i64: 1, 1, 256>}, {transform_indices = @transform_2, window_bounds = array<i64: 304, 128>}]} {
    %get3A = arith.constant 0 : index
    %get3A_0 = arith.constant 0 : index
    %get3A_1 = vector.load %arg1[%get3A, %get3A_0] : memref<304x256xf32, #tpu.memory_space<vmem>>, vector<304x256xf32>
    %get3A_2 = arith.constant 0 : index
    %get3A_3 = arith.constant 0 : index
    %get3A_4 = arith.constant 0 : index
    %get3A_5 = vector.load %arg2[%get3A_2, %get3A_3, %get3A_4] : memref<1x1x256xf32, #tpu.memory_space<vmem>>, vector<1x1x256xf32>
    %get3A_6 = vector.shape_cast %get3A_5 : vector<1x1x256xf32> to vector<1x256xf32>
    %add3A = vector.broadcast %get3A_6 : vector<1x256xf32> to vector<304x256xf32>
    %add3A_7 = arith.addf %get3A_1, %add3A : vector<304x256xf32>
    %convert_element_type3A = arith.truncf %add3A_7 : vector<304x256xf32> to vector<304x256xbf16>
    %slice3A = vector.extract_strided_slice %convert_element_type3A {offsets = [0, 0], sizes = [304, 128], strides = [1, 1]} : vector<304x256xbf16> to vector<304x128xbf16>
    %bitcast_convert_type3A = tpu.bitcast %slice3A : vector<304x128xbf16> -> vector<304x128xi16>
    %convert_element_type3A_8 = arith.extui %bitcast_convert_type3A : vector<304x128xi16> to vector<304x128xi32>
    %slice3A_9 = vector.extract_strided_slice %convert_element_type3A {offsets = [0, 128], sizes = [304, 128], strides = [1, 1]} : vector<304x256xbf16> to vector<304x128xbf16>
    %bitcast_convert_type3A_10 = tpu.bitcast %slice3A_9 : vector<304x128xbf16> -> vector<304x128xi16>
    %convert_element_type3A_11 = arith.extui %bitcast_convert_type3A_10 : vector<304x128xi16> to vector<304x128xi32>
    %shift_left3A = arith.constant 16 : i32
    %shift_left3A_12 = vector.broadcast %shift_left3A : i32 to vector<304x128xi32>
    %shift_left3A_13 = arith.shli %convert_element_type3A_11, %shift_left3A_12 : vector<304x128xi32>
    %or3A = arith.ori %convert_element_type3A_8, %shift_left3A_13 : vector<304x128xi32>
    %swap3A = arith.constant 0 : index
    %swap3A_14 = arith.constant 0 : index
    %swap3A_15 = vector.load %arg3[%swap3A, %swap3A_14] : memref<304x128xi32, #tpu.memory_space<vmem>>, vector<304x128xi32>
    tpu.vector_store %arg3[%swap3A, %swap3A_14], %or3A {strides = array<i32>} : memref<304x128xi32, #tpu.memory_space<vmem>>, vector<304x128xi32>,
    return
  }
  func.func @transform_0(%arg0: i32) -> (i32, i32) {
    %c0_i32 = arith.constant 0 : i32
    %c0_i32_0 = arith.constant 0 : i32
    %c0_i32_1 = arith.constant 0 : i32
    return %c0_i32, %c0_i32_0 : i32, i32
  }
  func.func @transform_1(%arg0: i32) -> (i32, i32, i32) {
    %c0_i32 = arith.constant 0 : i32
    %c0_i32_0 = arith.constant 0 : i32
    %c0_i32_1 = arith.constant 0 : i32
    return %arg0, %c0_i32, %c0_i32_0 : i32, i32, i32
  }
  func.func @transform_2(%arg0: i32) -> (i32, i32) {
    %c0_i32 = arith.constant 0 : i32
    %c0_i32_0 = arith.constant 0 : i32
    return %arg0, %c0_i32 : i32, i32
  }
}

</mosaic_0001>

<sc_bundles>
// kernel: kernel.10.cloned.1.call-start
scs
__scs_entry_jumppad:
0x0: {  	(pc) =	sbr.rel $0x88, $3  }
0x1: {  	(tag) =	ssettag $0x0;
	lr =	simm.s32 $0x1  }
0x2: {  	[smem:$0x3F95] =	sst lr;
	_ =	strace $0xD0000000  }
0x3: {  	_ = 	snop  }
0x4: {  	_ = 	snop  }
0x5: {  	_ = 	snop  }
0x6: {  	_ = 	snop  }
0x7: {  	_ = 	snop  }
__scs_overlays_trampoline_lowered:
0x8: {  	[smem:$0x3FA4] =	sst s0  }
0x9: {  	[smem:$0x3FA5] =	sst s1  }
0xa: {  	[smem:$0x3FA6] =	sst s2  }
0xb: {  	[smem:$0x3FA7] =	sst s3  }
0xc: {  	[smem:$0x3FA8] =	sst s4  }
0xd: {  	[smem:$0x3FA9] =	sst s5  }
0xe: {  	[smem:$0x3FAA] =	sst s6  }
0xf: {  	[smem:$0x3FAB] =	sst s7  }
0x10: {  	[smem:$0x3FAC] =	sst s8  }
0x11: {  	[smem:$0x3FAD] =	sst s9;
	s0 =	simm.s32 @!p0 $0x0  }
0x12: {  	s1 =	sld [smem:$0x3F93];
	s0 =	simm.s32 @p0 $0x1  }
0x13: {  	[smem:$0x3FAE] =	sst s0;
	s0 =	simm.s32 @!p1 $0x0  }
0x14: {  	s2 =	sld [smem:$0x3F92];
	s0 =	simm.s32 @p1 $0x1  }
0x15: {  	[smem:$0x3FAF] =	sst s0;
	s0 =	simm.s32 @!p2 $0x0  }
0x16: {  	s3 =	sld [smem:$0x3FDB];
	s0 =	simm.s32 @p2 $0x1  }
0x17: {  	s4 =	simm.s32 $0x1BF5;
	[smem:$0x3FB1] =	sst s0  }
0x18: {  	s0 =	sld [smem:$0x3F94];
	_ =	swait.ge [sflag:s4], $0x0  }
0x19: {  	s7 =	sld [smem:$0x3F95]  }
0x1a: {  	s8 =	sadd.s32 $0xFFFFE003, lr  }
0x1b: {  	s9 =	sadd.s32 $0xFFFFFEF7, lr;
	s5 =	simm.s32 $0xFFFFFFFF;
	p2 =	slt.u32 s8, $0xFFFFF086  }
0x1c: {  	p1 =	slt.u32 s9, $0xF7A;
	s5 =	simm.s32 @!p2 $0x0  }
0x1d: {  	s5 =	simm.s32 @p1 $0x1;
	p0 =	seq.s32 s7, s2  }
0x1e: {  	s7 =	smul.u32 @!p0 $0xF7A, s2;
	p2 =	seq.s32 @!p0 s5, $0x0  }
0x1f: {  	s9 =	smul.u32 $0xF7A, s1;
	s8 =	simm.s32 @!p0 $0x1BF5;
	p2 =	por !p2, p0  }
0x20: {  	[sflag:s8] =	ssyncset.s32 @!p0 $0xFFFFF086;
	s6 =	sadd.s32 @!p0 s3, s7;
	s7 =	simm.s32 @!p0 $0x108  }
0x21: {  	s3 =	sadd.s32 s3, s9;
	s6 =	sadd.s32 @!p0 $0x88, s6;
	s7 =	simm.s32 @p2 $0x1082  }
0x22: {  	[simem:s7], [sflag:s8] =	dma.local @!p0 [hbm:s6], $0xF7A  }
0x23: {  	s9 =	sor.u32 $0xD0000000, s2;
	s6 =	simm.s32 $0x108;
	_ =	swait.ge @!p0 [sflag:s8], $0x0  }
0x24: {  	s3 =	sadd.s32 $0x88, s3;
	s6 =	simm.s32 @!p1 $0x1082;
	[sflag:s4] =	ssyncset.s32 $0xFFFFF086  }
0x25: {  	[simem:s6], [sflag:s4] =	dma.local [hbm:s3], $0xF7A  }
0x26: {  	[smem:$0x3F95] =	sst s1;
	(tag) =	ssettag s2;
	_ =	strace s9  }
0x27: {  	s1 =	sld [smem:$0x3FA5]  }
0x28: {  	s2 =	sld [smem:$0x3FA6]  }
0x29: {  	s4 =	sld [smem:$0x3FA8]  }
0x2a: {  	p0 =	seq.s32 s5, $0x0;
	s5 =	sld [smem:$0x3FA9]  }
0x2b: {  	s6 =	sld [smem:$0x3FAA]  }
0x2c: {  	s7 =	sld [smem:$0x3FAB]  }
0x2d: {  	s3 =	simm.s32 $0x108;
	s8 =	sld [smem:$0x3FAC]  }
0x2e: {  	s3 =	simm.s32 @!p0 $0x1082;
	s9 =	sld [smem:$0x3FAD]  }
0x2f: {  	lr =	sadd.s32 s0, s3;
	s0 =	sld [smem:$0x3FA4]  }
0x30: {  	s3 =	sld [smem:$0x3FA7]  }
0x31: {  	[smem:$0x3FB0] =	sst s10  }
0x32: {  	s10 =	sld [smem:$0x3FAE];
	_ =	sdelay $0x3  }
0x33: {  	p0 =	seq.s32 s10, $0x1;
	s10 =	sld [smem:$0x3FB0];
	_ =	sdelay $0x3  }
0x34: {  	[smem:$0x3FB0] =	sst s10  }
0x35: {  	s10 =	sld [smem:$0x3FAF];
	_ =	sdelay $0x3  }
0x36: {  	p1 =	seq.s32 s10, $0x1;
	s10 =	sld [smem:$0x3FB0];
	_ =	sdelay $0x3  }
0x37: {  	[smem:$0x3FB0] =	sst s10  }
0x38: {  	s10 =	sld [smem:$0x3FB1]  }
0x39: {  	_ = 	snop;
	(pc) =	sbr.ind lr, $3  }
0x3a: {  	_ = 	snop  }
0x3b: {  	_ = 	snop  }
0x3c: {  	p2 =	seq.s32 s10, $0x1;
	s10 =	sld [smem:$0x3FB0]  }
0x3d: {  	_ =	shalt  }
0x3e: {  	_ =	shalt  }
0x3f: {  	_ =	shalt  }
0x40: {  	_ =	shalt  }
0x41: {  	_ =	shalt  }
0x42: {  	_ =	shalt  }
0x43: {  	_ =	shalt  }
0x44: {  	_ =	shalt  }
0x45: {  	_ =	shalt  }
0x46: {  	_ =	shalt  }
0x47: {  	_ =	shalt  }
0x48: {  	_ =	shalt  }
0x49: {  	_ =	shalt  }
0x4a: {  	_ =	shalt  }
0x4b: {  	_ =	shalt  }
0x4c: {  	_ =	shalt  }
0x4d: {  	_ =	shalt  }
0x4e: {  	_ =	shalt  }
0x4f: {  	_ =	shalt  }
0x50: {  	_ =	shalt  }
0x51: {  	_ =	shalt  }
0x52: {  	_ =	shalt  }
0x53: {  	_ =	shalt  }
0x54: {  	_ =	shalt  }
0x55: {  	_ =	shalt  }
0x56: {  	_ =	shalt  }
0x57: {  	_ =	shalt  }
0x58: {  	_ =	shalt  }
0x59: {  	_ =	shalt  }
0x5a: {  	_ =	shalt  }
0x5b: {  	_ =	shalt  }
0x5c: {  	_ =	shalt  }
0x5d: {  	_ =	shalt  }
0x5e: {  	_ =	shalt  }
0x5f: {  	_ =	shalt  }
0x60: {  	_ =	shalt  }
0x61: {  	_ =	shalt  }
0x62: {  	_ =	shalt  }
0x63: {  	_ =	shalt  }
0x64: {  	_ =	shalt  }
0x65: {  	_ =	shalt  }
0x66: {  	_ =	shalt  }
0x67: {  	_ =	shalt  }
0x68: {  	_ =	shalt  }
0x69: {  	_ =	shalt  }
0x6a: {  	_ =	shalt  }
0x6b: {  	_ =	shalt  }
0x6c: {  	_ =	shalt  }
0x6d: {  	_ =	shalt  }
0x6e: {  	_ =	shalt  }
0x6f: {  	_ =	shalt  }
0x70: {  	_ =	shalt  }
0x71: {  	_ =	shalt  }
0x72: {  	_ =	shalt  }
0x73: {  	_ =	shalt  }
0x74: {  	_ =	shalt  }
0x75: {  	_ =	shalt  }
0x76: {  	_ =	shalt  }
0x77: {  	_ =	shalt  }
0x78: {  	_ =	shalt  }
0x79: {  	_ =	shalt  }
0x7a: {  	_ =	shalt  }
0x7b: {  	_ =	shalt  }
0x7c: {  	_ =	shalt  }
0x7d: {  	_ =	shalt  }
0x7e: {  	_ =	shalt  }
0x7f: {  	_ =	shalt  }
0x80: {  	_ =	shalt  }
0x81: {  	_ =	shalt  }
0x82: {  	_ =	shalt  }
0x83: {  	_ =	shalt  }
0x84: {  	_ =	shalt  }
0x85: {  	_ =	shalt  }
0x86: {  	_ =	shalt  }
0x87: {  	_ =	shalt  }
.Lfunc_end0:
.L_simem_size_0:
called_computation.1_lowered:
.L_overlay_start_0:
0x88: {  	s2 =	sld [smem:$0x3FD9]  }
0x89: {  	s3 =	sld [smem:$0x3FFE];
	_ =	sdelay $0x1  }
0x8a: {  	s1 =	srdreg.scid  }
0x8b: {  	s0 =	sand.u32 $0x1, s1  }
0x8c: {  	s17 =	sshll.u32 s0, $0xA;
	s2 =	sadd.s32 s3, s2  }
0x8d: {  	s2 =	sadd.s32 s2, s17  }
0x8e: {  	[smem:$0x3FBC] =	sst s2  }
0x8f: {  	_ = 	snop  }
0x90: {  	s2 =	sld [smem:$0x3FD0];
	(tm) =	ssettm $0x1  }
0x91: {  	s18 =	sld [smem:$0x3FFB];
	_ =	sdelay $0x3  }
0x92: {  	_ =	strace s18  }
0x93: {  	s3 =	sld [smem:$0x3FFC];
	_ =	sdelay $0x3  }
0x94: {  	_ =	strace s3  }
0x95: {  	s3 =	sld [smem:$0x3FFD];
	_ =	sdelay $0x3  }
0x96: {  	_ =	strace s3  }
0x97: {  	_ =	strace $0x8FFFFFFF  }
0x98: {  	s19 =	sld [smem:$0x3FDB];
	_ =	sdelay $0x1  }
0x99: {  	s4 =	simm.s32 $_scs_section_size  }
0x9a: {  	s5 =	simm.s32 $_size__tile_overlayer_lowered;
	s6 =	simm.s32 $_tile_overlayer_lowered  }
0x9b: {  	s22 =	simm.s32 $0x1BFF;
	s21 =	sshll.u32 s6, $0x1;
	s3 =	sadd.s32 s4, s19  }
0x9c: {  	s7 =	simm.s32 $0x0;
	s20 =	sshll.u32 s5, $0x1;
	s5 =	sadd.s32 s21, s3  }
0x9d: {  	[timem:s7], [sflag:s22] =	dma.local [hbm:s5], s20  }
0x9e: {  	_ =	swait.ge [sflag:s22], s20  }
0x9f: {  	s4 =	ssub.s32 $0x0, s20;
	[sflag:s22] =	ssyncset.done $0x0  }
0xa0: {  	[sflag:s22] =	ssyncadd.s32 s4;
	_ =	sdelay $0x1  }
0xa1: {  	s23 =	simm.s32 $0x1B8B  }
0xa2: {  	_ =	swait.ge [sflag:s23], $0x1  }
0xa3: {  	[sflag:s23] =	ssyncset.done $0x0  }
0xa4: {  	s25 =	simm.s32 $0x1B8E;
	s24 =	sld [smem:$0x3FFE];
	[sflag:s23] =	ssyncadd.s32 $0xFFFFFFFF  }
0xa5: {  	s26 =	simm.s32 $execute0_lowered;
	[smem:$0x3FD2] =	sst s25  }
0xa6: {  	s5 =	sshll.u32 s26, $0x1;
	_ =	strace $0x80000046;
	[dreg:$0x1] =	wrdreg $0xFFFFFFFF  }
0xa7: {  	s28 =	simm.s32 $_size_execute0_lowered;
	s3 =	sadd.s32 s3, s5;
	[dreg:$0x0] =	wrdreg $0x0  }
0xa8: {  	s5 =	sshll.u32 s28, $0x1;
	[dreg:$0x2] =	wrdreg s3  }
0xa9: {  	[dreg:$0x3] =	wrdreg s5  }
0xaa: {  	[dreg:$0x4] =	wrdreg $0xC0  }
0xab: {  	_ =	task [dreg:s7], $0x5FFFF  }
0xac: {  	[dreg:$0x1] =	wrdreg $0xFFFFFFFF  }
0xad: {  	[dreg:$0x0] =	wrdreg $0x60  }
0xae: {  	[dreg:$0x2] =	wrdreg s24  }
0xaf: {  	[dreg:$0x3] =	wrdreg s2  }
0xb0: {  	[dreg:$0x4] =	wrdreg $0x9  }
0xb1: {  	_ =	task.clear_ibuf [dreg:s7], $0x5FFFF;
	_ =	strace $0x90000046  }
0xb2: {  	s29 =	simm.s32 $0x9;
	_ =	strace $0x80000048  }
0xb3: {  	_ =	swait.ge [sflag:s29], $0x1  }
0xb4: {  	[sflag:s29] =	ssyncadd.s32 $0xFFFFFFFF  }
0xb5: {  	_ =	strace $0x90000048  }
0xb6: {  	_ =	sfence  }
0xb7: {  	s30 =	sld [smem:$0x0];
	_ =	sdelay $0x2  }
0xb8: {  	s31 =	sshll.u32 s1, $0xD;
	s1 =	sshrl.u32 s1, $0x2  }
0xb9: {  	s3 =	sand.u32 $0x4000, s31;
	s1 =	sadd.s32 s1, s30  }
0xba: {  	s0 =	sor.u32 s3, s0;
	s1 =	sshll.u32 s1, $0x11  }
0xbb: {  	s0 =	sor.u32 s1, s0  }
0xbc: {  	s0 =	sadd.s32 $0x8F2B, s0  }
0xbd: {  	[sflag:s0] =	ssyncadd.remote.s32 $0x1  }
0xbe: {  	_ =	sfence.sel $0xFFFF  }
0xbf: {  	[dreg:$0x0] =	wrdreg $0xFFFFFFFF;
	(pc) =	sbr.abs _section_cstart, $3  }
0xc0: {  	[dreg:$0x1] =	wrdreg $0xFFFFFFFF  }
0xc1: {  	_ =	task.clear_ibuf [dreg:s7], $0x2FFFF;
	_ =	strace $0x9FFFFFFF  }
0xc2: {  	(tm) =	ssettm $0x7FFFFFFF  }
0xc3: {  	_ =	shalt  }
tec
execute0_lowered:
.L_overlay_start_1:
0x0: {  	(tag) =	ssettag $0x1  }
0x1: {  	s0 =	rddreg [dreg:$0x0]  }
0x2: {  	s26 =	rddreg [dreg:$0x1];
	s1 =	simm.s32 $0x0  }
0x3: {  	s21 =	srdreg.scid;
	[smem:$0x7FF] =	sst s1;
	s19 =	sadd.s32 $0xCB400, s0  }
0x4: {  	s20 =	sadd.s32 $0x3400, s0;
	_ =	strace $0x80000047;
	[dreg:$0x6] =	wrdreg s19  }
0x5: {  	s2 =	stileid.u32;
	s3 =	sadd.s32 $0x67400, s0;
	[dreg:$0x7] =	wrdreg s20  }
0x6: {  	s29 =	sadd.s32 $0xFD400, s0;
	s22 =	sadd.s32 $0x99400, s0;
	[dreg:$0x8] =	wrdreg s3  }
0x7: {  	s30 =	sadd.s32 $0x109200, s0;
	s24 =	sadd.s32 $0x35400, s0;
	[dreg:$0x9] =	wrdreg s22  }
0x8: {  	s1 =	sand.u32 $0x1, s21;
	s2 =	sshll.u32 s2, $0x1;
	[dreg:$0xa] =	wrdreg s24  }
0x9: {  	s23 =	ssub.s32 $0x2, s1;
	s1 =	sor.u32 s1, s2;
	[dreg:$0x4] =	wrdreg s29  }
0xa: {  	s31 =	sadd.s32 $0x28FE00, s0;
	[dreg:$0x5] =	wrdreg s30;
	s4 =	smul.u32 $0x190, s1  }
0xb: {  	[dreg:$0xc] =	wrdreg s31;
	s25 =	sshrl.u32 s23, $0x1;
	s1 =	smul.u32 $0x640000, s1  }
0xc: {  	s28 =	ssub.s32 s23, s25;
	[dreg:$0xb] =	wrdreg s4  }
0xd: {  	s5 =	simm.s32 $0x800;
	[dreg:$0xd] =	wrdreg s1;
	s0 =	smax.u32 s28, $0x1  }
0xe: {  	s6 =	simm.s32 $0x1000;
	s2 =	simm.s32 $0x0;
	[dreg:$0xe] =	wrdreg s0  }
.LBB2_1:
0xf: {  	[dreg:$0xf] =	wrdreg s2;
	s0 =	simm.s32 $0x0  }
.LBB2_2:
0x10: {  	s1 =	sshll.u32 s0, $0x3;
	s21 =	rddreg [dreg:$0xb]  }
0x11: {  	[dreg:$0x10] =	wrdreg s0;
	s0 =	sadd.s32 s21, s1  }
0x12: {  	s22 =	rddreg [dreg:$0x6];
	s2 =	simm.s32 $0x0;
	s0 =	sshll.u32 s0, $0x4  }
0x13: {  	s3 =	simm.s32 $0x4;
	[dreg:$0x11] =	wrdreg s1;
	s1 =	sadd.s32 s22, s0  }
0x14: {  	[tilespmem:s2], [sflag:$0x4] =	stream.linear.gather [hbm4b:s1+s2], $0x400, $0x38;
	[tilespmem:$0x11400] =	vst v63  }
0x15: {  	_ =	swait.ge [sflag:s3], $0x400  }
0x16: {  	[sflag:s3] =	ssyncset.done $0x0;
	s23 =	rddreg [dreg:$0x7]  }
0x17: {  	s4 =	simm.s32 $0x400;
	[sflag:s3] =	ssyncadd.s32 $0xFFFFFC00;
	s1 =	sadd.s32 s23, s0  }
0x18: {  	[tilespmem:s4], [sflag:$0x4] =	stream.linear.gather [hbm4b:s1+s2], $0x400, $0x38;
	[tilespmem:$0x11400] =	vst v63  }
0x19: {  	_ =	swait.ge [sflag:s3], $0x400  }
0x1a: {  	[sflag:s3] =	ssyncset.done $0x0;
	s24 =	rddreg [dreg:$0x8]  }
0x1b: {  	[sflag:s3] =	ssyncadd.s32 $0xFFFFFC00;
	s1 =	sadd.s32 s24, s0  }
0x1c: {  	[tilespmem:s5], [sflag:$0x4] =	stream.linear.gather [hbm4b:s1+s2], $0x400, $0x38;
	[tilespmem:$0x11400] =	vst v63  }
0x1d: {  	_ =	swait.ge [sflag:s3], $0x400  }
0x1e: {  	[sflag:s3] =	ssyncset.done $0x0;
	s25 =	rddreg [dreg:$0x9]  }
0x1f: {  	s28 =	simm.s32 $0xC00;
	[sflag:s3] =	ssyncadd.s32 $0xFFFFFC00;
	s1 =	sadd.s32 s25, s0  }
0x20: {  	[tilespmem:s28], [sflag:$0x4] =	stream.linear.gather [hbm4b:s1+s2], $0x400, $0x38;
	[tilespmem:$0x11400] =	vst v63  }
0x21: {  	_ =	swait.ge [sflag:s3], $0x400  }
0x22: {  	[sflag:s3] =	ssyncset.done $0x0;
	s31 =	rddreg [dreg:$0xa]  }
0x23: {  	[sflag:s3] =	ssyncadd.s32 $0xFFFFFC00;
	s0 =	sadd.s32 s31, s0  }
0x24: {  	[tilespmem:s6], [sflag:$0x4] =	stream.linear.gather [hbm4b:s0+s2], $0x400, $0x38;
	[tilespmem:$0x11400] =	vst v63  }
0x25: {  	_ =	swait.ge [sflag:s3], $0x400  }
0x26: {  	[sflag:s3] =	ssyncset.done $0x0  }
0x27: {  	s0 =	simm.s32 $0x0;
	[sflag:s3] =	ssyncadd.s32 $0xFFFFFC00  }
0x28: {  	v5 =	vld [tilespmem:s0+$0x400]  }
0x29: {  	v4 =	vld [tilespmem:s0+$0xC00]  }
0x2a: {  	v3 =	vld [tilespmem:s0+$0x410]  }
0x2b: {  	v2 =	vld [tilespmem:s0+$0xC10]  }
0x2c: {  	v1 =	vld [tilespmem:s0+$0x420]  }
0x2d: {  	v0 =	vld [tilespmem:s0+$0xC20]  }
0x2e: {  	v6 =	vld [tilespmem:s0+$0x0]  }
0x2f: {  	v11 =	vld [tilespmem:s0+$0x800]  }
0x30: {  	v10 =	vld [tilespmem:s0+$0x10]  }
0x31: {  	v9 =	vld [tilespmem:s0+$0x810]  }
0x32: {  	v8 =	vld [tilespmem:s0+$0x20]  }
0x33: {  	v7 =	vld [tilespmem:s0+$0x820];
	v12 =	vmul.u32 $0x3F0, v6  }
0x34: {  	s1 =	simm.s32 $0x200;
	v11 =	vmul.u32 $0x130, v11;
	v6 =	vld [tilespmem:s0+$0x30]  }
.LBB2_3:
0x35: {  	p0 =	sne.s32 s1, $0xE00;
	v5 =	vadd.s32 v5, v12;
	v10 =	vmul.u32 $0x3F0, v10;
	v12 =	vld [tilespmem:s0+$0x830]  }
0x36: {  	[tilespmem:s0+$0x0] =	vst v5;
	v4 =	vadd.s32 v4, v11;
	v9 =	vmul.u32 $0x130, v9;
	v11 =	vld [tilespmem:s0+$0x430]  }
0x37: {  	s2 =	sshra.s32 s1, $0x2;
	[tilespmem:s0+$0x800] =	vst v4;
	v3 =	vadd.s32 v3, v10;
	v8 =	vmul.u32 $0x3F0, v8;
	v10 =	vld [tilespmem:s0+$0xC30]  }
0x38: {  	v5 =	vld [tilespmem:s2+$0x400];
	[tilespmem:s0+$0x10] =	vst v3;
	v2 =	vadd.s32 v2, v9;
	v7 =	vmul.u32 $0x130, v7  }
0x39: {  	v4 =	vld [tilespmem:s2+$0xC00];
	[tilespmem:s0+$0x810] =	vst v2;
	v1 =	vadd.s32 v1, v8;
	v6 =	vmul.u32 $0x3F0, v6  }
0x3a: {  	v3 =	vld [tilespmem:s2+$0x410];
	[tilespmem:s0+$0x20] =	vst v1;
	v0 =	vadd.s32 v0, v7;
	v7 =	vmul.u32 $0x130, v12  }
0x3b: {  	v2 =	vld [tilespmem:s2+$0xC10];
	[tilespmem:s0+$0x820] =	vst v0;
	v0 =	vadd.s32 v11, v6  }
0x3c: {  	v1 =	vld [tilespmem:s2+$0x420];
	[tilespmem:s0+$0x30] =	vst v0;
	v6 =	vadd.s32 v10, v7  }
0x3d: {  	v0 =	vld [tilespmem:s2+$0xC20];
	[tilespmem:s0+$0x830] =	vst v6;
	s0 =	smov.u32 s2  }
0x3e: {  	v6 =	vld [tilespmem:s0+$0x0]  }
0x3f: {  	v11 =	vld [tilespmem:s0+$0x800]  }
.Ltmp0:
0x40: {  	v10 =	vld [tilespmem:s0+$0x10];
	(pc) =	sbr.rel @p0 .LBB2_3-.Ltmp0, $4  }
0x41: {  	v9 =	vld [tilespmem:s0+$0x810]  }
0x42: {  	v8 =	vld [tilespmem:s0+$0x20]  }
0x43: {  	v12 =	vmul.u32 $0x3F0, v6;
	v7 =	vld [tilespmem:s0+$0x820]  }
0x44: {  	s1 =	sadd.s32 $0x200, s1;
	v11 =	vmul.u32 $0x130, v11;
	v6 =	vld [tilespmem:s0+$0x30]  }
0x45: {  	v5 =	vadd.s32 v5, v12;
	v54 =	vld [tilespmem:s0+$0x830];
	v55 =	vmul.u32 $0x3F0, v10  }
0x46: {  	v56 =	vld [tilespmem:s0+$0x430];
	[tilespmem:s0+$0x0] =	vst v5;
	v4 =	vadd.s32 v4, v11;
	v9 =	vmul.u32 $0x130, v9  }
0x47: {  	v58 =	vld [tilespmem:s0+$0xC30];
	[tilespmem:s0+$0x800] =	vst v4;
	v3 =	vadd.s32 v3, v55;
	v57 =	vmul.u32 $0x3F0, v8  }
0x48: {  	[tilespmem:s0+$0x10] =	vst v3;
	v2 =	vadd.s32 v2, v9;
	v59 =	vmul.u32 $0x130, v7  }
0x49: {  	[tilespmem:s0+$0x810] =	vst v2;
	v1 =	vadd.s32 v1, v57;
	v60 =	vmul.u32 $0x3F0, v6  }
0x4a: {  	[tilespmem:s0+$0x20] =	vst v1;
	v0 =	vadd.s32 v0, v59;
	v61 =	vmul.u32 $0x130, v54  }
0x4b: {  	[tilespmem:s0+$0x820] =	vst v0;
	v62 =	vadd.s32 v56, v60  }
0x4c: {  	[tilespmem:s0+$0x30] =	vst v62;
	v63 =	vadd.s32 v58, v61  }
0x4d: {  	s2 =	simm.s32 $0x0;
	s25 =	simm.s32 $0x40;
	s1 =	simm.s32 $0x1400;
	[tilespmem:s0+$0x830] =	vst v63  }
0x4e: {  	[tilespmem:s1], [sflag:$0x1] =	stream.indirect.gather [hbm4b:s29+s25], $0x80, s2, s25, $0xb8;
	[tilespmem:$0x11400] =	vst v63  }
0x4f: {  	s28 =	simm.s32 $0x5400  }
0x50: {  	[tilespmem:s28], [sflag:$0x1] =	stream.indirect.gather [hbm4b:s26+s25], $0x80, s5, s25, $0xb8;
	[tilespmem:$0x11400] =	vst v63  }
0x51: {  	s31 =	simm.s32 $0x9400;
	s4 =	simm.s32 $0x0  }
0x52: {  	[tilespmem:s31], [sflag:$0x1] =	stream.indirect.gather [hbm4b:s30+s25], $0x80, s6, s25, $0xb8;
	[tilespmem:$0x11400] =	vst v63  }
.LBB2_5:
0x53: {  	s0 =	sshllo.u32 s4, $0x1;
	s2 =	simm.s32 $0x40  }
0x54: {  	s1 =	simm.s32 $0x3400;
	[dreg:$0x13] =	wrdreg s0;
	s0 =	sshll.u32 s0, $0x7  }
0x55: {  	[tilespmem:s1], [sflag:$0x2] =	stream.indirect.gather [hbm4b:s29+s2], $0x80, s0, s2, $0xb8;
	[tilespmem:$0x11400] =	vst v63  }
0x56: {  	s3 =	simm.s32 $0x7400;
	s19 =	sadd.s32 $0x800, s0  }
0x57: {  	[tilespmem:s3], [sflag:$0x2] =	stream.indirect.gather [hbm4b:s26+s2], $0x80, s19, s2, $0xb8;
	[tilespmem:$0x11400] =	vst v63  }
0x58: {  	s20 =	simm.s32 $0xB400;
	s21 =	simm.s32 $0x1;
	s0 =	sadd.s32 $0x1000, s0  }
0x59: {  	[tilespmem:s20], [sflag:$0x2] =	stream.indirect.gather [hbm4b:s30+s2], $0x80, s0, s2, $0xb8;
	[tilespmem:$0x11400] =	vst v63  }
0x5a: {  	_ =	swait.ge [sflag:s21], $0x2000  }
0x5b: {  	[sflag:s21] =	ssyncset.done $0x0  }
0x5c: {  	[sflag:s21] =	ssyncadd.s32 $0xFFFFE000  }
0x5d: {  	_ =	swait.ge [sflag:s21], $0x2000  }
0x5e: {  	[dreg:$0x12] =	wrdreg s4;
	[sflag:s21] =	ssyncset.done $0x0  }
0x5f: {  	s22 =	sshll.u32 s4, $0x1;
	s23 =	rddreg [dreg:$0x11];
	[sflag:s21] =	ssyncadd.s32 $0xFFFFE000  }
0x60: {  	s0 =	sor.u32 s23, s22;
	_ =	swait.ge [sflag:s21], $0x2000  }
0x61: {  	p0 =	seq.s32 s0, $0x0;
	[sflag:s21] =	ssyncset.done $0x0  }
0x62: {  	[dreg:$0x14] =	wrdreg s0;
	s0 =	simm.s32 @!p0 $0x3;
	[sflag:s21] =	ssyncadd.s32 $0xFFFFE000  }
0x63: {  	_ =	swait.ge @!p0 [sflag:s0], $0x4000  }
0x64: {  	[sflag:s0] =	ssyncset.done @!p0 $0x0  }
0x65: {  	s22 =	simm.s32 $0x1500;
	[sflag:s0] =	ssyncadd.s32 @!p0 $0xFFFFC000  }
0x66: {  	s6 =	simm.s32 $0x5500;
	v0 =	vld [tilespmem:s22+$0x80]  }
0x67: {  	v1 =	vld [tilespmem:s6+$0x80]  }
0x68: {  	s7 =	simm.s32 $0x9500  }
0x69: {  	v2 =	vld [tilespmem:s7+$0x80];
	_ =	sdelay $0x2  }
0x6a: {  	s5 =	simm.s32 $0x0;
	v3 =	vshll.u32 v0, $0x10;
	v4 =	vshll.u32 v1, $0x10  }
0x6b: {  	s24 =	sand.u32 $0x7, s5;
	v0 =	vand.u32 $0xFFFF0000, v0;
	v1 =	vand.u32 $0xFFFF0000, v1;
	v3 =	vadd.f32 v4, v3  }
0x6c: {  	s25 =	sand.u32 $0x3800, s5;
	s26 =	simm.s32 $0x180;
	s0 =	sshll.u32 s24, $0x7;
	v4 =	vshll.u32 v2, $0x10;
	v0 =	vadd.f32 v1, v0  }
0x6d: {  	s29 =	sadd.s32 $0xD400, s25;
	s30 =	sand.u32 $0x380, s26;
	s28 =	sadd.s32 $0x0, s0;
	v2 =	vand.u32 $0xFFFF0000, v2;
	v1 =	vadd.f32 v4, v3  }
0x6e: {  	s8 =	sor.u32 s30, s29;
	s31 =	sadd.s32 $0x180, s28;
	v3 =	vld [tilespmem:s22+$0xFFFFFF00];
	v0 =	vadd.f32 v2, v0  }
0x6f: {  	s9 =	sor.u32 $0x400, s31;
	v2 =	vld [tilespmem:s6+$0xFFFFFF00];
	[tilespmem:s8+$0x0] =	vst v1  }
0x70: {  	v1 =	vld [tilespmem:s7+$0xFFFFFF00];
	[tilespmem:s9+$0xD400] =	vst v0  }
0x71: {  	v0 =	vld [tilespmem:s22+$0x90]  }
0x72: {  	v4 =	vld [tilespmem:s6+$0x90];
	_ =	sdelay $0x1  }
0x73: {  	v7 =	vld [tilespmem:s7+$0x90];
	v5 =	vshll.u32 v3, $0x10;
	v6 =	vshll.u32 v2, $0x10  }
0x74: {  	v3 =	vand.u32 $0xFFFF0000, v3;
	v2 =	vand.u32 $0xFFFF0000, v2;
	v5 =	vadd.f32 v6, v5  }
0x75: {  	s1 =	simm.s32 $0x1;
	p0 =	por $0x0, $0x0;
	v6 =	vld [tilespmem:s22+$0xFFFFFF80];
	v2 =	vadd.f32 v2, v3;
	v8 =	vshll.u32 v1, $0x10;
	v1 =	vand.u32 $0xFFFF0000, v1  }
0x76: {  	s1 =	simm.s32 @!p0 $0x0;
	v3 =	vld [tilespmem:s6+$0xFFFFFF80];
	v5 =	vadd.f32 v8, v5;
	v8 =	vshll.u32 v0, $0x10;
	v9 =	vshll.u32 v4, $0x10  }
0x77: {  	s10 =	sand.u32 $0x200, s5;
	s1 =	sshll.u32 s1, $0x9;
	v0 =	vand.u32 $0xFFFF0000, v0;
	v4 =	vand.u32 $0xFFFF0000, v4;
	v8 =	vadd.f32 v9, v8  }
0x78: {  	s23 =	sor.u32 s10, s29;
	v42 =	vld [tilespmem:s7+$0xFFFFFF80];
	s1 =	sadd.s32 $0x0, s1;
	v1 =	vadd.f32 v1, v2;
	v2 =	vshll.u32 v7, $0x10;
	v0 =	vadd.f32 v4, v0  }
0x79: {  	v10 =	vld [tilespmem:s22+$0x0];
	s11 =	sor.u32 $0x400, s1;
	[tilespmem:s23+$0x0] =	vst v5;
	v4 =	vand.u32 $0xFFFF0000, v7;
	v2 =	vadd.f32 v2, v8  }
0x7a: {  	v5 =	vld [tilespmem:s6+$0x0];
	[tilespmem:s11+$0xD400] =	vst v1;
	v0 =	vadd.f32 v4, v0  }
0x7b: {  	s12 =	sor.u32 $0x410, s31;
	v7 =	vld [tilespmem:s7+$0x0];
	v1 =	vshll.u32 v6, $0x10;
	v4 =	vshll.u32 v3, $0x10;
	[tilespmem:s8+$0x10] =	vst v2  }
0x7c: {  	v3 =	vand.u32 $0xFFFF0000, v3;
	v44 =	vld [tilespmem:s6+$0xFFFFFF10];
	v1 =	vadd.f32 v4, v1;
	v2 =	vand.u32 $0xFFFF0000, v6;
	[tilespmem:s12+$0xD400] =	vst v0  }
0x7d: {  	s13 =	simm.s32 $0x80;
	v9 =	vand.u32 $0xFFFF0000, v42;
	v2 =	vadd.f32 v3, v2;
	v3 =	vshll.u32 v42, $0x10;
	v6 =	vld [tilespmem:s22+$0xA0]  }
0x7e: {  	s3 =	sand.u32 $0x280, s13;
	v8 =	vand.u32 $0xFFFF0000, v10;
	v0 =	vshll.u32 v10, $0x10;
	v1 =	vadd.f32 v3, v1;
	v3 =	vld [tilespmem:s6+$0xA0]  }
0x7f: {  	s2 =	sadd.s32 $0x80, s28;
	s9 =	sor.u32 s3, s29;
	v4 =	vld [tilespmem:s22+$0xFFFFFF10];
	v43 =	vshll.u32 v5, $0x10;
	v5 =	vand.u32 $0xFFFF0000, v5;
	v2 =	vadd.f32 v9, v2  }
0x80: {  	s14 =	sand.u32 $0x3, s5;
	s15 =	sor.u32 $0x400, s2;
	v0 =	vadd.f32 v43, v0;
	v5 =	vadd.f32 v5, v8;
	[tilespmem:s9+$0x0] =	vst v1;
	v1 =	vld [tilespmem:s7+$0xA0]  }
0x81: {  	s10 =	simm.s32 $0x100;
	s3 =	sshll.u32 s14, $0x8;
	v8 =	vshll.u32 v7, $0x10;
	v7 =	vand.u32 $0xFFFF0000, v7;
	[tilespmem:s15+$0xD400] =	vst v2  }
0x82: {  	s16 =	sand.u32 $0x300, s10;
	s3 =	sadd.s32 $0x0, s3;
	v0 =	vadd.f32 v8, v0;
	v2 =	vadd.f32 v7, v5;
	v5 =	vld [tilespmem:s22+$0xFFFFFF90]  }
0x83: {  	s10 =	sor.u32 s16, s29;
	s3 =	sadd.s32 $0x100, s3;
	v9 =	vand.u32 $0xFFFF0000, v44;
	v7 =	vld [tilespmem:s6+$0xFFFFFF90];
	v45 =	vshll.u32 v6, $0x10;
	v11 =	vshll.u32 v3, $0x10  }
0x84: {  	s17 =	sor.u32 $0x400, s3;
	[tilespmem:s10+$0x0] =	vst v0;
	v0 =	vld [tilespmem:s7+$0xFFFFFF10];
	v6 =	vand.u32 $0xFFFF0000, v6;
	v3 =	vand.u32 $0xFFFF0000, v3;
	v10 =	vadd.f32 v11, v45  }
0x85: {  	v8 =	vshll.u32 v4, $0x10;
	[tilespmem:s17+$0xD400] =	vst v2;
	v3 =	vadd.f32 v3, v6;
	v2 =	vshll.u32 v1, $0x10  }
0x86: {  	v6 =	vshll.u32 v44, $0x10;
	v46 =	vld [tilespmem:s22+$0x10];
	v1 =	vand.u32 $0xFFFF0000, v1;
	v2 =	vadd.f32 v2, v10  }
0x87: {  	v4 =	vand.u32 $0xFFFF0000, v4;
	v6 =	vadd.f32 v6, v8;
	v8 =	vld [tilespmem:s6+$0x10];
	v1 =	vadd.f32 v1, v3  }
0x88: {  	s18 =	sor.u32 $0x420, s31;
	v4 =	vadd.f32 v9, v4;
	v12 =	vld [tilespmem:s7+$0x10];
	v3 =	vshll.u32 v5, $0x10;
	v5 =	vand.u32 $0xFFFF0000, v5;
	[tilespmem:s8+$0x20] =	vst v2  }
0x89: {  	v47 =	vld [tilespmem:s7+$0xFFFFFF90];
	v48 =	vshll.u32 v0, $0x10;
	v0 =	vand.u32 $0xFFFF0000, v0;
	v2 =	vshll.u32 v7, $0x10;
	[tilespmem:s18+$0xD400] =	vst v1  }
0x8a: {  	v7 =	vand.u32 $0xFFFF0000, v7;
	v0 =	vadd.f32 v0, v4;
	v1 =	vadd.f32 v2, v3;
	v3 =	vld [tilespmem:s22+$0xB0]  }
0x8b: {  	v2 =	vadd.f32 v7, v5;
	v5 =	vadd.f32 v48, v6;
	v4 =	vld [tilespmem:s6+$0xB0]  }
0x8c: {  	v6 =	vshll.u32 v46, $0x10;
	v49 =	vand.u32 $0xFFFF0000, v46;
	v7 =	vshll.u32 v8, $0x10  }
0x8d: {  	s19 =	sor.u32 $0x410, s1;
	v50 =	vshll.u32 v12, $0x10;
	[tilespmem:s23+$0x10] =	vst v5;
	v5 =	vand.u32 $0xFFFF0000, v8;
	v6 =	vadd.f32 v7, v6;
	v7 =	vld [tilespmem:s7+$0xB0]  }
0x8e: {  	v8 =	vshll.u32 v47, $0x10;
	[tilespmem:s19+$0xD400] =	vst v0;
	v0 =	vadd.f32 v5, v49;
	v5 =	vand.u32 $0xFFFF0000, v47  }
0x8f: {  	v52 =	vand.u32 $0xFFFF0000, v12;
	v1 =	vadd.f32 v8, v1;
	v51 =	vld [tilespmem:s22+$0xFFFFFF20];
	v2 =	vadd.f32 v5, v2  }
0x90: {  	v5 =	vld [tilespmem:s6+$0xFFFFFF20];
	v6 =	vadd.f32 v50, v6;
	v8 =	vshll.u32 v3, $0x10;
	v53 =	vshll.u32 v4, $0x10  }
0x91: {  	s20 =	sor.u32 $0x410, s2;
	[tilespmem:s9+$0x10] =	vst v1;
	v3 =	vand.u32 $0xFFFF0000, v3;
	v4 =	vand.u32 $0xFFFF0000, v4;
	v1 =	vadd.f32 v53, v8  }
0x92: {  	v0 =	vadd.f32 v52, v0;
	[tilespmem:s20+$0xD400] =	vst v2;
	v8 =	vld [tilespmem:s7+$0xFFFFFF20];
	v2 =	vshll.u32 v7, $0x10;
	v3 =	vadd.f32 v4, v3  }
0x93: {  	s21 =	sor.u32 $0x410, s3;
	[tilespmem:s10+$0x10] =	vst v6;
	v4 =	vld [tilespmem:s22+$0xFFFFFFA0];
	v1 =	vadd.f32 v2, v1;
	v2 =	vand.u32 $0xFFFF0000, v7  }
0x94: {  	v6 =	vld [tilespmem:s6+$0xFFFFFFA0];
	[tilespmem:s21+$0xD400] =	vst v0;
	v0 =	vadd.f32 v2, v3  }
0x95: {  	s24 =	sor.u32 $0x430, s31;
	v7 =	vld [tilespmem:s22+$0x20];
	v2 =	vshll.u32 v51, $0x10;
	v3 =	vshll.u32 v5, $0x10;
	[tilespmem:s8+$0x30] =	vst v1  }
0x96: {  	v5 =	vand.u32 $0xFFFF0000, v5;
	v1 =	vand.u32 $0xFFFF0000, v51;
	v2 =	vadd.f32 v3, v2;
	v3 =	vld [tilespmem:s7+$0xFFFFFFA0];
	[tilespmem:s24+$0xD400] =	vst v0  }
0x97: {  	v0 =	vshll.u32 v8, $0x10;
	v1 =	vadd.f32 v5, v1;
	v5 =	vld [tilespmem:s22+$0xC0]  }
0x98: {  	v8 =	vand.u32 $0xFFFF0000, v8;
	v0 =	vadd.f32 v0, v2;
	v2 =	vld [tilespmem:s6+$0xC0]  }
0x99: {  	v54 =	vshll.u32 v4, $0x10;
	v55 =	vshll.u32 v6, $0x10;
	v1 =	vadd.f32 v8, v1;
	v8 =	vld [tilespmem:s6+$0x20]  }
0x9a: {  	v4 =	vand.u32 $0xFFFF0000, v4;
	v6 =	vand.u32 $0xFFFF0000, v6;
	v9 =	vadd.f32 v55, v54;
	v56 =	vld [tilespmem:s7+$0xC0]  }
0x9b: {  	s25 =	sor.u32 $0x420, s1;
	v4 =	vadd.f32 v6, v4;
	[tilespmem:s23+$0x20] =	vst v0;
	v0 =	vld [tilespmem:s7+$0x20];
	v57 =	vshll.u32 v3, $0x10  }
0x9c: {  	[tilespmem:s25+$0xD400] =	vst v1;
	v1 =	vshll.u32 v7, $0x10;
	v3 =	vand.u32 $0xFFFF0000, v3;
	v6 =	vadd.f32 v57, v9  }
0x9d: {  	v58 =	vld [tilespmem:s22+$0xFFFFFF30];
	v3 =	vadd.f32 v3, v4;
	v4 =	vshll.u32 v5, $0x10;
	v2 =	vshll.u32 v2, $0x10  }
0x9e: {  	s26 =	sor.u32 $0x420, s2;
	v7 =	vand.u32 $0xFFFF0000, v7;
	v5 =	vld [tilespmem:s6+$0xFFFFFF30];
	v59 =	vshll.u32 v8, $0x10;
	[tilespmem:s9+$0x20] =	vst v6;
	v2 =	vadd.f32 v2, v4  }
0x9f: {  	v4 =	vld [tilespmem:s7+$0xFFFFFF30];
	v6 =	vand.u32 $0xFFFF0000, v8;
	v1 =	vadd.f32 v59, v1;
	[tilespmem:s26+$0xD400] =	vst v3;
	v3 =	vshll.u32 v56, $0x10  }
0xa0: {  	v8 =	vshll.u32 v0, $0x10;
	v6 =	vadd.f32 v6, v7;
	v7 =	vld [tilespmem:s22+$0xFFFFFFB0];
	v2 =	vadd.f32 v3, v2  }
0xa1: {  	v0 =	vand.u32 $0xFFFF0000, v0;
	v3 =	vld [tilespmem:s6+$0xFFFFFFB0];
	v1 =	vadd.f32 v8, v1  }
0xa2: {  	v8 =	vshll.u32 v58, $0x10;
	v0 =	vadd.f32 v0, v6;
	v6 =	vld [tilespmem:s7+$0xFFFFFFB0];
	[tilespmem:s8+$0x40] =	vst v2  }
0xa3: {  	s28 =	sor.u32 $0x420, s3;
	v9 =	vand.u32 $0xFFFF0000, v58;
	v2 =	vshll.u32 v5, $0x10;
	v5 =	vand.u32 $0xFFFF0000, v5;
	[tilespmem:s10+$0x20] =	vst v1;
	v1 =	vld [tilespmem:s22+$0xD0]  }
0xa4: {  	v2 =	vadd.f32 v2, v8;
	v5 =	vadd.f32 v5, v9;
	[tilespmem:s28+$0xD400] =	vst v0;
	v0 =	vld [tilespmem:s6+$0xD0]  }
0xa5: {  	v8 =	vshll.u32 v4, $0x10;
	v4 =	vand.u32 $0xFFFF0000, v4;
	v60 =	vld [tilespmem:s22+$0x30]  }
0xa6: {  	v2 =	vadd.f32 v8, v2;
	v4 =	vadd.f32 v4, v5;
	v5 =	vshll.u32 v7, $0x10;
	v8 =	vld [tilespmem:s7+$0xD0]  }
0xa7: {  	v61 =	vld [tilespmem:s6+$0x30];
	v7 =	vand.u32 $0xFFFF0000, v7;
	v62 =	vshll.u32 v3, $0x10;
	v3 =	vand.u32 $0xFFFF0000, v3  }
0xa8: {  	v5 =	vadd.f32 v62, v5;
	v3 =	vadd.f32 v3, v7  }
0xa9: {  	s29 =	sor.u32 $0x430, s1;
	v7 =	vshll.u32 v6, $0x10;
	[tilespmem:s23+$0x30] =	vst v2;
	v2 =	vld [tilespmem:s7+$0x30];
	v1 =	vshll.u32 v1, $0x10;
	v0 =	vshll.u32 v0, $0x10  }
0xaa: {  	[tilespmem:s29+$0xD400] =	vst v4;
	v4 =	vand.u32 $0xFFFF0000, v6;
	v5 =	vadd.f32 v7, v5;
	v0 =	vadd.f32 v0, v1  }
0xab: {  	v3 =	vadd.f32 v4, v3;
	v1 =	vld [tilespmem:s22+$0xFFFFFF40];
	v4 =	vshll.u32 v8, $0x10  }
0xac: {  	s30 =	sor.u32 $0x430, s2;
	v6 =	vshll.u32 v60, $0x10;
	v7 =	vshll.u32 v61, $0x10;
	v8 =	vld [tilespmem:s6+$0xFFFFFF40];
	[tilespmem:s9+$0x30] =	vst v5;
	v0 =	vadd.f32 v4, v0  }
0xad: {  	v5 =	vand.u32 $0xFFFF0000, v61;
	v6 =	vadd.f32 v7, v6;
	v7 =	vld [tilespmem:s7+$0xFFFFFF40];
	[tilespmem:s30+$0xD400] =	vst v3;
	v4 =	vand.u32 $0xFFFF0000, v60  }
0xae: {  	v3 =	vadd.f32 v5, v4;
	v4 =	vshll.u32 v2, $0x10;
	v5 =	vld [tilespmem:s22+$0xFFFFFFC0];
	[tilespmem:s8+$0x50] =	vst v0  }
0xaf: {  	v0 =	vand.u32 $0xFFFF0000, v2;
	v2 =	vadd.f32 v4, v6;
	v4 =	vld [tilespmem:s22+$0xE0]  }
0xb0: {  	v0 =	vadd.f32 v0, v3;
	v3 =	vld [tilespmem:s6+$0xE0]  }
0xb1: {  	s31 =	sor.u32 $0x430, s3;
	v1 =	vshll.u32 v1, $0x10;
	v6 =	vshll.u32 v8, $0x10;
	[tilespmem:s10+$0x30] =	vst v2;
	v2 =	vld [tilespmem:s6+$0xFFFFFFC0]  }
0xb2: {  	v1 =	vadd.f32 v6, v1;
	[tilespmem:s31+$0xD400] =	vst v0;
	v0 =	vld [tilespmem:s7+$0xE0]  }
0xb3: {  	v6 =	vshll.u32 v7, $0x10;
	v7 =	vld [tilespmem:s22+$0x40]  }
0xb4: {  	v1 =	vadd.f32 v6, v1;
	v6 =	vld [tilespmem:s7+$0xFFFFFFC0]  }
0xb5: {  	v8 =	vld [tilespmem:s6+$0x40];
	v4 =	vshll.u32 v4, $0x10;
	v3 =	vshll.u32 v3, $0x10  }
0xb6: {  	[tilespmem:s23+$0x40] =	vst v1;
	v1 =	vld [tilespmem:s7+$0x40];
	v3 =	vadd.f32 v3, v4  }
0xb7: {  	v4 =	vshll.u32 v5, $0x10;
	v2 =	vshll.u32 v2, $0x10;
	v5 =	vld [tilespmem:s22+$0xFFFFFF50];
	v0 =	vshll.u32 v0, $0x10  }
0xb8: {  	v2 =	vadd.f32 v2, v4;
	v4 =	vld [tilespmem:s6+$0xFFFFFF50];
	v0 =	vadd.f32 v0, v3  }
0xb9: {  	v3 =	vshll.u32 v6, $0x10  }
0xba: {  	v6 =	vshll.u32 v7, $0x10;
	v7 =	vshll.u32 v8, $0x10;
	v8 =	vld [tilespmem:s7+$0xFFFFFF50];
	v2 =	vadd.f32 v3, v2;
	[tilespmem:s8+$0x60] =	vst v0  }
0xbb: {  	v0 =	vadd.f32 v7, v6;
	v6 =	vld [tilespmem:s22+$0xF0]  }
0xbc: {  	v1 =	vshll.u32 v1, $0x10;
	[tilespmem:s9+$0x40] =	vst v2;
	v7 =	vld [tilespmem:s6+$0xF0]  }
0xbd: {  	v2 =	vshll.u32 v5, $0x10;
	v1 =	vadd.f32 v1, v0;
	v0 =	vshll.u32 v4, $0x10;
	v63 =	vld [tilespmem:s22+$0xFFFFFFD0]  }
0xbe: {  	v4 =	vld [tilespmem:s6+$0xFFFFFFD0];
	v2 =	vadd.f32 v0, v2  }
0xbf: {  	v5 =	vld [tilespmem:s7+$0xFFFFFFD0];
	v3 =	vshll.u32 v8, $0x10  }
0xc0: {  	s4 =	simm.s32 $0x0;
	s11 =	simm.s32 $0x9500;
	v0 =	vld [tilespmem:s7+$0xF0];
	[tilespmem:s10+$0x40] =	vst v1;
	v1 =	vadd.f32 v3, v2  }
0xc1: {  	s15 =	simm.s32 $0x1700;
	s17 =	simm.s32 $0x5500;
	s19 =	simm.s32 $0x0;
	v2 =	vld [tilespmem:s22+$0x50];
	v8 =	vshll.u32 v6, $0x10;
	v7 =	vshll.u32 v7, $0x10  }
0xc2: {  	s24 =	simm.s32 $0x0;
	s25 =	simm.s32 $0x0;
	s26 =	simm.s32 $0x0;
	v3 =	vld [tilespmem:s6+$0x50];
	[tilespmem:s23+$0x50] =	vst v1;
	v6 =	vshll.u32 v63, $0x10;
	v1 =	vadd.f32 v7, v8  }
.LBB2_6:
0xc3: {  	v7 =	vld [tilespmem:s15+$0x80];
	s6 =	sadd.s32 $0x200, s6  }
0xc4: {  	v8 =	vld [tilespmem:s6+$0x80]  }
0xc5: {  	v9 =	vld [tilespmem:s6+$0xFFFFFF00]  }
0xc6: {  	s7 =	sadd.s32 $0x200, s7;
	v35 =	vld [tilespmem:s6+$0x0];
	v4 =	vshll.u32 v4, $0x10;
	v0 =	vshll.u32 v0, $0x10  }
0xc7: {  	v4 =	vadd.f32 v4, v6;
	v6 =	vld [tilespmem:s7+$0x80];
	v0 =	vadd.f32 v0, v1  }
0xc8: {  	v2 =	vshll.u32 v2, $0x10;
	v3 =	vshll.u32 v3, $0x10;
	v1 =	vld [tilespmem:s15+$0xFFFFFF00]  }
0xc9: {  	v5 =	vshll.u32 v5, $0x10;
	[tilespmem:s8+$0x70] =	vst v0;
	v0 =	vadd.f32 v3, v2;
	v2 =	vld [tilespmem:s15+$0xFFFFFF80]  }
0xca: {  	s24 =	sadd.s32 $0x4, s24;
	v10 =	vshll.u32 v8, $0x10;
	v3 =	vadd.f32 v5, v4;
	v4 =	vld [tilespmem:s6+$0xFFFFFF80];
	v5 =	vshll.u32 v7, $0x10  }
0xcb: {  	v11 =	vld [tilespmem:s15+$0x0];
	s25 =	sadd.s32 $0x400, s25;
	s26 =	sadd.s32 $0x200, s26;
	s2 =	sand.u32 $0x7, s24;
	v8 =	vand.u32 $0xFFFF0000, v8;
	v7 =	vand.u32 $0xFFFF0000, v7;
	v5 =	vadd.f32 v10, v5  }
0xcc: {  	s3 =	sand.u32 $0x3800, s25;
	s5 =	sadd.s32 $0x180, s26;
	v15 =	vld [tilespmem:s7+$0x0];
	s2 =	sshll.u32 s2, $0x7;
	v13 =	vshll.u32 v9, $0x10;
	v7 =	vadd.f32 v8, v7;
	v12 =	vshll.u32 v6, $0x10  }
0xcd: {  	s3 =	sadd.s32 $0xD400, s3;
	s5 =	sand.u32 $0x380, s5;
	s2 =	sadd.s32 s25, s2;
	v9 =	vand.u32 $0xFFFF0000, v9;
	v8 =	vld [tilespmem:s7+$0xFFFFFF00];
	v6 =	vand.u32 $0xFFFF0000, v6;
	v5 =	vadd.f32 v12, v5  }
0xce: {  	s12 =	sadd.s32 $0x180, s2;
	v37 =	vshll.u32 v35, $0x10;
	s8 =	sor.u32 s5, s3;
	[tilespmem:s9+$0x50] =	vst v3;
	v3 =	vshll.u32 v1, $0x10;
	v6 =	vadd.f32 v6, v7  }
0xcf: {  	s14 =	sor.u32 $0x400, s12;
	v36 =	vld [tilespmem:s7+$0xFFFFFF80];
	v3 =	vadd.f32 v13, v3;
	v7 =	vshll.u32 v2, $0x10;
	v14 =	vshll.u32 v4, $0x10;
	[tilespmem:s8+$0x0] =	vst v5  }
0xd0: {  	v2 =	vand.u32 $0xFFFF0000, v2;
	v4 =	vand.u32 $0xFFFF0000, v4;
	v5 =	vshll.u32 v11, $0x10;
	[tilespmem:s14+$0xD400] =	vst v6;
	v6 =	vld [tilespmem:s11+$0x50]  }
0xd1: {  	p0 =	por !p0, !p0;
	s1 =	simm.s32 $0x1;
	v1 =	vand.u32 $0xFFFF0000, v1;
	v2 =	vadd.f32 v4, v2;
	v4 =	vadd.f32 v37, v5;
	v5 =	vld [tilespmem:s22+$0xFFFFFF60]  }
0xd2: {  	[dreg:$0x3] =	wrdreg s9;
	s1 =	simm.s32 @!p0 $0x0;
	s31 =	sadd.s32 $0x80, s26;
	v41 =	vshll.u32 v15, $0x10;
	v1 =	vadd.f32 v9, v1;
	v17 =	vshll.u32 v8, $0x10;
	v16 =	vld [tilespmem:s15+$0x90]  }
0xd3: {  	s13 =	sadd.s32 $0x100, s26;
	s1 =	sshll.u32 s1, $0x9;
	v15 =	vand.u32 $0xFFFF0000, v15;
	s9 =	sand.u32 $0x200, s26;
	v8 =	vand.u32 $0xFFFF0000, v8;
	v38 =	vld [tilespmem:s6+$0x90];
	v3 =	vadd.f32 v17, v3  }
0xd4: {  	v42 =	vld [tilespmem:s17+$0xFFFFFF60];
	s21 =	sadd.s32 s1, s25;
	s5 =	sand.u32 $0x280, s31;
	v10 =	vand.u32 $0xFFFF0000, v35;
	s31 =	sor.u32 s9, s3;
	v7 =	vadd.f32 v14, v7;
	v1 =	vadd.f32 v8, v1  }
0xd5: {  	s4 =	sadd.s32 $0x2, s4;
	s9 =	sor.u32 $0x400, s21;
	v11 =	vand.u32 $0xFFFF0000, v11;
	s14 =	sand.u32 $0x300, s13;
	v40 =	vld [tilespmem:s7+$0x90];
	v39 =	vshll.u32 v36, $0x10;
	v4 =	vadd.f32 v41, v4;
	[tilespmem:s31+$0x0] =	vst v3  }
0xd6: {  	s0 =	sand.u32 $0x3, s4;
	s20 =	sadd.s32 $0x80, s2;
	v44 =	vld [tilespmem:s17+$0xFFFFFFE0];
	v10 =	vadd.f32 v10, v11;
	s2 =	sor.u32 s14, s3;
	v12 =	vand.u32 $0xFFFF0000, v36;
	v7 =	vadd.f32 v39, v7;
	[tilespmem:s9+$0xD400] =	vst v1  }
0xd7: {  	s0 =	sshll.u32 s0, $0x8;
	s1 =	sor.u32 s5, s3;
	v8 =	vld [tilespmem:s22+$0xFFFFFFE0];
	v2 =	vadd.f32 v12, v2;
	[tilespmem:s2+$0x0] =	vst v4;
	v6 =	vshll.u32 v6, $0x10;
	v4 =	vshll.u32 v5, $0x10  }
0xd8: {  	s0 =	sadd.s32 s25, s0;
	s16 =	sor.u32 $0x400, s20;
	v45 =	vld [tilespmem:s11+$0xFFFFFF60];
	[tilespmem:s1+$0x0] =	vst v7;
	v3 =	vshll.u32 v16, $0x10;
	v43 =	vshll.u32 v38, $0x10;
	v9 =	vand.u32 $0xFFFF0000, v38  }
0xd9: {  	s29 =	sadd.s32 $0x100, s0;
	v47 =	vld [tilespmem:s6+$0xFFFFFF10];
	[tilespmem:s16+$0xD400] =	vst v2;
	v2 =	vadd.f32 v15, v10;
	v1 =	vadd.f32 v43, v3;
	v3 =	vand.u32 $0xFFFF0000, v16  }
0xda: {  	s18 =	sor.u32 $0x400, s29;
	v46 =	vld [tilespmem:s15+$0xFFFFFF10];
	v7 =	vshll.u32 v40, $0x10;
	v5 =	vadd.f32 v6, v0;
	v3 =	vadd.f32 v9, v3  }
0xdb: {  	v48 =	vld [tilespmem:s15+$0xFFFFFF90];
	[tilespmem:s18+$0xD400] =	vst v2;
	v1 =	vadd.f32 v7, v1;
	v7 =	vand.u32 $0xFFFF0000, v40  }
0xdc: {  	v6 =	vld [tilespmem:s6+$0xFFFFFF90];
	[tilespmem:s10+$0x50] =	vst v5;
	v3 =	vadd.f32 v7, v3  }
0xdd: {  	s16 =	sor.u32 $0x410, s12;
	v0 =	vshll.u32 v42, $0x10;
	v51 =	vld [tilespmem:s15+$0x10];
	[tilespmem:s8+$0x10] =	vst v1  }
0xde: {  	v7 =	vshll.u32 v44, $0x10;
	v49 =	vshll.u32 v47, $0x10;
	v1 =	vshll.u32 v8, $0x10;
	v8 =	vld [tilespmem:s7+$0xFFFFFF10];
	[tilespmem:s16+$0xD400] =	vst v3  }
0xdf: {  	v9 =	vand.u32 $0xFFFF0000, v47;
	v3 =	vadd.f32 v0, v4;
	v4 =	vshll.u32 v45, $0x10;
	v2 =	vld [tilespmem:s15+$0xA0]  }
0xe0: {  	v0 =	vadd.f32 v7, v1;
	v1 =	vshll.u32 v46, $0x10;
	v7 =	vand.u32 $0xFFFF0000, v46;
	v50 =	vld [tilespmem:s6+$0xA0]  }
0xe1: {  	v5 =	vand.u32 $0xFFFF0000, v48;
	v52 =	vshll.u32 v6, $0x10;
	v3 =	vadd.f32 v4, v3  }
0xe2: {  	v6 =	vand.u32 $0xFFFF0000, v6;
	v1 =	vadd.f32 v49, v1;
	v7 =	vadd.f32 v9, v7;
	v53 =	vld [tilespmem:s7+$0xA0]  }
0xe3: {  	v5 =	vadd.f32 v6, v5;
	v6 =	vld [tilespmem:s6+$0x10];
	v4 =	vshll.u32 v48, $0x10;
	[tilespmem:s23+$0x60] =	vst v3;
	v3 =	vshll.u32 v8, $0x10  }
0xe4: {  	v57 =	vld [tilespmem:s22+$0x60];
	v10 =	vand.u32 $0xFFFF0000, v51;
	v1 =	vadd.f32 v3, v1;
	v3 =	vand.u32 $0xFFFF0000, v8  }
0xe5: {  	v8 =	vld [tilespmem:s7+$0xFFFFFF90];
	v3 =	vadd.f32 v3, v7;
	v54 =	vshll.u32 v2, $0x10;
	v55 =	vshll.u32 v50, $0x10  }
0xe6: {  	s30 =	sor.u32 $0x410, s21;
	v7 =	vld [tilespmem:s7+$0x10];
	v2 =	vand.u32 $0xFFFF0000, v2;
	v56 =	vand.u32 $0xFFFF0000, v50;
	[tilespmem:s31+$0x10] =	vst v1;
	v1 =	vadd.f32 v55, v54  }
0xe7: {  	v59 =	vld [tilespmem:s17+$0x60];
	v4 =	vadd.f32 v52, v4;
	v58 =	vshll.u32 v53, $0x10;
	v2 =	vadd.f32 v56, v2;
	[tilespmem:s30+$0xD400] =	vst v3  }
0xe8: {  	v61 =	vshll.u32 v6, $0x10;
	v11 =	vand.u32 $0xFFFF0000, v53;
	v60 =	vld [tilespmem:s15+$0xFFFFFF20];
	v1 =	vadd.f32 v58, v1  }
0xe9: {  	v6 =	vand.u32 $0xFFFF0000, v6;
	v3 =	vshll.u32 v51, $0x10;
	v62 =	vld [tilespmem:s6+$0xFFFFFF20];
	v2 =	vadd.f32 v11, v2  }
0xea: {  	s13 =	sor.u32 $0x430, s21;
	s14 =	sor.u32 $0x420, s21;
	s21 =	sor.u32 $0x420, s12;
	v6 =	vadd.f32 v6, v10;
	v63 =	vld [tilespmem:s7+$0xFFFFFF20];
	v3 =	vadd.f32 v61, v3;
	[tilespmem:s8+$0x20] =	vst v1  }
0xeb: {  	v20 =	vshll.u32 v8, $0x10;
	v1 =	vand.u32 $0xFFFF0000, v8;
	v8 =	vshll.u32 v7, $0x10;
	[tilespmem:s21+$0xD400] =	vst v2;
	v2 =	vld [tilespmem:s11+$0xFFFFFFE0]  }
0xec: {  	v7 =	vand.u32 $0xFFFF0000, v7;
	v4 =	vadd.f32 v20, v4;
	v1 =	vadd.f32 v1, v5;
	v5 =	vld [tilespmem:s15+$0xB0]  }
0xed: {  	v21 =	vshll.u32 v57, $0x10;
	v6 =	vadd.f32 v7, v6;
	v7 =	vld [tilespmem:s6+$0xB0]  }
0xee: {  	s28 =	sor.u32 $0x410, s20;
	v3 =	vadd.f32 v8, v3;
	[tilespmem:s1+$0x10] =	vst v4;
	v4 =	vld [tilespmem:s11+$0x60];
	v22 =	vshll.u32 v60, $0x10;
	v8 =	vshll.u32 v62, $0x10  }
0xef: {  	v14 =	vand.u32 $0xFFFF0000, v60;
	v13 =	vand.u32 $0xFFFF0000, v62;
	[tilespmem:s28+$0xD400] =	vst v1;
	v1 =	vld [tilespmem:s7+$0xB0];
	v8 =	vadd.f32 v8, v22  }
0xf0: {  	v23 =	vshll.u32 v63, $0x10;
	[tilespmem:s2+$0x10] =	vst v3;
	v3 =	vshll.u32 v59, $0x10;
	v13 =	vadd.f32 v13, v14;
	v24 =	vld [tilespmem:s15+$0xFFFFFFA0]  }
0xf1: {  	s0 =	sor.u32 $0x410, s29;
	v11 =	vand.u32 $0xFFFF0000, v63;
	v26 =	vld [tilespmem:s6+$0xFFFFFFA0];
	v3 =	vadd.f32 v3, v21;
	v8 =	vadd.f32 v23, v8  }
0xf2: {  	[tilespmem:s0+$0xD400] =	vst v6;
	v30 =	vld [tilespmem:s7+$0xFFFFFFA0];
	v25 =	vadd.f32 v11, v13;
	v27 =	vshll.u32 v5, $0x10;
	v28 =	vshll.u32 v7, $0x10  }
0xf3: {  	v6 =	vld [tilespmem:s15+$0x20];
	v5 =	vand.u32 $0xFFFF0000, v5;
	v7 =	vand.u32 $0xFFFF0000, v7;
	v29 =	vadd.f32 v28, v27  }
0xf4: {  	v2 =	vshll.u32 v2, $0x10;
	[tilespmem:s31+$0x20] =	vst v8;
	v8 =	vld [tilespmem:s6+$0x20];
	v31 =	vshll.u32 v1, $0x10;
	v5 =	vadd.f32 v7, v5  }
0xf5: {  	v32 =	vld [tilespmem:s7+$0x20];
	v4 =	vshll.u32 v4, $0x10;
	v1 =	vand.u32 $0xFFFF0000, v1;
	[tilespmem:s14+$0xD400] =	vst v25;
	v10 =	vadd.f32 v31, v29  }
0xf6: {  	v7 =	vshll.u32 v24, $0x10;
	v34 =	vshll.u32 v26, $0x10;
	v33 =	vld [tilespmem:s15+$0xFFFFFF30];
	v1 =	vadd.f32 v1, v5  }
0xf7: {  	s28 =	sor.u32 $0x430, s12;
	v14 =	vand.u32 $0xFFFF0000, v24;
	v11 =	vand.u32 $0xFFFF0000, v26;
	v9 =	vand.u32 $0xFFFF0000, v30;
	v5 =	vld [tilespmem:s6+$0xFFFFFF30];
	[tilespmem:s8+$0x30] =	vst v10  }
0xf8: {  	v35 =	vshll.u32 v6, $0x10;
	v6 =	vand.u32 $0xFFFF0000, v6;
	v36 =	vld [tilespmem:s7+$0xFFFFFF30];
	v7 =	vadd.f32 v34, v7;
	[tilespmem:s28+$0xD400] =	vst v1  }
0xf9: {  	v11 =	vadd.f32 v11, v14;
	v37 =	vshll.u32 v8, $0x10;
	v8 =	vand.u32 $0xFFFF0000, v8;
	v39 =	vld [tilespmem:s15+$0xC0]  }
0xfa: {  	v40 =	vshll.u32 v32, $0x10;
	v1 =	vshll.u32 v30, $0x10;
	v6 =	vadd.f32 v8, v6;
	v8 =	vld [tilespmem:s6+$0xC0]  }
0xfb: {  	v41 =	vand.u32 $0xFFFF0000, v32;
	v42 =	vld [tilespmem:s22+$0xFFFFFF70];
	v38 =	vadd.f32 v37, v35;
	v1 =	vadd.f32 v1, v7  }
0xfc: {  	v7 =	vadd.f32 v9, v11;
	v44 =	vld [tilespmem:s7+$0xC0];
	v43 =	vshll.u32 v33, $0x10;
	v45 =	vshll.u32 v5, $0x10  }
0xfd: {  	s5 =	sor.u32 $0x420, s20;
	v12 =	vand.u32 $0xFFFF0000, v33;
	v5 =	vand.u32 $0xFFFF0000, v5;
	v14 =	vadd.f32 v40, v38;
	[tilespmem:s1+$0x20] =	vst v1;
	v1 =	vld [tilespmem:s17+$0xFFFFFF70]  }
0xfe: {  	v46 =	vshll.u32 v36, $0x10;
	v6 =	vadd.f32 v41, v6;
	v13 =	vadd.f32 v45, v43;
	[tilespmem:s5+$0xD400] =	vst v7;
	v7 =	vld [tilespmem:s11+$0xFFFFFF70]  }
0xff: {  	s3 =	sor.u32 $0x420, s29;
	v5 =	vadd.f32 v5, v12;
	v47 =	vld [tilespmem:s15+$0xFFFFFFB0];
	[tilespmem:s2+$0x20] =	vst v14;
	v48 =	vshll.u32 v39, $0x10;
	v8 =	vshll.u32 v8, $0x10  }
0x100: {  	v10 =	vand.u32 $0xFFFF0000, v36;
	v13 =	vadd.f32 v46, v13;
	v49 =	vld [tilespmem:s6+$0xFFFFFFB0];
	[tilespmem:s3+$0xD400] =	vst v6;
	v6 =	vadd.f32 v8, v48  }
0x101: {  	v0 =	vadd.f32 v2, v0;
	v5 =	vadd.f32 v10, v5;
	v9 =	vshll.u32 v44, $0x10;
	v50 =	vld [tilespmem:s15+$0x30]  }
0x102: {  	v8 =	vshll.u32 v42, $0x10;
	[tilespmem:s31+$0x30] =	vst v13;
	v2 =	vld [tilespmem:s6+$0x30];
	v1 =	vshll.u32 v1, $0x10;
	v6 =	vadd.f32 v9, v6  }
0x103: {  	v3 =	vadd.f32 v4, v3;
	v4 =	vld [tilespmem:s7+$0xFFFFFFB0];
	[tilespmem:s13+$0xD400] =	vst v5;
	v1 =	vadd.f32 v1, v8  }
0x104: {  	v51 =	vld [tilespmem:s7+$0x30];
	v5 =	vshll.u32 v7, $0x10;
	v7 =	vshll.u32 v47, $0x10;
	v8 =	vand.u32 $0xFFFF0000, v47;
	[tilespmem:s8+$0x40] =	vst v6  }
0x105: {  	s30 =	rddreg [dreg:$0x3];
	v52 =	vand.u32 $0xFFFF0000, v49;
	v6 =	vshll.u32 v49, $0x10;
	v1 =	vadd.f32 v5, v1;
	v53 =	vld [tilespmem:s15+$0xD0]  }
0x106: {  	[tilespmem:s30+$0x60] =	vst v0;
	v8 =	vadd.f32 v52, v8;
	v0 =	vadd.f32 v6, v7;
	v7 =	vld [tilespmem:s6+$0xD0]  }
0x107: {  	[tilespmem:s10+$0x60] =	vst v3;
	v3 =	vld [tilespmem:s15+$0xFFFFFF40];
	v6 =	vand.u32 $0xFFFF0000, v50;
	v54 =	vshll.u32 v2, $0x10;
	v2 =	vand.u32 $0xFFFF0000, v2  }
0x108: {  	v5 =	vshll.u32 v50, $0x10;
	[tilespmem:s23+$0x70] =	vst v1;
	v1 =	vshll.u32 v4, $0x10;
	v2 =	vadd.f32 v2, v6;
	v6 =	vld [tilespmem:s7+$0xD0]  }
0x109: {  	v5 =	vadd.f32 v54, v5;
	v4 =	vand.u32 $0xFFFF0000, v4;
	v55 =	vld [tilespmem:s6+$0xFFFFFF40];
	v0 =	vadd.f32 v1, v0  }
0x10a: {  	v56 =	vshll.u32 v51, $0x10;
	v9 =	vand.u32 $0xFFFF0000, v51;
	v13 =	vld [tilespmem:s7+$0xFFFFFF40];
	v1 =	vadd.f32 v4, v8  }
0x10b: {  	v8 =	vld [tilespmem:s22+$0xFFFFFFF0];
	v4 =	vadd.f32 v56, v5;
	[tilespmem:s1+$0x30] =	vst v0;
	v5 =	vshll.u32 v53, $0x10;
	v7 =	vshll.u32 v7, $0x10  }
0x10c: {  	s20 =	sor.u32 $0x430, s20;
	v0 =	vadd.f32 v9, v2;
	v2 =	vadd.f32 v7, v5;
	v5 =	vld [tilespmem:s17+$0xFFFFFFF0]  }
0x10d: {  	[tilespmem:s20+$0xD400] =	vst v1;
	v1 =	vshll.u32 v6, $0x10;
	v6 =	vld [tilespmem:s22+$0x70]  }
0x10e: {  	s29 =	sor.u32 $0x430, s29;
	v3 =	vshll.u32 v3, $0x10;
	[tilespmem:s2+$0x30] =	vst v4;
	v7 =	vshll.u32 v55, $0x10;
	v57 =	vld [tilespmem:s15+$0xFFFFFFC0];
	v1 =	vadd.f32 v1, v2  }
0x10f: {  	v4 =	vld [tilespmem:s6+$0xFFFFFFC0];
	[tilespmem:s29+$0xD400] =	vst v0;
	v2 =	vadd.f32 v7, v3  }
0x110: {  	v3 =	vshll.u32 v13, $0x10;
	v0 =	vld [tilespmem:s15+$0x40];
	[tilespmem:s8+$0x50] =	vst v1  }
0x111: {  	v2 =	vadd.f32 v3, v2;
	v3 =	vld [tilespmem:s15+$0xE0]  }
0x112: {  	v1 =	vshll.u32 v8, $0x10;
	v5 =	vshll.u32 v5, $0x10;
	v7 =	vld [tilespmem:s6+$0xE0]  }
0x113: {  	v1 =	vadd.f32 v5, v1;
	v5 =	vshll.u32 v6, $0x10;
	v6 =	vld [tilespmem:s6+$0x40]  }
0x114: {  	s23 =	smov.u32 s31;
	v8 =	vld [tilespmem:s7+$0xE0]  }
0x115: {  	v58 =	vld [tilespmem:s7+$0xFFFFFFC0];
	[tilespmem:s23+$0x40] =	vst v2;
	v2 =	vshll.u32 v57, $0x10;
	v4 =	vshll.u32 v4, $0x10  }
0x116: {  	v2 =	vadd.f32 v4, v2;
	v4 =	vld [tilespmem:s7+$0x40]  }
0x117: {  	v59 =	vld [tilespmem:s15+$0xFFFFFF50];
	v3 =	vshll.u32 v3, $0x10;
	v7 =	vshll.u32 v7, $0x10  }
0x118: {  	v0 =	vshll.u32 v0, $0x10;
	v60 =	vld [tilespmem:s6+$0xFFFFFF50];
	v6 =	vshll.u32 v6, $0x10;
	v3 =	vadd.f32 v7, v3  }
0x119: {  	v7 =	vld [tilespmem:s7+$0xFFFFFF50];
	v0 =	vadd.f32 v6, v0;
	v6 =	vshll.u32 v8, $0x10  }
0x11a: {  	v8 =	vshll.u32 v58, $0x10;
	v3 =	vadd.f32 v6, v3;
	v6 =	vld [tilespmem:s17+$0x70]  }
0x11b: {  	v2 =	vadd.f32 v8, v2;
	v8 =	vld [tilespmem:s11+$0xFFFFFFF0]  }
0x11c: {  	v4 =	vshll.u32 v4, $0x10;
	[tilespmem:s8+$0x60] =	vst v3;
	v3 =	vld [tilespmem:s11+$0x70]  }
0x11d: {  	v61 =	vshll.u32 v59, $0x10;
	v0 =	vadd.f32 v4, v0;
	v4 =	vshll.u32 v60, $0x10;
	v62 =	vld [tilespmem:s15+$0xF0]  }
0x11e: {  	s19 =	sadd.s32 $0x4, s19;
	[tilespmem:s1+$0x40] =	vst v2;
	v2 =	vadd.f32 v4, v61;
	v4 =	vshll.u32 v7, $0x10;
	v7 =	vld [tilespmem:s6+$0xF0]  }
0x11f: {  	p1 =	slt.u32 s19, $0x3C;
	v63 =	vld [tilespmem:s15+$0xFFFFFFD0];
	v6 =	vshll.u32 v6, $0x10  }
.Ltmp1:
0x120: {  	[tilespmem:s2+$0x40] =	vst v0;
	v0 =	vld [tilespmem:s7+$0xF0];
	v2 =	vadd.f32 v4, v2;
	v8 =	vshll.u32 v8, $0x10;
	v5 =	vadd.f32 v6, v5;
	(pc) =	sbr.rel @p1 .LBB2_6-.Ltmp1, $4  }
0x121: {  	v4 =	vld [tilespmem:s6+$0xFFFFFFD0];
	v1 =	vadd.f32 v8, v1;
	v3 =	vshll.u32 v3, $0x10  }
0x122: {  	[tilespmem:s23+$0x50] =	vst v2;
	v2 =	vld [tilespmem:s15+$0x50];
	v8 =	vadd.f32 v3, v5  }
0x123: {  	s9 =	smov.u32 s1;
	s22 =	smov.u32 s15;
	s17 =	smov.u32 s6;
	v3 =	vld [tilespmem:s6+$0x50];
	v10 =	vshll.u32 v62, $0x10;
	v7 =	vshll.u32 v7, $0x10;
	[tilespmem:s30+$0x70] =	vst v1  }
0x124: {  	s11 =	smov.u32 s7;
	s15 =	sadd.s32 $0x200, s15;
	v6 =	vshll.u32 v63, $0x10;
	v5 =	vld [tilespmem:s7+$0xFFFFFFD0];
	v1 =	vadd.f32 v7, v10;
	[tilespmem:s10+$0x70] =	vst v8;
	s10 =	smov.u32 s2  }
0x125: {  	_ = 	snop  }
0x126: {  	v7 =	vld [tilespmem:s11+$0x50]  }
0x127: {  	v4 =	vshll.u32 v4, $0x10  }
0x128: {  	v4 =	vadd.f32 v4, v6  }
0x129: {  	v2 =	vshll.u32 v2, $0x10;
	v3 =	vshll.u32 v3, $0x10;
	v5 =	vshll.u32 v5, $0x10  }
0x12a: {  	v2 =	vadd.f32 v3, v2;
	v3 =	vld [tilespmem:s22+$0xFFFFFF60];
	v4 =	vadd.f32 v5, v4  }
0x12b: {  	v5 =	vshll.u32 v7, $0x10;
	v7 =	vld [tilespmem:s11+$0xFFFFFF60]  }
0x12c: {  	[tilespmem:s9+$0x50] =	vst v4;
	v4 =	vld [tilespmem:s17+$0xFFFFFF60]  }
0x12d: {  	v2 =	vadd.f32 v5, v2;
	v6 =	vld [tilespmem:s22+$0xFFFFFFE0]  }
0x12e: {  	v5 =	vld [tilespmem:s17+$0xFFFFFFE0]  }
0x12f: {  	[tilespmem:s10+$0x50] =	vst v2;
	v9 =	vld [tilespmem:s11+$0xFFFFFFE0]  }
0x130: {  	v2 =	vld [tilespmem:s22+$0x60]  }
0x131: {  	v8 =	vld [tilespmem:s17+$0x60];
	v3 =	vshll.u32 v3, $0x10;
	v4 =	vshll.u32 v4, $0x10  }
0x132: {  	v3 =	vadd.f32 v4, v3  }
0x133: {  	v4 =	vshll.u32 v7, $0x10;
	v7 =	vld [tilespmem:s11+$0x60]  }
0x134: {  	v6 =	vshll.u32 v6, $0x10;
	v5 =	vshll.u32 v5, $0x10;
	v3 =	vadd.f32 v4, v3  }
0x135: {  	v4 =	vadd.f32 v5, v6  }
0x136: {  	v2 =	vshll.u32 v2, $0x10;
	v5 =	vshll.u32 v8, $0x10;
	[tilespmem:s23+$0x60] =	vst v3;
	v3 =	vshll.u32 v9, $0x10  }
0x137: {  	v2 =	vadd.f32 v5, v2;
	v5 =	vld [tilespmem:s22+$0xFFFFFF70];
	v3 =	vadd.f32 v3, v4  }
0x138: {  	v4 =	vshll.u32 v7, $0x10;
	v6 =	vld [tilespmem:s17+$0xFFFFFF70]  }
0x139: {  	v7 =	vld [tilespmem:s11+$0xFFFFFF70];
	v2 =	vadd.f32 v4, v2;
	[tilespmem:s9+$0x60] =	vst v3  }
0x13a: {  	v3 =	vld [tilespmem:s22+$0xFFFFFFF0]  }
0x13b: {  	[tilespmem:s10+$0x60] =	vst v2;
	v2 =	vld [tilespmem:s17+$0xFFFFFFF0]  }
0x13c: {  	v4 =	vld [tilespmem:s22+$0x70]  }
0x13d: {  	v8 =	vld [tilespmem:s17+$0x70]  }
0x13e: {  	v39 =	vld [tilespmem:s11+$0xFFFFFFF0]  }
0x13f: {  	v0 =	vshll.u32 v0, $0x10;
	v10 =	vld [tilespmem:s11+$0x70];
	v5 =	vshll.u32 v5, $0x10;
	v6 =	vshll.u32 v6, $0x10  }
0x140: {  	v0 =	vadd.f32 v0, v1;
	v1 =	vadd.f32 v6, v5  }
0x141: {  	v5 =	vshll.u32 v7, $0x10;
	v3 =	vshll.u32 v3, $0x10;
	v2 =	vshll.u32 v2, $0x10  }
0x142: {  	v2 =	vadd.f32 v2, v3;
	v3 =	vshll.u32 v4, $0x10;
	v4 =	vshll.u32 v8, $0x10  }
0x143: {  	v1 =	vadd.f32 v5, v1;
	v5 =	vshll.u32 v39, $0x10;
	v3 =	vadd.f32 v4, v3  }
0x144: {  	[tilespmem:s8+$0x70] =	vst v0;
	v0 =	vadd.f32 v5, v2;
	v2 =	vshll.u32 v10, $0x10  }
0x145: {  	s0 =	rddreg [dreg:$0x14];
	[tilespmem:s23+$0x70] =	vst v1;
	v1 =	vadd.f32 v2, v3  }
0x146: {  	s0 =	sshll.u32 s0, $0xE;
	s1 =	rddreg [dreg:$0xd];
	[tilespmem:s9+$0x70] =	vst v0  }
0x147: {  	s0 =	sadd.s32 s1, s0;
	[tilespmem:s10+$0x70] =	vst v1  }
0x148: {  	s0 =	sshrl.u32 s0, $0x3;
	s31 =	rddreg [dreg:$0xc]  }
0x149: {  	s28 =	simm.s32 $0x0;
	s20 =	simm.s32 $0xD400;
	s0 =	sadd.s32 s31, s0  }
0x14a: {  	[hbm4b:s0+s28] =	stream.linear.scatter [tilespmem:s20], [sflag:$0x3], $0x4000, $0x38;
	[tilespmem:$0x11400] =	vst v63  }
0x14b: {  	s0 =	rddreg [dreg:$0x12]  }
0x14c: {  	s26 =	rddreg [dreg:$0x1];
	p0 =	seq.s32 s0, $0x3  }
0x14d: {  	s29 =	rddreg [dreg:$0x4];
	s0 =	sshll.u32 @!p0 s0, $0x8  }
0x14e: {  	s2 =	simm.s32 @!p0 $0x40;
	s3 =	simm.s32 @!p0 $0x1400;
	s1 =	sadd.s32 @!p0 $0x100, s0  }
0x14f: {  	[tilespmem:s3], [sflag:$0x1] =	stream.indirect.gather @!p0 [hbm4b:s29+s2], $0x80, s1, s2, $0xb8;
	[tilespmem:$0x11400] =	vst v63  }
0x150: {  	s21 =	simm.s32 $0x2;
	s1 =	sadd.s32 @!p0 $0x900, s0;
	s3 =	simm.s32 @!p0 $0x5400  }
0x151: {  	[tilespmem:s3], [sflag:$0x1] =	stream.indirect.gather @!p0 [hbm4b:s26+s2], $0x80, s1, s2, $0xb8;
	[tilespmem:$0x11400] =	vst v63  }
0x152: {  	s30 =	rddreg [dreg:$0x5];
	s0 =	sadd.s32 @!p0 $0x1100, s0;
	s1 =	simm.s32 @!p0 $0x9400  }
0x153: {  	[tilespmem:s1], [sflag:$0x1] =	stream.indirect.gather @!p0 [hbm4b:s30+s2], $0x80, s0, s2, $0xb8;
	[tilespmem:$0x11400] =	vst v63  }
0x154: {  	_ =	swait.ge [sflag:s21], $0x2000  }
0x155: {  	[sflag:s21] =	ssyncset.done $0x0  }
0x156: {  	[sflag:s21] =	ssyncadd.s32 $0xFFFFE000  }
0x157: {  	_ =	swait.ge [sflag:s21], $0x2000  }
0x158: {  	[sflag:s21] =	ssyncset.done $0x0  }
0x159: {  	[sflag:s21] =	ssyncadd.s32 $0xFFFFE000  }
0x15a: {  	_ =	swait.ge [sflag:s21], $0x2000  }
0x15b: {  	[sflag:s21] =	ssyncset.done $0x0  }
0x15c: {  	s22 =	simm.s32 $0x3;
	[sflag:s21] =	ssyncadd.s32 $0xFFFFE000  }
0x15d: {  	_ =	swait.ge [sflag:s22], $0x4000  }
0x15e: {  	[sflag:s22] =	ssyncset.done $0x0  }
0x15f: {  	[sflag:s22] =	ssyncadd.s32 $0xFFFFC000;
	s22 =	simm.s32 $0x35F0  }
0x160: {  	s6 =	simm.s32 $0x75F0;
	v0 =	vld [tilespmem:s22+$0xFFFFFF90]  }
0x161: {  	v1 =	vld [tilespmem:s6+$0xFFFFFF90]  }
0x162: {  	s7 =	simm.s32 $0xB5F0  }
0x163: {  	v2 =	vld [tilespmem:s7+$0xFFFFFF90];
	_ =	sdelay $0x2  }
0x164: {  	p0 =	por $0x0, $0x0;
	s0 =	simm.s32 $0x1;
	v3 =	vshll.u32 v0, $0x10;
	v4 =	vshll.u32 v1, $0x10  }
0x165: {  	s0 =	simm.s32 @!p0 $0x0;
	v0 =	vand.u32 $0xFFFF0000, v0;
	v1 =	vand.u32 $0xFFFF0000, v1;
	v3 =	vadd.f32 v4, v3  }
0x166: {  	s8 =	simm.s32 $0x0;
	s0 =	sshll.u32 s0, $0x9;
	v4 =	vshll.u32 v2, $0x10;
	v0 =	vadd.f32 v1, v0  }
0x167: {  	s24 =	sand.u32 $0x3800, s8;
	s25 =	sand.u32 $0x200, s8;
	s23 =	sadd.s32 $0x0, s0;
	v2 =	vand.u32 $0xFFFF0000, v2;
	v1 =	vadd.f32 v4, v3  }
0x168: {  	s3 =	sadd.s32 $0x180, s23;
	s21 =	sor.u32 s25, s24;
	v3 =	vld [tilespmem:s22+$0xFFFFFE10];
	v0 =	vadd.f32 v2, v0  }
0x169: {  	s4 =	sor.u32 $0x400, s3;
	v2 =	vld [tilespmem:s6+$0xFFFFFE10];
	[tilespmem:s21+$0xD580] =	vst v1  }
0x16a: {  	v1 =	vld [tilespmem:s7+$0xFFFFFE10];
	[tilespmem:s4+$0xD400] =	vst v0  }
0x16b: {  	v0 =	vld [tilespmem:s22+$0xFFFFFFA0]  }
0x16c: {  	v4 =	vld [tilespmem:s6+$0xFFFFFFA0];
	_ =	sdelay $0x1  }
0x16d: {  	v7 =	vld [tilespmem:s7+$0xFFFFFFA0];
	v5 =	vshll.u32 v3, $0x10;
	v6 =	vshll.u32 v2, $0x10  }
0x16e: {  	v3 =	vand.u32 $0xFFFF0000, v3;
	v2 =	vand.u32 $0xFFFF0000, v2;
	v5 =	vadd.f32 v6, v5  }
0x16f: {  	v6 =	vld [tilespmem:s22+$0xFFFFFE90];
	v2 =	vadd.f32 v2, v3;
	v8 =	vshll.u32 v1, $0x10;
	v1 =	vand.u32 $0xFFFF0000, v1  }
0x170: {  	v3 =	vld [tilespmem:s6+$0xFFFFFE90];
	v5 =	vadd.f32 v8, v5;
	v8 =	vshll.u32 v0, $0x10;
	v40 =	vshll.u32 v4, $0x10  }
0x171: {  	v0 =	vand.u32 $0xFFFF0000, v0;
	v4 =	vand.u32 $0xFFFF0000, v4;
	v8 =	vadd.f32 v40, v8  }
0x172: {  	v42 =	vld [tilespmem:s7+$0xFFFFFE90];
	v1 =	vadd.f32 v1, v2;
	v2 =	vshll.u32 v7, $0x10;
	v0 =	vadd.f32 v4, v0  }
0x173: {  	s5 =	sor.u32 $0x400, s23;
	v41 =	vld [tilespmem:s22+$0xFFFFFF10];
	[tilespmem:s21+$0xD400] =	vst v5;
	v4 =	vand.u32 $0xFFFF0000, v7;
	v2 =	vadd.f32 v2, v8  }
0x174: {  	v5 =	vld [tilespmem:s6+$0xFFFFFF10];
	[tilespmem:s5+$0xD400] =	vst v1;
	v0 =	vadd.f32 v4, v0  }
0x175: {  	s9 =	sor.u32 $0x410, s3;
	v7 =	vld [tilespmem:s7+$0xFFFFFF10];
	v1 =	vshll.u32 v6, $0x10;
	v4 =	vshll.u32 v3, $0x10;
	[tilespmem:s21+$0xD590] =	vst v2  }
0x176: {  	v3 =	vand.u32 $0xFFFF0000, v3;
	v44 =	vld [tilespmem:s6+$0xFFFFFE20];
	v1 =	vadd.f32 v4, v1;
	v2 =	vand.u32 $0xFFFF0000, v6;
	[tilespmem:s9+$0xD400] =	vst v0  }
0x177: {  	v9 =	vand.u32 $0xFFFF0000, v42;
	v2 =	vadd.f32 v3, v2;
	v3 =	vshll.u32 v42, $0x10;
	v6 =	vld [tilespmem:s22+$0xFFFFFFB0]  }
0x178: {  	v8 =	vand.u32 $0xFFFF0000, v41;
	v0 =	vshll.u32 v41, $0x10;
	v1 =	vadd.f32 v3, v1;
	v3 =	vld [tilespmem:s6+$0xFFFFFFB0]  }
0x179: {  	s10 =	sadd.s32 $0x80, s23;
	v4 =	vld [tilespmem:s22+$0xFFFFFE20];
	v43 =	vshll.u32 v5, $0x10;
	v5 =	vand.u32 $0xFFFF0000, v5;
	v2 =	vadd.f32 v9, v2  }
0x17a: {  	s11 =	sor.u32 $0x400, s10;
	v0 =	vadd.f32 v43, v0;
	v5 =	vadd.f32 v5, v8;
	[tilespmem:s21+$0xD480] =	vst v1;
	v1 =	vld [tilespmem:s7+$0xFFFFFFB0]  }
0x17b: {  	v8 =	vshll.u32 v7, $0x10;
	v7 =	vand.u32 $0xFFFF0000, v7;
	[tilespmem:s11+$0xD400] =	vst v2  }
0x17c: {  	v0 =	vadd.f32 v8, v0;
	v2 =	vadd.f32 v7, v5;
	v5 =	vld [tilespmem:s22+$0xFFFFFEA0]  }
0x17d: {  	s12 =	sadd.s32 $0x100, s23;
	v9 =	vand.u32 $0xFFFF0000, v44;
	v7 =	vld [tilespmem:s6+$0xFFFFFEA0];
	v45 =	vshll.u32 v6, $0x10;
	v11 =	vshll.u32 v3, $0x10  }
0x17e: {  	s4 =	sor.u32 $0x400, s12;
	[tilespmem:s21+$0xD500] =	vst v0;
	v0 =	vld [tilespmem:s7+$0xFFFFFE20];
	v6 =	vand.u32 $0xFFFF0000, v6;
	v3 =	vand.u32 $0xFFFF0000, v3;
	v10 =	vadd.f32 v11, v45  }
0x17f: {  	v8 =	vshll.u32 v4, $0x10;
	[tilespmem:s4+$0xD400] =	vst v2;
	v3 =	vadd.f32 v3, v6;
	v2 =	vshll.u32 v1, $0x10  }
0x180: {  	v6 =	vshll.u32 v44, $0x10;
	v46 =	vld [tilespmem:s22+$0xFFFFFF20];
	v1 =	vand.u32 $0xFFFF0000, v1;
	v2 =	vadd.f32 v2, v10  }
0x181: {  	v4 =	vand.u32 $0xFFFF0000, v4;
	v6 =	vadd.f32 v6, v8;
	v8 =	vld [tilespmem:s6+$0xFFFFFF20];
	v1 =	vadd.f32 v1, v3  }
0x182: {  	s13 =	sor.u32 $0x420, s3;
	v4 =	vadd.f32 v9, v4;
	v12 =	vld [tilespmem:s7+$0xFFFFFF20];
	v3 =	vshll.u32 v5, $0x10;
	v5 =	vand.u32 $0xFFFF0000, v5;
	[tilespmem:s21+$0xD5A0] =	vst v2  }
0x183: {  	v47 =	vld [tilespmem:s7+$0xFFFFFEA0];
	v48 =	vshll.u32 v0, $0x10;
	v0 =	vand.u32 $0xFFFF0000, v0;
	v2 =	vshll.u32 v7, $0x10;
	[tilespmem:s13+$0xD400] =	vst v1  }
0x184: {  	v7 =	vand.u32 $0xFFFF0000, v7;
	v0 =	vadd.f32 v0, v4;
	v1 =	vadd.f32 v2, v3;
	v3 =	vld [tilespmem:s22+$0xFFFFFFC0]  }
0x185: {  	v2 =	vadd.f32 v7, v5;
	v5 =	vadd.f32 v48, v6;
	v4 =	vld [tilespmem:s6+$0xFFFFFFC0]  }
0x186: {  	v6 =	vshll.u32 v46, $0x10;
	v49 =	vand.u32 $0xFFFF0000, v46;
	v7 =	vshll.u32 v8, $0x10  }
0x187: {  	s14 =	sor.u32 $0x410, s23;
	v50 =	vshll.u32 v12, $0x10;
	[tilespmem:s21+$0xD410] =	vst v5;
	v5 =	vand.u32 $0xFFFF0000, v8;
	v6 =	vadd.f32 v7, v6;
	v7 =	vld [tilespmem:s7+$0xFFFFFFC0]  }
0x188: {  	v8 =	vshll.u32 v47, $0x10;
	[tilespmem:s14+$0xD400] =	vst v0;
	v0 =	vadd.f32 v5, v49;
	v5 =	vand.u32 $0xFFFF0000, v47  }
0x189: {  	v52 =	vand.u32 $0xFFFF0000, v12;
	v1 =	vadd.f32 v8, v1;
	v51 =	vld [tilespmem:s22+$0xFFFFFE30];
	v2 =	vadd.f32 v5, v2  }
0x18a: {  	v5 =	vld [tilespmem:s6+$0xFFFFFE30];
	v6 =	vadd.f32 v50, v6;
	v8 =	vshll.u32 v3, $0x10;
	v53 =	vshll.u32 v4, $0x10  }
0x18b: {  	s15 =	sor.u32 $0x410, s10;
	[tilespmem:s21+$0xD490] =	vst v1;
	v3 =	vand.u32 $0xFFFF0000, v3;
	v4 =	vand.u32 $0xFFFF0000, v4;
	v1 =	vadd.f32 v53, v8  }
0x18c: {  	v0 =	vadd.f32 v52, v0;
	[tilespmem:s15+$0xD400] =	vst v2;
	v8 =	vld [tilespmem:s7+$0xFFFFFE30];
	v2 =	vshll.u32 v7, $0x10;
	v3 =	vadd.f32 v4, v3  }
0x18d: {  	s16 =	sor.u32 $0x410, s12;
	[tilespmem:s21+$0xD510] =	vst v6;
	v4 =	vld [tilespmem:s22+$0xFFFFFEB0];
	v1 =	vadd.f32 v2, v1;
	v2 =	vand.u32 $0xFFFF0000, v7  }
0x18e: {  	v6 =	vld [tilespmem:s6+$0xFFFFFEB0];
	[tilespmem:s16+$0xD400] =	vst v0;
	v0 =	vadd.f32 v2, v3  }
0x18f: {  	s0 =	sor.u32 $0x430, s3;
	v7 =	vld [tilespmem:s22+$0xFFFFFF30];
	v2 =	vshll.u32 v51, $0x10;
	v3 =	vshll.u32 v5, $0x10;
	[tilespmem:s21+$0xD5B0] =	vst v1  }
0x190: {  	v5 =	vand.u32 $0xFFFF0000, v5;
	v1 =	vand.u32 $0xFFFF0000, v51;
	v2 =	vadd.f32 v3, v2;
	v3 =	vld [tilespmem:s7+$0xFFFFFEB0];
	[tilespmem:s0+$0xD400] =	vst v0  }
0x191: {  	v0 =	vshll.u32 v8, $0x10;
	v1 =	vadd.f32 v5, v1;
	v5 =	vld [tilespmem:s22+$0xFFFFFFD0]  }
0x192: {  	v8 =	vand.u32 $0xFFFF0000, v8;
	v0 =	vadd.f32 v0, v2;
	v2 =	vld [tilespmem:s6+$0xFFFFFFD0]  }
0x193: {  	v54 =	vshll.u32 v4, $0x10;
	v55 =	vshll.u32 v6, $0x10;
	v1 =	vadd.f32 v8, v1;
	v8 =	vld [tilespmem:s6+$0xFFFFFF30]  }
0x194: {  	v4 =	vand.u32 $0xFFFF0000, v4;
	v6 =	vand.u32 $0xFFFF0000, v6;
	v9 =	vadd.f32 v55, v54;
	v56 =	vld [tilespmem:s7+$0xFFFFFFD0]  }
0x195: {  	s17 =	sor.u32 $0x420, s23;
	v4 =	vadd.f32 v6, v4;
	[tilespmem:s21+$0xD420] =	vst v0;
	v0 =	vld [tilespmem:s7+$0xFFFFFF30];
	v57 =	vshll.u32 v3, $0x10  }
0x196: {  	[tilespmem:s17+$0xD400] =	vst v1;
	v1 =	vshll.u32 v7, $0x10;
	v3 =	vand.u32 $0xFFFF0000, v3;
	v6 =	vadd.f32 v57, v9  }
0x197: {  	v58 =	vld [tilespmem:s22+$0xFFFFFE40];
	v3 =	vadd.f32 v3, v4;
	v4 =	vshll.u32 v5, $0x10;
	v2 =	vshll.u32 v2, $0x10  }
0x198: {  	s18 =	sor.u32 $0x420, s10;
	v7 =	vand.u32 $0xFFFF0000, v7;
	v5 =	vld [tilespmem:s6+$0xFFFFFE40];
	v59 =	vshll.u32 v8, $0x10;
	[tilespmem:s21+$0xD4A0] =	vst v6;
	v2 =	vadd.f32 v2, v4  }
0x199: {  	v4 =	vld [tilespmem:s7+$0xFFFFFE40];
	v6 =	vand.u32 $0xFFFF0000, v8;
	v1 =	vadd.f32 v59, v1;
	[tilespmem:s18+$0xD400] =	vst v3;
	v3 =	vshll.u32 v56, $0x10  }
0x19a: {  	v8 =	vshll.u32 v0, $0x10;
	v6 =	vadd.f32 v6, v7;
	v7 =	vld [tilespmem:s22+$0xFFFFFEC0];
	v2 =	vadd.f32 v3, v2  }
0x19b: {  	v0 =	vand.u32 $0xFFFF0000, v0;
	v3 =	vld [tilespmem:s6+$0xFFFFFEC0];
	v1 =	vadd.f32 v8, v1  }
0x19c: {  	v8 =	vshll.u32 v58, $0x10;
	v0 =	vadd.f32 v0, v6;
	v6 =	vld [tilespmem:s7+$0xFFFFFEC0];
	[tilespmem:s21+$0xD5C0] =	vst v2  }
0x19d: {  	s19 =	sor.u32 $0x420, s12;
	v9 =	vand.u32 $0xFFFF0000, v58;
	v2 =	vshll.u32 v5, $0x10;
	v5 =	vand.u32 $0xFFFF0000, v5;
	[tilespmem:s21+$0xD520] =	vst v1;
	v1 =	vld [tilespmem:s22+$0xFFFFFFE0]  }
0x19e: {  	v2 =	vadd.f32 v2, v8;
	v5 =	vadd.f32 v5, v9;
	[tilespmem:s19+$0xD400] =	vst v0;
	v0 =	vld [tilespmem:s6+$0xFFFFFFE0]  }
0x19f: {  	v8 =	vshll.u32 v4, $0x10;
	v4 =	vand.u32 $0xFFFF0000, v4;
	v60 =	vld [tilespmem:s22+$0xFFFFFF40]  }
0x1a0: {  	v2 =	vadd.f32 v8, v2;
	v4 =	vadd.f32 v4, v5;
	v5 =	vshll.u32 v7, $0x10;
	v8 =	vld [tilespmem:s7+$0xFFFFFFE0]  }
0x1a1: {  	v61 =	vld [tilespmem:s6+$0xFFFFFF40];
	v7 =	vand.u32 $0xFFFF0000, v7;
	v62 =	vshll.u32 v3, $0x10;
	v3 =	vand.u32 $0xFFFF0000, v3  }
0x1a2: {  	v5 =	vadd.f32 v62, v5;
	v3 =	vadd.f32 v3, v7  }
0x1a3: {  	s20 =	sor.u32 $0x430, s23;
	v7 =	vshll.u32 v6, $0x10;
	[tilespmem:s21+$0xD430] =	vst v2;
	v2 =	vld [tilespmem:s7+$0xFFFFFF40];
	v1 =	vshll.u32 v1, $0x10;
	v0 =	vshll.u32 v0, $0x10  }
0x1a4: {  	[tilespmem:s20+$0xD400] =	vst v4;
	v4 =	vand.u32 $0xFFFF0000, v6;
	v5 =	vadd.f32 v7, v5;
	v0 =	vadd.f32 v0, v1  }
0x1a5: {  	v3 =	vadd.f32 v4, v3;
	v1 =	vld [tilespmem:s22+$0xFFFFFE50];
	v4 =	vshll.u32 v8, $0x10  }
0x1a6: {  	s23 =	sor.u32 $0x430, s10;
	v6 =	vshll.u32 v60, $0x10;
	v7 =	vshll.u32 v61, $0x10;
	v8 =	vld [tilespmem:s6+$0xFFFFFE50];
	[tilespmem:s21+$0xD4B0] =	vst v5;
	v0 =	vadd.f32 v4, v0  }
0x1a7: {  	v5 =	vand.u32 $0xFFFF0000, v61;
	v6 =	vadd.f32 v7, v6;
	v7 =	vld [tilespmem:s7+$0xFFFFFE50];
	[tilespmem:s23+$0xD400] =	vst v3;
	v4 =	vand.u32 $0xFFFF0000, v60  }
0x1a8: {  	v3 =	vadd.f32 v5, v4;
	v4 =	vshll.u32 v2, $0x10;
	v5 =	vld [tilespmem:s22+$0xFFFFFED0];
	[tilespmem:s21+$0xD5D0] =	vst v0  }
0x1a9: {  	v0 =	vand.u32 $0xFFFF0000, v2;
	v2 =	vadd.f32 v4, v6;
	v4 =	vld [tilespmem:s22+$0xFFFFFFF0]  }
0x1aa: {  	v0 =	vadd.f32 v0, v3;
	v3 =	vld [tilespmem:s6+$0xFFFFFFF0]  }
0x1ab: {  	s24 =	sor.u32 $0x430, s12;
	v1 =	vshll.u32 v1, $0x10;
	v6 =	vshll.u32 v8, $0x10;
	[tilespmem:s21+$0xD530] =	vst v2;
	v2 =	vld [tilespmem:s6+$0xFFFFFED0]  }
0x1ac: {  	v1 =	vadd.f32 v6, v1;
	[tilespmem:s24+$0xD400] =	vst v0;
	v0 =	vld [tilespmem:s7+$0xFFFFFFF0]  }
0x1ad: {  	v6 =	vshll.u32 v7, $0x10;
	v7 =	vld [tilespmem:s22+$0xFFFFFF50]  }
0x1ae: {  	v1 =	vadd.f32 v6, v1;
	v6 =	vld [tilespmem:s7+$0xFFFFFED0]  }
0x1af: {  	v8 =	vld [tilespmem:s6+$0xFFFFFF50];
	v4 =	vshll.u32 v4, $0x10;
	v3 =	vshll.u32 v3, $0x10  }
0x1b0: {  	[tilespmem:s21+$0xD440] =	vst v1;
	v1 =	vld [tilespmem:s7+$0xFFFFFF50];
	v3 =	vadd.f32 v3, v4  }
0x1b1: {  	v4 =	vshll.u32 v5, $0x10;
	v2 =	vshll.u32 v2, $0x10;
	v5 =	vld [tilespmem:s22+$0xFFFFFE60];
	v0 =	vshll.u32 v0, $0x10  }
0x1b2: {  	v2 =	vadd.f32 v2, v4;
	v4 =	vld [tilespmem:s6+$0xFFFFFE60];
	v0 =	vadd.f32 v0, v3  }
0x1b3: {  	v3 =	vshll.u32 v6, $0x10  }
0x1b4: {  	v6 =	vshll.u32 v7, $0x10;
	v7 =	vshll.u32 v8, $0x10;
	v8 =	vld [tilespmem:s7+$0xFFFFFE60];
	v2 =	vadd.f32 v3, v2;
	[tilespmem:s21+$0xD5E0] =	vst v0  }
0x1b5: {  	v0 =	vadd.f32 v7, v6;
	v6 =	vld [tilespmem:s22+$0x0]  }
0x1b6: {  	v1 =	vshll.u32 v1, $0x10;
	[tilespmem:s21+$0xD4C0] =	vst v2;
	v7 =	vld [tilespmem:s6+$0x0]  }
0x1b7: {  	v2 =	vshll.u32 v5, $0x10;
	v1 =	vadd.f32 v1, v0;
	v0 =	vshll.u32 v4, $0x10;
	v63 =	vld [tilespmem:s22+$0xFFFFFEE0]  }
0x1b8: {  	v2 =	vadd.f32 v0, v2;
	v0 =	vld [tilespmem:s7+$0x0]  }
0x1b9: {  	v4 =	vld [tilespmem:s6+$0xFFFFFEE0];
	v3 =	vshll.u32 v8, $0x10;
	[tilespmem:s21+$0xD540] =	vst v1  }
0x1ba: {  	s10 =	simm.s32 $0xB5F0;
	v1 =	vadd.f32 v3, v2;
	v2 =	vld [tilespmem:s22+$0xFFFFFF60];
	s0 =	rddreg [dreg:$0x11]  }
0x1bb: {  	s11 =	simm.s32 $0x75F0;
	s4 =	simm.s32 $0x0;
	s25 =	rddreg [dreg:$0x13];
	v3 =	vld [tilespmem:s6+$0xFFFFFF60];
	v8 =	vshll.u32 v6, $0x10;
	v7 =	vshll.u32 v7, $0x10  }
0x1bc: {  	s15 =	simm.s32 $0x37F0;
	s17 =	simm.s32 $0x0;
	v5 =	vld [tilespmem:s7+$0xFFFFFEE0];
	s9 =	sadd.s32 s0, s25;
	[tilespmem:s21+$0xD450] =	vst v1;
	v6 =	vshll.u32 v63, $0x10;
	v1 =	vadd.f32 v7, v8  }
.LBB2_8:
0x1bd: {  	v7 =	vld [tilespmem:s15+$0xFFFFFF90];
	v0 =	vshll.u32 v0, $0x10;
	s6 =	sadd.s32 $0x200, s6  }
0x1be: {  	v8 =	vld [tilespmem:s6+$0xFFFFFF90];
	v4 =	vshll.u32 v4, $0x10;
	v0 =	vadd.f32 v0, v1  }
0x1bf: {  	s7 =	sadd.s32 $0x200, s7;
	v1 =	vld [tilespmem:s15+$0xFFFFFE10];
	v4 =	vadd.f32 v4, v6;
	v2 =	vshll.u32 v2, $0x10  }
0x1c0: {  	v6 =	vld [tilespmem:s7+$0xFFFFFF90];
	v3 =	vshll.u32 v3, $0x10;
	[tilespmem:s21+$0xD5F0] =	vst v0  }
0x1c1: {  	v0 =	vld [tilespmem:s6+$0xFFFFFE10];
	v5 =	vshll.u32 v5, $0x10;
	v2 =	vadd.f32 v3, v2  }
0x1c2: {  	v3 =	vld [tilespmem:s15+$0xFFFFFE90];
	v4 =	vadd.f32 v5, v4  }
0x1c3: {  	p0 =	por !p0, !p0;
	s0 =	simm.s32 $0x1;
	v9 =	vshll.u32 v7, $0x10;
	v5 =	vld [tilespmem:s6+$0xFFFFFE90];
	v10 =	vshll.u32 v8, $0x10  }
0x1c4: {  	s0 =	simm.s32 @!p0 $0x0;
	v7 =	vand.u32 $0xFFFF0000, v7;
	v8 =	vand.u32 $0xFFFF0000, v8;
	v11 =	vld [tilespmem:s15+$0xFFFFFF10];
	v9 =	vadd.f32 v10, v9;
	[tilespmem:s21+$0xD4D0] =	vst v4  }
0x1c5: {  	s8 =	sadd.s32 $0x400, s8;
	s17 =	sadd.s32 $0x200, s17;
	s0 =	sshll.u32 s0, $0x9;
	v4 =	vshll.u32 v1, $0x10;
	v7 =	vadd.f32 v8, v7;
	v10 =	vld [tilespmem:s6+$0xFFFFFF10];
	v12 =	vshll.u32 v6, $0x10  }
0x1c6: {  	s1 =	sand.u32 $0x200, s17;
	s16 =	sadd.s32 s0, s8;
	s0 =	sand.u32 $0x3800, s8;
	v6 =	vand.u32 $0xFFFF0000, v6;
	v8 =	vld [tilespmem:s7+$0xFFFFFE10];
	v13 =	vshll.u32 v0, $0x10;
	v9 =	vadd.f32 v12, v9  }
0x1c7: {  	s18 =	sor.u32 s1, s0;
	s1 =	sadd.s32 $0x80, s16;
	s13 =	sadd.s32 $0x180, s16;
	v1 =	vand.u32 $0xFFFF0000, v1;
	v0 =	vand.u32 $0xFFFF0000, v0;
	v6 =	vadd.f32 v6, v7;
	v12 =	vld [tilespmem:s7+$0xFFFFFE90]  }
0x1c8: {  	s19 =	sadd.s32 $0x100, s16;
	s24 =	sor.u32 $0x400, s1;
	s0 =	sor.u32 $0x400, s13;
	v7 =	vshll.u32 v3, $0x10;
	v3 =	vand.u32 $0xFFFF0000, v3;
	v14 =	vshll.u32 v5, $0x10;
	v15 =	vld [tilespmem:s7+$0xFFFFFF10];
	[tilespmem:s18+$0xD580] =	vst v9  }
0x1c9: {  	s4 =	sadd.s32 $0x4, s4;
	s25 =	sor.u32 $0x400, s16;
	s14 =	sor.u32 $0x400, s19;
	v5 =	vand.u32 $0xFFFF0000, v5;
	v9 =	vshll.u32 v11, $0x10;
	v11 =	vand.u32 $0xFFFF0000, v11;
	[tilespmem:s0+$0xD400] =	vst v6;
	v6 =	vld [tilespmem:s10+$0xFFFFFF60]  }
0x1ca: {  	p1 =	slt.u32 s4, $0x3C;
	s23 =	sor.u32 $0x410, s1;
	s5 =	sor.u32 $0x410, s19;
	v4 =	vadd.f32 v13, v4;
	v13 =	vshll.u32 v10, $0x10;
	v10 =	vand.u32 $0xFFFF0000, v10;
	v16 =	vld [tilespmem:s15+$0xFFFFFFA0]  }
0x1cb: {  	s12 =	sor.u32 $0x420, s1;
	s20 =	sor.u32 $0x420, s19;
	v0 =	vadd.f32 v0, v1;
	s0 =	sor.u32 $0x410, s16;
	v1 =	vadd.f32 v14, v7;
	v17 =	vshll.u32 v8, $0x10;
	v7 =	vld [tilespmem:s6+$0xFFFFFFA0]  }
0x1cc: {  	s3 =	sor.u32 $0x420, s16;
	s2 =	sor.u32 $0x430, s1;
	s1 =	sor.u32 $0x430, s19;
	v3 =	vadd.f32 v5, v3;
	v8 =	vand.u32 $0xFFFF0000, v8;
	v5 =	vadd.f32 v13, v9;
	v9 =	vld [tilespmem:s22+$0xFFFFFE70]  }
0x1cd: {  	s19 =	sor.u32 $0x430, s16;
	v10 =	vadd.f32 v10, v11;
	v13 =	vshll.u32 v12, $0x10;
	v12 =	vand.u32 $0xFFFF0000, v12;
	v11 =	vld [tilespmem:s7+$0xFFFFFFA0]  }
0x1ce: {  	v4 =	vadd.f32 v17, v4;
	v14 =	vshll.u32 v15, $0x10;
	v15 =	vand.u32 $0xFFFF0000, v15;
	v17 =	vld [tilespmem:s11+$0xFFFFFE70]  }
0x1cf: {  	v0 =	vadd.f32 v8, v0;
	v1 =	vadd.f32 v13, v1;
	v6 =	vshll.u32 v6, $0x10;
	v8 =	vld [tilespmem:s22+$0xFFFFFEF0]  }
0x1d0: {  	v3 =	vadd.f32 v12, v3;
	[tilespmem:s18+$0xD400] =	vst v4;
	v4 =	vshll.u32 v16, $0x10;
	v12 =	vshll.u32 v7, $0x10;
	v13 =	vld [tilespmem:s11+$0xFFFFFEF0]  }
0x1d1: {  	v7 =	vand.u32 $0xFFFF0000, v7;
	[tilespmem:s25+$0xD400] =	vst v0;
	v0 =	vadd.f32 v12, v4;
	v4 =	vand.u32 $0xFFFF0000, v16;
	v12 =	vld [tilespmem:s10+$0xFFFFFE70]  }
0x1d2: {  	v16 =	vld [tilespmem:s15+$0xFFFFFE20];
	[tilespmem:s18+$0xD480] =	vst v1;
	v1 =	vadd.f32 v14, v5;
	v5 =	vshll.u32 v11, $0x10;
	v4 =	vadd.f32 v7, v4  }
0x1d3: {  	v7 =	vld [tilespmem:s6+$0xFFFFFE20];
	[tilespmem:s24+$0xD400] =	vst v3;
	v3 =	vadd.f32 v15, v10;
	v0 =	vadd.f32 v5, v0;
	v5 =	vand.u32 $0xFFFF0000, v11  }
0x1d4: {  	v2 =	vadd.f32 v6, v2;
	v10 =	vld [tilespmem:s15+$0xFFFFFEA0];
	[tilespmem:s18+$0xD500] =	vst v1;
	v1 =	vadd.f32 v5, v4;
	v4 =	vshll.u32 v9, $0x10  }
0x1d5: {  	s16 =	sor.u32 $0x410, s13;
	v6 =	vshll.u32 v8, $0x10;
	v5 =	vld [tilespmem:s6+$0xFFFFFEA0];
	[tilespmem:s18+$0xD590] =	vst v0;
	v0 =	vshll.u32 v17, $0x10;
	v8 =	vshll.u32 v13, $0x10  }
0x1d6: {  	v9 =	vld [tilespmem:s7+$0xFFFFFE20];
	[tilespmem:s16+$0xD400] =	vst v1;
	v1 =	vadd.f32 v0, v4;
	v4 =	vshll.u32 v12, $0x10;
	v0 =	vadd.f32 v8, v6  }
0x1d7: {  	v6 =	vshll.u32 v16, $0x10;
	v8 =	vand.u32 $0xFFFF0000, v16;
	[tilespmem:s14+$0xD400] =	vst v3;
	v3 =	vld [tilespmem:s15+$0xFFFFFFB0]  }
0x1d8: {  	v11 =	vshll.u32 v7, $0x10;
	v7 =	vand.u32 $0xFFFF0000, v7;
	v12 =	vld [tilespmem:s6+$0xFFFFFFB0];
	v1 =	vadd.f32 v4, v1;
	[tilespmem:s21+$0xD550] =	vst v2  }
0x1d9: {  	v2 =	vadd.f32 v11, v6;
	v4 =	vshll.u32 v10, $0x10;
	v6 =	vand.u32 $0xFFFF0000, v10;
	v10 =	vld [tilespmem:s15+$0xFFFFFF20]  }
0x1da: {  	v7 =	vadd.f32 v7, v8;
	v8 =	vshll.u32 v5, $0x10;
	v5 =	vand.u32 $0xFFFF0000, v5;
	v11 =	vld [tilespmem:s7+$0xFFFFFFB0];
	[tilespmem:s21+$0xD460] =	vst v1  }
0x1db: {  	v1 =	vshll.u32 v9, $0x10;
	v4 =	vadd.f32 v8, v4;
	v5 =	vadd.f32 v5, v6;
	v6 =	vld [tilespmem:s6+$0xFFFFFF20]  }
0x1dc: {  	v1 =	vadd.f32 v1, v2;
	v2 =	vand.u32 $0xFFFF0000, v9;
	v8 =	vld [tilespmem:s7+$0xFFFFFEA0]  }
0x1dd: {  	v9 =	vshll.u32 v3, $0x10;
	v2 =	vadd.f32 v2, v7;
	v7 =	vld [tilespmem:s7+$0xFFFFFF20];
	v13 =	vshll.u32 v12, $0x10  }
0x1de: {  	v3 =	vand.u32 $0xFFFF0000, v3;
	[tilespmem:s18+$0xD410] =	vst v1;
	v1 =	vadd.f32 v13, v9;
	v9 =	vand.u32 $0xFFFF0000, v12;
	v12 =	vld [tilespmem:s22+$0xFFFFFF70]  }
0x1df: {  	[tilespmem:s0+$0xD400] =	vst v2;
	v2 =	vshll.u32 v10, $0x10;
	v13 =	vshll.u32 v11, $0x10;
	v3 =	vadd.f32 v9, v3;
	v9 =	vld [tilespmem:s11+$0xFFFFFF70]  }
0x1e0: {  	v11 =	vand.u32 $0xFFFF0000, v11;
	v14 =	vld [tilespmem:s15+$0xFFFFFE30];
	v15 =	vshll.u32 v6, $0x10;
	v1 =	vadd.f32 v13, v1  }
0x1e1: {  	v10 =	vand.u32 $0xFFFF0000, v10;
	v6 =	vand.u32 $0xFFFF0000, v6;
	v13 =	vld [tilespmem:s6+$0xFFFFFE30];
	v3 =	vadd.f32 v11, v3  }
0x1e2: {  	s0 =	sor.u32 $0x420, s13;
	v16 =	vshll.u32 v8, $0x10;
	v2 =	vadd.f32 v15, v2;
	v6 =	vadd.f32 v6, v10;
	v11 =	vld [tilespmem:s7+$0xFFFFFE30];
	[tilespmem:s18+$0xD5A0] =	vst v1  }
0x1e3: {  	v1 =	vand.u32 $0xFFFF0000, v8;
	v8 =	vshll.u32 v7, $0x10;
	v7 =	vand.u32 $0xFFFF0000, v7;
	[tilespmem:s0+$0xD400] =	vst v3;
	v3 =	vld [tilespmem:s10+$0xFFFFFEF0]  }
0x1e4: {  	v4 =	vadd.f32 v16, v4;
	v1 =	vadd.f32 v1, v5;
	v10 =	vshll.u32 v12, $0x10;
	v5 =	vld [tilespmem:s15+$0xFFFFFFC0]  }
0x1e5: {  	v2 =	vadd.f32 v8, v2;
	v6 =	vadd.f32 v7, v6;
	v12 =	vshll.u32 v14, $0x10;
	v7 =	vld [tilespmem:s6+$0xFFFFFFC0]  }
0x1e6: {  	v14 =	vand.u32 $0xFFFF0000, v14;
	v8 =	vshll.u32 v13, $0x10;
	v13 =	vand.u32 $0xFFFF0000, v13;
	[tilespmem:s18+$0xD490] =	vst v4;
	v4 =	vld [tilespmem:s10+$0xFFFFFF70]  }
0x1e7: {  	v8 =	vadd.f32 v8, v12;
	v12 =	vshll.u32 v11, $0x10;
	v13 =	vadd.f32 v13, v14;
	[tilespmem:s23+$0xD400] =	vst v1;
	v1 =	vld [tilespmem:s7+$0xFFFFFFC0]  }
0x1e8: {  	v11 =	vand.u32 $0xFFFF0000, v11;
	v14 =	vld [tilespmem:s15+$0xFFFFFEB0];
	[tilespmem:s18+$0xD510] =	vst v2;
	v2 =	vshll.u32 v3, $0x10;
	v3 =	vshll.u32 v9, $0x10  }
0x1e9: {  	v8 =	vadd.f32 v12, v8;
	v9 =	vadd.f32 v11, v13;
	v11 =	vld [tilespmem:s6+$0xFFFFFEB0];
	[tilespmem:s5+$0xD400] =	vst v6  }
0x1ea: {  	v12 =	vshll.u32 v5, $0x10;
	v3 =	vadd.f32 v3, v10;
	v6 =	vld [tilespmem:s15+$0xFFFFFF30];
	v13 =	vshll.u32 v7, $0x10  }
0x1eb: {  	v5 =	vand.u32 $0xFFFF0000, v5;
	v7 =	vand.u32 $0xFFFF0000, v7;
	[tilespmem:s18+$0xD420] =	vst v8;
	v8 =	vld [tilespmem:s6+$0xFFFFFF30];
	v10 =	vadd.f32 v13, v12  }
0x1ec: {  	v5 =	vadd.f32 v7, v5;
	v4 =	vshll.u32 v4, $0x10;
	[tilespmem:s3+$0xD400] =	vst v9;
	v9 =	vld [tilespmem:s7+$0xFFFFFEB0];
	v12 =	vshll.u32 v1, $0x10  }
0x1ed: {  	v1 =	vand.u32 $0xFFFF0000, v1;
	v7 =	vshll.u32 v14, $0x10;
	v13 =	vld [tilespmem:s7+$0xFFFFFF30];
	v10 =	vadd.f32 v12, v10  }
0x1ee: {  	v14 =	vand.u32 $0xFFFF0000, v14;
	v1 =	vadd.f32 v1, v5;
	v12 =	vld [tilespmem:s15+$0xFFFFFE40];
	v15 =	vshll.u32 v11, $0x10  }
0x1ef: {  	s0 =	sor.u32 $0x430, s13;
	v11 =	vand.u32 $0xFFFF0000, v11;
	v5 =	vld [tilespmem:s6+$0xFFFFFE40];
	v16 =	vshll.u32 v6, $0x10;
	v6 =	vand.u32 $0xFFFF0000, v6;
	[tilespmem:s18+$0xD5B0] =	vst v10  }
0x1f0: {  	v7 =	vadd.f32 v15, v7;
	v10 =	vld [tilespmem:s7+$0xFFFFFE40];
	v15 =	vshll.u32 v8, $0x10;
	v8 =	vand.u32 $0xFFFF0000, v8;
	[tilespmem:s0+$0xD400] =	vst v1  }
0x1f1: {  	v11 =	vadd.f32 v11, v14;
	v1 =	vshll.u32 v9, $0x10;
	v14 =	vadd.f32 v15, v16;
	v15 =	vld [tilespmem:s15+$0xFFFFFFD0]  }
0x1f2: {  	v9 =	vand.u32 $0xFFFF0000, v9;
	v6 =	vadd.f32 v8, v6;
	v16 =	vshll.u32 v13, $0x10;
	v8 =	vld [tilespmem:s6+$0xFFFFFFD0]  }
0x1f3: {  	v1 =	vadd.f32 v1, v7;
	v7 =	vadd.f32 v9, v11;
	v9 =	vand.u32 $0xFFFF0000, v13;
	v11 =	vld [tilespmem:s22+$0xFFFFFE80]  }
0x1f4: {  	v13 =	vshll.u32 v12, $0x10;
	v14 =	vadd.f32 v16, v14;
	v6 =	vadd.f32 v9, v6;
	v9 =	vld [tilespmem:s7+$0xFFFFFFD0]  }
0x1f5: {  	v12 =	vand.u32 $0xFFFF0000, v12;
	v16 =	vshll.u32 v5, $0x10;
	v5 =	vand.u32 $0xFFFF0000, v5;
	[tilespmem:s18+$0xD4A0] =	vst v1;
	v1 =	vld [tilespmem:s11+$0xFFFFFE80]  }
0x1f6: {  	v13 =	vadd.f32 v16, v13;
	v16 =	vshll.u32 v10, $0x10;
	v5 =	vadd.f32 v5, v12;
	[tilespmem:s12+$0xD400] =	vst v7;
	v7 =	vld [tilespmem:s10+$0xFFFFFE80]  }
0x1f7: {  	v10 =	vand.u32 $0xFFFF0000, v10;
	v12 =	vld [tilespmem:s15+$0xFFFFFEC0];
	[tilespmem:s18+$0xD520] =	vst v14;
	v14 =	vshll.u32 v15, $0x10;
	v8 =	vshll.u32 v8, $0x10  }
0x1f8: {  	v13 =	vadd.f32 v16, v13;
	v15 =	vld [tilespmem:s6+$0xFFFFFEC0];
	[tilespmem:s20+$0xD400] =	vst v6;
	v6 =	vadd.f32 v8, v14;
	v8 =	vshll.u32 v11, $0x10  }
0x1f9: {  	v0 =	vadd.f32 v2, v0;
	v5 =	vadd.f32 v10, v5;
	v10 =	vld [tilespmem:s15+$0xFFFFFF40];
	v9 =	vshll.u32 v9, $0x10  }
0x1fa: {  	v3 =	vadd.f32 v4, v3;
	[tilespmem:s18+$0xD430] =	vst v13;
	v2 =	vld [tilespmem:s6+$0xFFFFFF40];
	v6 =	vadd.f32 v9, v6;
	v1 =	vshll.u32 v1, $0x10  }
0x1fb: {  	[tilespmem:s19+$0xD400] =	vst v5;
	v4 =	vld [tilespmem:s7+$0xFFFFFEC0];
	v1 =	vadd.f32 v1, v8;
	v5 =	vshll.u32 v7, $0x10  }
0x1fc: {  	v7 =	vshll.u32 v12, $0x10;
	v8 =	vand.u32 $0xFFFF0000, v12;
	v9 =	vld [tilespmem:s7+$0xFFFFFF40];
	[tilespmem:s18+$0xD5C0] =	vst v6  }
0x1fd: {  	v6 =	vshll.u32 v15, $0x10;
	v11 =	vand.u32 $0xFFFF0000, v15;
	v12 =	vld [tilespmem:s15+$0xFFFFFFE0];
	v1 =	vadd.f32 v5, v1;
	[tilespmem:s21+$0xD4E0] =	vst v0  }
0x1fe: {  	v0 =	vadd.f32 v6, v7;
	v5 =	vshll.u32 v10, $0x10;
	v6 =	vand.u32 $0xFFFF0000, v10;
	v7 =	vld [tilespmem:s6+$0xFFFFFFE0];
	[tilespmem:s21+$0xD560] =	vst v3  }
0x1ff: {  	v8 =	vadd.f32 v11, v8;
	v3 =	vld [tilespmem:s15+$0xFFFFFE50];
	v10 =	vshll.u32 v2, $0x10;
	v2 =	vand.u32 $0xFFFF0000, v2;
	[tilespmem:s21+$0xD470] =	vst v1  }
0x200: {  	v1 =	vshll.u32 v4, $0x10;
	v5 =	vadd.f32 v10, v5;
	v2 =	vadd.f32 v2, v6;
	v6 =	vld [tilespmem:s7+$0xFFFFFFE0]  }
0x201: {  	v4 =	vand.u32 $0xFFFF0000, v4;
	v10 =	vld [tilespmem:s6+$0xFFFFFE50];
	v11 =	vshll.u32 v9, $0x10;
	v9 =	vand.u32 $0xFFFF0000, v9  }
0x202: {  	v0 =	vadd.f32 v1, v0;
	v1 =	vadd.f32 v4, v8;
	v13 =	vld [tilespmem:s7+$0xFFFFFE50]  }
0x203: {  	v4 =	vadd.f32 v11, v5;
	v5 =	vshll.u32 v12, $0x10;
	v7 =	vshll.u32 v7, $0x10;
	v8 =	vld [tilespmem:s22+$0xFFFFFF00]  }
0x204: {  	v3 =	vshll.u32 v3, $0x10;
	[tilespmem:s18+$0xD4B0] =	vst v0;
	v0 =	vadd.f32 v9, v2;
	v2 =	vadd.f32 v7, v5;
	v5 =	vld [tilespmem:s11+$0xFFFFFF00]  }
0x205: {  	[tilespmem:s2+$0xD400] =	vst v1;
	v1 =	vshll.u32 v6, $0x10;
	v6 =	vld [tilespmem:s22+$0xFFFFFF80];
	s22 =	smov.u32 s15  }
0x206: {  	v7 =	vshll.u32 v10, $0x10;
	v9 =	vld [tilespmem:s15+$0xFFFFFED0];
	[tilespmem:s18+$0xD530] =	vst v4;
	v1 =	vadd.f32 v1, v2  }
0x207: {  	v2 =	vadd.f32 v7, v3;
	v3 =	vshll.u32 v13, $0x10;
	v4 =	vld [tilespmem:s6+$0xFFFFFED0];
	[tilespmem:s1+$0xD400] =	vst v0  }
0x208: {  	v0 =	vld [tilespmem:s15+$0xFFFFFF50];
	[tilespmem:s18+$0xD5D0] =	vst v1;
	v1 =	vshll.u32 v8, $0x10  }
0x209: {  	v2 =	vadd.f32 v3, v2;
	v3 =	vld [tilespmem:s15+$0xFFFFFFF0];
	v5 =	vshll.u32 v5, $0x10  }
0x20a: {  	v7 =	vld [tilespmem:s6+$0xFFFFFFF0];
	v1 =	vadd.f32 v5, v1;
	v5 =	vshll.u32 v6, $0x10  }
0x20b: {  	[tilespmem:s18+$0xD440] =	vst v2;
	v2 =	vshll.u32 v9, $0x10;
	v6 =	vld [tilespmem:s6+$0xFFFFFF50]  }
0x20c: {  	v4 =	vshll.u32 v4, $0x10;
	v8 =	vld [tilespmem:s7+$0xFFFFFFF0]  }
0x20d: {  	v9 =	vld [tilespmem:s7+$0xFFFFFED0];
	v2 =	vadd.f32 v4, v2;
	v0 =	vshll.u32 v0, $0x10  }
0x20e: {  	v4 =	vld [tilespmem:s7+$0xFFFFFF50]  }
0x20f: {  	v3 =	vshll.u32 v3, $0x10;
	v10 =	vld [tilespmem:s15+$0xFFFFFE60];
	v7 =	vshll.u32 v7, $0x10  }
0x210: {  	v11 =	vld [tilespmem:s6+$0xFFFFFE60];
	v6 =	vshll.u32 v6, $0x10;
	v3 =	vadd.f32 v7, v3  }
0x211: {  	v7 =	vld [tilespmem:s7+$0xFFFFFE60];
	v0 =	vadd.f32 v6, v0;
	v6 =	vshll.u32 v8, $0x10  }
0x212: {  	v8 =	vshll.u32 v9, $0x10;
	v3 =	vadd.f32 v6, v3;
	v6 =	vld [tilespmem:s11+$0xFFFFFF80];
	s11 =	smov.u32 s6  }
0x213: {  	v2 =	vadd.f32 v8, v2;
	v4 =	vshll.u32 v4, $0x10;
	v8 =	vld [tilespmem:s10+$0xFFFFFF00]  }
0x214: {  	v9 =	vshll.u32 v10, $0x10;
	v0 =	vadd.f32 v4, v0;
	[tilespmem:s18+$0xD5E0] =	vst v3;
	v3 =	vld [tilespmem:s10+$0xFFFFFF80];
	s10 =	smov.u32 s7  }
0x215: {  	v4 =	vshll.u32 v11, $0x10;
	[tilespmem:s18+$0xD4C0] =	vst v2;
	v10 =	vld [tilespmem:s15+$0x0]  }
0x216: {  	v2 =	vadd.f32 v4, v9;
	v4 =	vshll.u32 v7, $0x10;
	[tilespmem:s18+$0xD540] =	vst v0;
	v7 =	vld [tilespmem:s6+$0x0]  }
0x217: {  	v9 =	vld [tilespmem:s15+$0xFFFFFEE0];
	v6 =	vshll.u32 v6, $0x10  }
.Ltmp2:
0x218: {  	v2 =	vadd.f32 v4, v2;
	v0 =	vld [tilespmem:s7+$0x0];
	v8 =	vshll.u32 v8, $0x10;
	v5 =	vadd.f32 v6, v5;
	(pc) =	sbr.rel @p1 .LBB2_8-.Ltmp2, $4  }
0x219: {  	v4 =	vld [tilespmem:s6+$0xFFFFFEE0];
	v1 =	vadd.f32 v8, v1;
	v3 =	vshll.u32 v3, $0x10  }
0x21a: {  	[tilespmem:s18+$0xD450] =	vst v2;
	v2 =	vld [tilespmem:s15+$0xFFFFFF60];
	v8 =	vadd.f32 v3, v5  }
0x21b: {  	v10 =	vshll.u32 v10, $0x10;
	v3 =	vld [tilespmem:s6+$0xFFFFFF60];
	v7 =	vshll.u32 v7, $0x10;
	[tilespmem:s21+$0xD4F0] =	vst v1  }
0x21c: {  	s15 =	sadd.s32 $0x200, s15;
	v5 =	vld [tilespmem:s7+$0xFFFFFEE0];
	v6 =	vshll.u32 v9, $0x10;
	v1 =	vadd.f32 v7, v10;
	[tilespmem:s21+$0xD570] =	vst v8;
	s21 =	smov.u32 s18  }
0x21d: {  	_ =	sdelay $0x1  }
0x21e: {  	v7 =	vld [tilespmem:s10+$0xFFFFFF60];
	v4 =	vshll.u32 v4, $0x10  }
0x21f: {  	v4 =	vadd.f32 v4, v6  }
0x220: {  	v5 =	vshll.u32 v5, $0x10  }
0x221: {  	v37 =	vld [tilespmem:s22+$0xFFFFFE70];
	v2 =	vshll.u32 v2, $0x10;
	v3 =	vshll.u32 v3, $0x10;
	v4 =	vadd.f32 v5, v4  }
0x222: {  	v38 =	vld [tilespmem:s11+$0xFFFFFE70];
	v2 =	vadd.f32 v3, v2  }
0x223: {  	v42 =	vld [tilespmem:s10+$0xFFFFFE70];
	v39 =	vshll.u32 v7, $0x10;
	[tilespmem:s21+$0xD4D0] =	vst v4  }
0x224: {  	v2 =	vadd.f32 v39, v2;
	v40 =	vld [tilespmem:s22+$0xFFFFFEF0]  }
0x225: {  	v41 =	vld [tilespmem:s11+$0xFFFFFEF0]  }
0x226: {  	[tilespmem:s21+$0xD550] =	vst v2;
	v9 =	vld [tilespmem:s10+$0xFFFFFEF0]  }
0x227: {  	v2 =	vld [tilespmem:s22+$0xFFFFFF70]  }
0x228: {  	v3 =	vshll.u32 v37, $0x10;
	v4 =	vshll.u32 v38, $0x10;
	v8 =	vld [tilespmem:s11+$0xFFFFFF70]  }
0x229: {  	v3 =	vadd.f32 v4, v3  }
0x22a: {  	v43 =	vshll.u32 v42, $0x10;
	v44 =	vld [tilespmem:s10+$0xFFFFFF70]  }
0x22b: {  	v3 =	vadd.f32 v43, v3;
	v6 =	vshll.u32 v40, $0x10;
	v5 =	vshll.u32 v41, $0x10  }
0x22c: {  	v45 =	vadd.f32 v5, v6  }
0x22d: {  	[tilespmem:s21+$0xD460] =	vst v3;
	v46 =	vshll.u32 v9, $0x10;
	v2 =	vshll.u32 v2, $0x10;
	v47 =	vshll.u32 v8, $0x10  }
0x22e: {  	v48 =	vld [tilespmem:s22+$0xFFFFFE80];
	v2 =	vadd.f32 v47, v2;
	v3 =	vadd.f32 v46, v45  }
0x22f: {  	v50 =	vld [tilespmem:s11+$0xFFFFFE80];
	v49 =	vshll.u32 v44, $0x10  }
0x230: {  	v51 =	vld [tilespmem:s10+$0xFFFFFE80];
	v2 =	vadd.f32 v49, v2;
	[tilespmem:s21+$0xD4E0] =	vst v3  }
0x231: {  	v3 =	vld [tilespmem:s22+$0xFFFFFF00]  }
0x232: {  	[tilespmem:s21+$0xD560] =	vst v2;
	v52 =	vld [tilespmem:s11+$0xFFFFFF00]  }
0x233: {  	v53 =	vld [tilespmem:s22+$0xFFFFFF80]  }
0x234: {  	v54 =	vld [tilespmem:s11+$0xFFFFFF80]  }
0x235: {  	v0 =	vshll.u32 v0, $0x10;
	v55 =	vld [tilespmem:s10+$0xFFFFFF00]  }
0x236: {  	v0 =	vadd.f32 v0, v1;
	v57 =	vld [tilespmem:s10+$0xFFFFFF80]  }
0x237: {  	v56 =	vshll.u32 v48, $0x10;
	v6 =	vshll.u32 v50, $0x10;
	v58 =	vshll.u32 v51, $0x10  }
0x238: {  	v1 =	vadd.f32 v6, v56;
	v3 =	vshll.u32 v3, $0x10;
	v2 =	vshll.u32 v52, $0x10  }
0x239: {  	v2 =	vadd.f32 v2, v3;
	v4 =	vshll.u32 v53, $0x10;
	v59 =	vshll.u32 v54, $0x10  }
0x23a: {  	v1 =	vadd.f32 v58, v1;
	v60 =	vshll.u32 v55, $0x10;
	v4 =	vadd.f32 v59, v4  }
0x23b: {  	[tilespmem:s21+$0xD5F0] =	vst v0;
	v62 =	vshll.u32 v57, $0x10;
	v61 =	vadd.f32 v60, v2  }
0x23c: {  	[tilespmem:s21+$0xD470] =	vst v1;
	v63 =	vadd.f32 v62, v4  }
0x23d: {  	s1 =	rddreg [dreg:$0xd];
	[tilespmem:s21+$0xD4F0] =	vst v61  }
0x23e: {  	[tilespmem:s21+$0xD570] =	vst v63  }
0x23f: {  	s4 =	rddreg [dreg:$0x12]  }
0x240: {  	s4 =	sadd.s32 $0x1, s4  }
0x241: {  	p0 =	sne.s32 s4, $0x4  }
.Ltmp3:
0x242: {  	s0 =	sshll.u32 s9, $0xE;
	(pc) =	sbr.rel @p0 .LBB2_5-.Ltmp3, $4  }
0x243: {  	s0 =	sadd.s32 s1, s0  }
0x244: {  	s0 =	sshrl.u32 s0, $0x3  }
0x245: {  	s0 =	sadd.s32 s31, s0;
	s31 =	simm.s32 $0xD400  }
0x246: {  	[hbm4b:s0+s28] =	stream.linear.scatter [tilespmem:s31], [sflag:$0x3], $0x4000, $0x38;
	[tilespmem:$0x11400] =	vst v63  }
0x247: {  	s0 =	rddreg [dreg:$0x10]  }
0x248: {  	s0 =	sadd.s32 $0x1, s0  }
0x249: {  	p0 =	sne.s32 s0, $0x32  }
.Ltmp4:
0x24a: {  	_ = 	snop;
	(pc) =	sbr.rel @p0 .LBB2_2-.Ltmp4, $2  }
0x24b: {  	_ =	sdelay $0x2  }
0x24c: {  	s5 =	simm.s32 $0x800;
	s6 =	simm.s32 $0x1000  }
0x24d: {  	s1 =	simm.s32 $0x3  }
0x24e: {  	_ =	swait.ge [sflag:s1], $0x4000  }
0x24f: {  	s2 =	rddreg [dreg:$0xf]  }
0x250: {  	s0 =	rddreg [dreg:$0xe];
	s2 =	sadd.s32 $0x1, s2  }
0x251: {  	p0 =	sne.s32 s2, s0  }
.Ltmp5:
0x252: {  	_ = 	snop;
	(pc) =	sbr.rel @p0 .LBB2_1-.Ltmp5, $3  }
0x253: {  	_ =	sdelay $0x1  }
0x254: {  	[sflag:s1] =	ssyncset.done $0x0  }
0x255: {  	[sflag:s1] =	ssyncadd.s32 $0xFFFFC000  }
0x256: {  	_ =	sfence.sel $0x180000  }
0x257: {  	[bflag:$0x0] =	sbarrier.arrive $0xFFFF  }
0x258: {  	_ =	strace $0x90000047  }
0x259: {  	s0 =	stileid.u32;
	[bflag:$0x2] =	sbarrier.arrive $0xFFFF  }
0x25a: {  	p0 =	sne.s32 s0, $0x0;
	s0 =	rddreg [dreg:$0x2]  }
0x25b: {  	s0 =	sadd.s32 @!p0 $0x100000, s0  }
0x25c: {  	[sflag:s0] =	ssyncadd.tile.s32 @!p0 $0x1;
	_ =	shalt  }
.Lfunc_end2:
_tile_overlayer_lowered:
.L_overlay_start_2:
0x25d: {  	(tag) =	ssettag $0x2  }
0x25e: {  	s0 =	rddreg [dreg:$0x0];
	s2 =	stileid.u32  }
0x25f: {  	s1 =	rddreg [dreg:$0x1];
	p0 =	sne.s32 s2, $0x0  }
0x260: {  	s3 =	rddreg [dreg:$0x2];
	[bflag:$0x3] =	sbarrier.arrive $0xFFFF;
	s2 =	simm.s32 @!p0 $0x1C04  }
0x261: {  	[timem:s3], [sflag:s2] =	dma.local @!p0 [hbm:s0], s1  }
0x262: {  	s0 =	simm.s32 @!p0 $0x4  }
0x263: {  	_ =	swait.ge @!p0 [sflag:s0], s1  }
0x264: {  	s1 =	ssub.s32 @!p0 $0x0, s1;
	[sflag:s0] =	ssyncset.done @!p0 $0x0  }
0x265: {  	[sflag:s0] =	ssyncadd.s32 @!p0 s1  }
0x266: {  	[bflag:$0x3] =	sbarrier.arrive $0xFFFF  }
0x267: {  	_ =	shalt  }

// kernel: sparse-core-data-format-call.cloned.1.call-start
scs
called_computation_lowered:
.L_overlay_start_0:
0x0: {  	s2 =	sld [smem:$0x3FD9]  }
0x1: {  	s3 =	sld [smem:$0x3FFE];
	_ =	sdelay $0x1  }
0x2: {  	s1 =	srdreg.scid  }
0x3: {  	s0 =	sand.u32 $0x1, s1  }
0x4: {  	s18 =	sshll.u32 s0, $0xA;
	s2 =	sadd.s32 s3, s2  }
0x5: {  	s2 =	sadd.s32 s2, s18  }
0x6: {  	[smem:$0x3FBC] =	sst s2  }
0x7: {  	_ = 	snop  }
0x8: {  	s2 =	sld [smem:$0x3FD0];
	(tm) =	ssettm $0x1  }
0x9: {  	s19 =	sld [smem:$0x3FFB];
	_ =	sdelay $0x3  }
0xa: {  	_ =	strace s19  }
0xb: {  	s3 =	sld [smem:$0x3FFC];
	_ =	sdelay $0x3  }
0xc: {  	_ =	strace s3  }
0xd: {  	s3 =	sld [smem:$0x3FFD];
	_ =	sdelay $0x3  }
0xe: {  	_ =	strace s3  }
0xf: {  	_ =	strace $0x8FFFFFFF  }
0x10: {  	s20 =	sld [smem:$0x3FDB];
	_ =	sdelay $0x1  }
0x11: {  	s4 =	simm.s32 $_scs_section_size  }
0x12: {  	s5 =	simm.s32 $_size__tile_overlayer_lowered;
	s6 =	simm.s32 $_tile_overlayer_lowered  }
0x13: {  	s23 =	simm.s32 $0x1BFF;
	s22 =	sshll.u32 s6, $0x1;
	s3 =	sadd.s32 s4, s20  }
0x14: {  	s7 =	simm.s32 $0x0;
	s21 =	sshll.u32 s5, $0x1;
	s5 =	sadd.s32 s22, s3  }
0x15: {  	[timem:s7], [sflag:s23] =	dma.local [hbm:s5], s21  }
0x16: {  	_ =	swait.ge [sflag:s23], s21  }
0x17: {  	s4 =	ssub.s32 $0x0, s21;
	[sflag:s23] =	ssyncset.done $0x0  }
0x18: {  	[sflag:s23] =	ssyncadd.s32 s4;
	_ =	sdelay $0x1  }
0x19: {  	s24 =	simm.s32 $0x1B8B  }
0x1a: {  	_ =	swait.ge [sflag:s24], $0x1  }
0x1b: {  	[sflag:s24] =	ssyncset.done $0x0  }
0x1c: {  	s26 =	simm.s32 $0x1B8E;
	s25 =	sld [smem:$0x3FFE];
	[sflag:s24] =	ssyncadd.s32 $0xFFFFFFFF  }
0x1d: {  	s27 =	simm.s32 $execute0_lowered;
	[smem:$0x3FD2] =	sst s26  }
0x1e: {  	s5 =	sshll.u32 s27, $0x1;
	_ =	strace $0x80000049;
	[dreg:$0x1] =	wrdreg $0xFFFFFFFF  }
0x1f: {  	s28 =	simm.s32 $_size_execute0_lowered;
	s3 =	sadd.s32 s3, s5;
	[dreg:$0x0] =	wrdreg $0x0  }
0x20: {  	s5 =	sshll.u32 s28, $0x1;
	[dreg:$0x2] =	wrdreg s3  }
0x21: {  	[dreg:$0x3] =	wrdreg s5  }
0x22: {  	[dreg:$0x4] =	wrdreg $0xC0  }
0x23: {  	_ =	task [dreg:s7], $0x5FFFF  }
0x24: {  	[dreg:$0x1] =	wrdreg $0xFFFFFFFF  }
0x25: {  	[dreg:$0x0] =	wrdreg $0x60  }
0x26: {  	[dreg:$0x2] =	wrdreg s25  }
0x27: {  	[dreg:$0x3] =	wrdreg s2  }
0x28: {  	[dreg:$0x4] =	wrdreg $0x9  }
0x29: {  	_ =	task.clear_ibuf [dreg:s7], $0x5FFFF;
	_ =	strace $0x90000049  }
0x2a: {  	s29 =	simm.s32 $0x9;
	_ =	strace $0x8000004B  }
0x2b: {  	_ =	swait.ge [sflag:s29], $0x1  }
0x2c: {  	[sflag:s29] =	ssyncadd.s32 $0xFFFFFFFF  }
0x2d: {  	_ =	strace $0x9000004B  }
0x2e: {  	_ =	sfence  }
0x2f: {  	s30 =	sld [smem:$0x0];
	_ =	sdelay $0x2  }
0x30: {  	s31 =	sshll.u32 s1, $0xD;
	s1 =	sshrl.u32 s1, $0x2  }
0x31: {  	s3 =	sand.u32 $0x4000, s31;
	s1 =	sadd.s32 s1, s30  }
0x32: {  	s0 =	sor.u32 s3, s0;
	s1 =	sshll.u32 s1, $0x11  }
0x33: {  	s0 =	sor.u32 s1, s0  }
0x34: {  	s0 =	sadd.s32 $0x8F2B, s0  }
0x35: {  	[sflag:s0] =	ssyncadd.remote.s32 $0x1  }
0x36: {  	_ =	sfence.sel $0xFFFF  }
0x37: {  	[dreg:$0x0] =	wrdreg $0xFFFFFFFF;
	(pc) =	sbr.abs _section_cstart, $3  }
0x38: {  	[dreg:$0x1] =	wrdreg $0xFFFFFFFF  }
0x39: {  	_ =	task.clear_ibuf [dreg:s7], $0x2FFFF;
	_ =	strace $0x9FFFFFFF  }
0x3a: {  	(tm) =	ssettm $0x7FFFFFFF  }
0x3b: {  	_ =	shalt  }
tec
execute0_lowered:
.L_overlay_start_1:
0x0: {  	(tag) =	ssettag $0x1  }
0x1: {  	s0 =	srdreg.scid;
	s6 =	rddreg [dreg:$0x0]  }
0x2: {  	s3 =	rddreg [dreg:$0x1];
	s1 =	sshll.u32 s0, $0x4  }
0x3: {  	s5 =	simm.s32 $0x1;
	s0 =	stileid.u32;
	s1 =	sand.u32 $0x10, s1  }
0x4: {  	s31 =	simm.s32 $0x2;
	s16 =	simm.s32 $0x0;
	s1 =	sor.u32 s0, s1  }
0x5: {  	s8 =	simm.s32 $0x8000;
	s18 =	simm.s32 $0x0;
	s2 =	sshll.u32 s1, $0x7  }
0x6: {  	s17 =	simm.s32 $0x0;
	s9 =	simm.s32 $0x0;
	s4 =	ssub.s32 $0x1000, s2  }
0x7: {  	s10 =	simm.s32 $0x0;
	s11 =	simm.s32 $0x0;
	s30 =	sand.u32 $0xF80, s4  }
0x8: {  	s12 =	simm.s32 $0x0;
	s13 =	simm.s32 $0x0;
	p0 =	sne.s32 s30, $0x0  }
.Ltmp0:
0x9: {  	s7 =	sshrl.u32 s4, $0xC;
	s5 =	simm.s32 @!p0 $0x0;
	(pc) =	sbr.rel .LBB1_1-.Ltmp0, $4  }
0xa: {  	s15 =	simm.s32 $0x0;
	s1 =	rddreg [dreg:$0x2];
	s5 =	sadd.s32 s5, s7  }
0xb: {  	_ =	strace $0x8000004A;
	s4 =	simm.s32 $0x1;
	s5 =	smul.u32 $0x190, s5  }
0xc: {  	s6 =	sadd.s32 $0x28FE00, s6;
	s14 =	smov.u32 s2;
	[sflag:s4] =	ssyncpa.u1 $0x0  }
0xd: {  	[sflag:s31] =	ssyncpa.u1 $0x0;
	p0 =	por $0x0, $0x0;
	s7 =	sor.u32 $0x1, s5  }
.LBB1_4:
0xe: {  	s23 =	sshra.s32 s23, $0x2;
	s30 =	sshll.u32 s9, $0xC  }
0xf: {  	p1 =	sgt.s32 s10, $0xC7;
	s24 =	smov.u32 s10;
	s25 =	sshra.s32 s10, $0x1F  }
0x10: {  	s26 =	sshll.u32 s11, $0x3;
	s28 =	smov.u32 s11;
	s29 =	sshra.s32 s11, $0x1F  }
0x11: {  	s22 =	sadd.s32 s23, s22;
	s24 =	simm.s32 @!p1 $0xC7;
	s25 =	sand.u32 s25, s10  }
0x12: {  	s23 =	sand.u32 $0xFFFF8000, s30;
	s27 =	sand.u32 $0xFFFFFC00, s26;
	p1 =	sgt.s32 s9, $0x40  }
0x13: {  	s31 =	sand.u32 s29, s11;
	s29 =	sshll.u32 s9, $0x7;
	s30 =	sshra.s32 s9, $0x1F  }
0x14: {  	[tilespmem:s21+$0x2040 ss:$0x81] =	vst.msk $0xffff, v4;
	s24 =	ssub.s32 s24, s25;
	s23 =	sadd.s32 s27, s23;
	s27 =	smov.u32 s9  }
0x15: {  	[tilespmem:s21+$0x2850 ss:$0x81] =	vst.msk $0xffff, v3;
	s29 =	sand.u32 $0x380, s29;
	s25 =	sadd.s32 $0xFFFFFF39, s24;
	s27 =	simm.s32 @!p1 $0x40  }
0x16: {  	v5 =	vld [tilespmem:s20+$0xFFFFFFD0];
	[tilespmem:s21+$0x3060 ss:$0x81] =	vst.msk $0xffff, v2;
	p1 =	sgt.s32 s11, $0xF80;
	s23 =	sshrl.u32 s23, $0xC;
	s24 =	ssub.s32 $0xC8, s24  }
0x17: {  	v58 =	vld [tilespmem:s20+$0xFFFFFFE0];
	[tilespmem:s21+$0x0 ss:$0x81] =	vst.msk $0xffff, v1;
	s28 =	simm.s32 @!p1 $0xF80;
	p1 =	sgt.s32 s25, $0x0;
	s21 =	smulhi.u32 $0x1555556, s23  }
0x18: {  	v59 =	vld [tilespmem:s20+$0xFFFFFFF0];
	s25 =	ssub.s32 s28, s31;
	s28 =	sand.u32 s30, s9;
	s24 =	simm.s32 @p1 $0x0  }
0x19: {  	v60 =	vld [tilespmem:s20+$0x0];
	s27 =	ssub.s32 s27, s28;
	s31 =	sadd.s32 $0xFFFFF080, s25;
	s25 =	ssub.s32 $0x1000, s25  }
0x1a: {  	v61 =	vld [tilespmem:s20+$0x10];
	[tilespmem:s22+$0x3870 ss:$0x81] =	vst.msk $0xffff, v0;
	s21 =	smul.u32 $0xC0, s21;
	s28 =	sand.u32 $0x7, s11;
	p1 =	sgt.s32 s31, $0x7F  }
0x1b: {  	v62 =	vld [tilespmem:s20+$0x20];
	[tilespmem:s22+$0x810 ss:$0x81] =	vst.msk $0xffff, v5;
	s30 =	sadd.s32 $0xFFFFFFC0, s27;
	s31 =	sand.u32 $0x78, s11;
	s25 =	simm.s32 @p1 $0x0  }
0x1c: {  	v63 =	vld [tilespmem:s20+$0xFFFFFFC0];
	[tilespmem:s22+$0x1020 ss:$0x81] =	vst.msk $0xffff, v58;
	p1 =	sgt.s32 s30, $0x7F;
	s30 =	sand.u32 $0xC00, s26;
	s24 =	smul.u32 s25, s24  }
0x1d: {  	[tilespmem:s22+$0x1830 ss:$0x81] =	vst.msk $0xffff, v59;
	s26 =	ssub.s32 $0xC0, s27;
	s20 =	sor.u32 s31, s30;
	s31 =	smul.u32 $0x18000, s10  }
0x1e: {  	[tilespmem:s22+$0x2040 ss:$0x81] =	vst.msk $0xffff, v60;
	s21 =	ssub.s32 s23, s21;
	s26 =	simm.s32 @p1 $0x0;
	s20 =	sor.u32 s29, s20  }
0x1f: {  	[tilespmem:s22+$0x2850 ss:$0x81] =	vst.msk $0xffff, v61;
	s26 =	smul.u32 s26, s24;
	s20 =	sshrl.u32 s20, $0x3;
	s27 =	sadd.s32 s3, s31  }
0x20: {  	[tilespmem:s22+$0x3060 ss:$0x81] =	vst.msk $0xffff, v62;
	s21 =	sshll.u32 s21, $0x9;
	s29 =	sshll.u32 s28, $0x12;
	s20 =	sadd.s32 s20, s27  }
0x21: {  	[tilespmem:s22+$0x0 ss:$0x81] =	vst.msk $0xffff, v63;
	s31 =	sor.u32 $0x400, s29;
	s30 =	sand.u32 $0x3FFFFFFF, s26;
	s20 =	sadd.s32 s21, s20  }
0x22: {  	[hbm4b:s20+s31] =	stream.strided.scatter [tilespmem:s19], [sflag:$0x2], s30, s8, s31, $0x20;
	[tilespmem:$0x10100] =	vst v63  }
.LBB1_5:
0x23: {  	p1 =	slt.u32 s15, $0x2  }
0x24: {  	p2 =	sgt.s32 @!p1 s18, $0xC7  }
0x25: {  	s19 =	smov.u32 s18;
	s20 =	sshra.s32 @!p1 s18, $0x1F;
	p2 =	por !p2, p1  }
0x26: {  	s18 =	sand.u32 @!p1 s20, s18;
	s19 =	simm.s32 @p2 $0xC7  }
0x27: {  	p3 =	sgt.s32 @!p1 s16, $0x40;
	s18 =	ssub.s32 @!p1 s19, s18  }
0x28: {  	p4 =	sgt.s32 @!p1 s17, $0xF80;
	s21 =	sshra.s32 @!p1 s17, $0x1F;
	s19 =	sadd.s32 @!p1 $0xFFFFFF39, s18  }
0x29: {  	s20 =	smov.u32 s16;
	p2 =	sgt.s32 @!p1 s19, $0x0;
	s19 =	sshra.s32 @!p1 s16, $0x1F  }
0x2a: {  	p4 =	por !p4, p1;
	s16 =	sand.u32 @!p1 s19, s16;
	s19 =	smov.u32 s17  }
0x2b: {  	p3 =	por !p3, p1;
	s17 =	sand.u32 @!p1 s21, s17;
	s19 =	simm.s32 @p4 $0xF80  }
0x2c: {  	s20 =	simm.s32 @p3 $0x40;
	s18 =	ssub.s32 @!p1 $0xC8, s18;
	s17 =	ssub.s32 @!p1 s19, s17  }
0x2d: {  	p2 =	por !p2, p1;
	s16 =	ssub.s32 @!p1 s20, s16;
	s20 =	sadd.s32 @!p1 $0xFFFFF080, s17  }
0x2e: {  	s18 =	simm.s32 @!p2 $0x0;
	p3 =	sgt.s32 @!p1 s20, $0x7F  }
0x2f: {  	s19 =	sadd.s32 @!p1 $0xFFFFFFC0, s16;
	s17 =	ssub.s32 @!p1 $0x1000, s17;
	p3 =	por !p3, p1  }
0x30: {  	p2 =	sgt.s32 @!p1 s19, $0x7F;
	s19 =	sadd.s32 $0x80, s12;
	s17 =	simm.s32 @!p3 $0x0  }
0x31: {  	p3 =	sgt.s32 s19, $0xBF;
	s17 =	smul.u32 @!p1 s17, s18;
	s18 =	simm.s32 $0x1  }
0x32: {  	s16 =	ssub.s32 @!p1 $0xC0, s16;
	p2 =	por !p2, p1;
	s18 =	simm.s32 @!p3 $0x0  }
0x33: {  	s21 =	smov.u32 s14;
	s16 =	simm.s32 @!p2 $0x0;
	s20 =	sadd.s32 s18, s13  }
0x34: {  	s16 =	smul.u32 @!p1 s16, s17;
	s17 =	sadd.s32 $0x1000, s14;
	p2 =	sgt.s32 s20, $0xC7  }
0x35: {  	p0 =	por !p0, !p0;
	s22 =	simm.s32 @!p1 $0x2;
	s21 =	smov.u32 @p2 s17  }
0x36: {  	s19 =	simm.s32 @p3 $0x0;
	s20 =	simm.s32 @p2 $0x0;
	p2 =	sgt.s32 s21, $0xFFF  }
0x37: {  	s18 =	smov.u32 s10;
	s21 =	smov.u32 @p2 s2;
	p2 =	sne.s32 s15, s7  }
.Ltmp1:
0x38: {  	s10 =	smov.u32 s13;
	s16 =	sand.u32 @!p1 $0x3FFFFFFF, s16;
	(pc) =	sbr.rel @!p2 .LBB1_6-.Ltmp1, $4  }
0x39: {  	s17 =	smov.u32 s11;
	s11 =	smov.u32 s14;
	_ =	swait.ge @!p1 [sflag:s22], s16  }
0x3a: {  	s23 =	ssub.s32 @!p1 $0x0, s16;
	s16 =	smov.u32 s9;
	s9 =	smov.u32 s12  }
0x3b: {  	s12 =	smov.u32 s19;
	s13 =	smov.u32 s20;
	[sflag:s22] =	ssyncset.done @!p1 $0x0  }
0x3c: {  	s15 =	sadd.s32 $0x1, s15;
	[sflag:s22] =	ssyncadd.s32 @!p1 s23;
	s14 =	smov.u32 s21  }
.LBB1_1:
0x3d: {  	p1 =	sge.u32 s15, s5  }
0x3e: {  	s19 =	sshll.u32 @!p1 s13, $0x8;
	s20 =	sshll.u32 @!p1 s12, $0x3  }
0x3f: {  	s21 =	sshll.u32 @!p1 s13, $0x7;
	s19 =	sand.u32 @!p1 $0xFFFFF800, s19;
	s20 =	sand.u32 @!p1 $0xFFFFFC00, s20  }
0x40: {  	s19 =	sadd.s32 @!p1 s19, s20;
	s20 =	sand.u32 @!p1 $0x300, s21  }
0x41: {  	s19 =	sor.u32 @!p1 s20, s19  }
0x42: {  	s19 =	sshrl.u32 @!p1 s19, $0x8  }
0x43: {  	s31 =	sadd.s32 $0xFFFFFFFF, s15;
	s20 =	smulhi.u32 @!p1 $0x147AE15, s19  }
0x44: {  	s22 =	sxor.u32 @!p1 $0xFFFFFFFF, s15;
	s23 =	sand.u32 @!p1 $0x78, s12;
	s24 =	smul.u32 @!p1 $0x1900, s14  }
0x45: {  	s22 =	sshll.u32 @!p1 s22, $0xE;
	s21 =	sand.u32 @!p1 $0x80, s21;
	s20 =	smul.u32 @!p1 $0xC8, s20  }
0x46: {  	s22 =	sand.u32 @!p1 $0x4000, s22;
	s21 =	sor.u32 @!p1 s23, s21;
	s23 =	sand.u32 @!p1 $0x7, s12  }
0x47: {  	s19 =	ssub.s32 @!p1 s19, s20;
	s20 =	sshrl.u32 @!p1 s21, $0x3;
	s21 =	sadd.s32 @!p1 s6, s24  }
0x48: {  	s19 =	sshll.u32 @!p1 s19, $0x5;
	s20 =	sadd.s32 @!p1 s20, s21;
	s21 =	sshll.u32 @!p1 s23, $0x12  }
0x49: {  	s19 =	sadd.s32 @!p1 s19, s20;
	s20 =	sor.u32 @!p1 $0x80, s21;
	s21 =	simm.s32 @!p1 $0xC800  }
0x4a: {  	[tilespmem:s22], [sflag:$0x1] =	stream.strided.gather @!p1 [hbm4b:s19+s20], $0x4000, s21, s20, $0x38;
	[tilespmem:$0x10100] =	vst v63  }
0x4b: {  	p1 =	sge.u32 s31, s5  }
.Ltmp2:
0x4c: {  	_ = 	snop;
	(pc) =	sbr.rel @p1 .LBB1_5-.Ltmp2, $1  }
0x4d: {  	_ =	sdelay $0x3  }
0x4e: {  	s19 =	simm.s32 $0x1  }
0x4f: {  	_ =	swait.ge [sflag:s4], $0x4000;
	s19 =	simm.s32 @!p0 $0x0  }
0x50: {  	[sflag:s4] =	ssyncset.done $0x0;
	s20 =	sshll.u32 s19, $0xE  }
0x51: {  	[sflag:s4] =	ssyncadd.s32 $0xFFFFC000;
	s20 =	sor.u32 $0x40, s20  }
0x52: {  	s19 =	smul.u32 $0x10200, s19;
	v0 =	vld [tilespmem:s20+$0x30]  }
0x53: {  	v1 =	vld [tilespmem:s20+$0xFFFFFFD0]  }
0x54: {  	s19 =	sshrl.u32 s19, $0x2;
	v5 =	vld [tilespmem:s20+$0xFFFFFFE0]  }
0x55: {  	v6 =	vld [tilespmem:s20+$0xFFFFFFF0];
	s22 =	sor.u32 $0x8000, s19  }
0x56: {  	s31 =	sand.u32 $0x1, s15;
	v4 =	vld [tilespmem:s20+$0x0];
	s21 =	sadd.s32 $0x0, s22  }
0x57: {  	v3 =	vld [tilespmem:s20+$0x10];
	s19 =	smul.u32 $0x10200, s31;
	[tilespmem:s21+$0x3870 ss:$0x81] =	vst.msk $0xffff, v0  }
0x58: {  	v2 =	vld [tilespmem:s20+$0x20];
	[tilespmem:s21+$0x810 ss:$0x81] =	vst.msk $0xffff, v1  }
0x59: {  	s19 =	sshrl.u32 s19, $0x2;
	v1 =	vld [tilespmem:s20+$0xFFFFFFC0];
	[tilespmem:s21+$0x1020 ss:$0x81] =	vst.msk $0xffff, v5;
	s20 =	sadd.s32 $0x80, s20  }
0x5a: {  	s23 =	simm.s32 $0x4;
	s24 =	simm.s32 $0x8;
	s19 =	sor.u32 $0x8000, s19;
	[tilespmem:s21+$0x1830 ss:$0x81] =	vst.msk $0xffff, v6;
	v0 =	vld [tilespmem:s20+$0x30]  }
.LBB1_3:
0x5b: {  	p1 =	sne.s32 s24, $0x1FC;
	v5 =	vld [tilespmem:s20+$0xFFFFFFD0];
	[tilespmem:s21+$0x2040 ss:$0x81] =	vst.msk $0xffff, v4  }
0x5c: {  	v6 =	vld [tilespmem:s20+$0xFFFFFFE0];
	[tilespmem:s21+$0x2850 ss:$0x81] =	vst.msk $0xffff, v3  }
0x5d: {  	s25 =	sshra.s32 s23, $0x2;
	s23 =	smov.u32 s24;
	v7 =	vld [tilespmem:s20+$0xFFFFFFF0];
	[tilespmem:s21+$0x3060 ss:$0x81] =	vst.msk $0xffff, v2  }
.Ltmp3:
0x5e: {  	v4 =	vld [tilespmem:s20+$0x0];
	[tilespmem:s21+$0x0 ss:$0x81] =	vst.msk $0xffff, v1;
	s21 =	sadd.s32 s25, s22;
	(pc) =	sbr.rel @p1 .LBB1_3-.Ltmp3, $4  }
0x5f: {  	v3 =	vld [tilespmem:s20+$0x10];
	[tilespmem:s21+$0x3870 ss:$0x81] =	vst.msk $0xffff, v0  }
0x60: {  	[tilespmem:s21+$0x810 ss:$0x81] =	vst.msk $0xffff, v5;
	v2 =	vld [tilespmem:s20+$0x20]  }
0x61: {  	v1 =	vld [tilespmem:s20+$0xFFFFFFC0];
	[tilespmem:s21+$0x1020 ss:$0x81] =	vst.msk $0xffff, v6;
	s20 =	sadd.s32 $0x80, s20  }
0x62: {  	s24 =	sadd.s32 $0x4, s24;
	v0 =	vld [tilespmem:s20+$0x30];
	[tilespmem:s21+$0x1830 ss:$0x81] =	vst.msk $0xffff, v7  }
.Ltmp4:
0x63: {  	_ = 	snop;
	(pc) =	sbr.rel .LBB1_4-.Ltmp4, $1  }
0x64: {  	_ =	sdelay $0x3  }
.LBB1_6:
0x65: {  	_ =	sfence.sel $0x180000  }
0x66: {  	s2 =	simm.s32 $0x1;
	[bflag:$0x0] =	sbarrier.arrive $0xFFFF  }
0x67: {  	s31 =	simm.s32 $0x2;
	[sflag:s2] =	ssyncpa.u1 $0x1  }
0x68: {  	[sflag:s31] =	ssyncpa.u1 $0x1  }
0x69: {  	p0 =	sne.s32 s0, $0x0;
	_ =	strace $0x9000004A  }
0x6a: {  	s0 =	sadd.s32 @!p0 $0x100000, s1;
	[bflag:$0x2] =	sbarrier.arrive $0xFFFF  }
0x6b: {  	[sflag:s0] =	ssyncadd.tile.s32 @!p0 $0x1;
	_ =	shalt  }
.Lfunc_end1:
_tile_overlayer_lowered:
.L_overlay_start_2:
0x6c: {  	(tag) =	ssettag $0x2  }
0x6d: {  	s0 =	rddreg [dreg:$0x0];
	s2 =	stileid.u32  }
0x6e: {  	s1 =	rddreg [dreg:$0x1];
	p0 =	sne.s32 s2, $0x0  }
0x6f: {  	s3 =	rddreg [dreg:$0x2];
	[bflag:$0x3] =	sbarrier.arrive $0xFFFF;
	s2 =	simm.s32 @!p0 $0x1C01  }
0x70: {  	[timem:s3], [sflag:s2] =	dma.local @!p0 [hbm:s0], s1  }
0x71: {  	s0 =	simm.s32 @!p0 $0x1  }
0x72: {  	_ =	swait.ge @!p0 [sflag:s0], s1  }
0x73: {  	s1 =	ssub.s32 @!p0 $0x0, s1;
	[sflag:s0] =	ssyncset.done @!p0 $0x0  }
0x74: {  	[sflag:s0] =	ssyncadd.s32 @!p0 s1  }
0x75: {  	[bflag:$0x3] =	sbarrier.arrive $0xFFFF  }
0x76: {  	_ =	shalt  }

</sc_bundles>
